<compile_context>
chip_gen: v7x
topology: tpu7x:2x2x1
jax: 0.10.2.dev20260603
libtpu: 0.0.44.dev20260713+nightly
codegen_flags: <defaults>
</compile_context>

<pallas_src>
import functools

import jax
import jax.numpy as jnp
from jax.experimental import pallas as pl



def _fps_kernel(npoint, xyz_ref, out_ref):
    xt = xyz_ref[...]
    _, n, b = xt.shape
    iota = jax.lax.broadcasted_iota(jnp.int32, (n, b), 0)
    iota_col = jax.lax.broadcasted_iota(jnp.int32, (npoint, 1), 0)

    def body(i, state):
        dist, far = state
        out_ref[pl.ds(i, 1), :] = far
        mask = (iota == far).astype(jnp.float32)
        cx = jnp.sum(xt * mask[None], axis=1, keepdims=True)
        d = jnp.sum((xt - cx) ** 2, axis=0)
        dist = jnp.minimum(dist, d)
        m = jnp.max(dist, axis=0, keepdims=True)
        far = jnp.min(jnp.where(dist == m, iota, n), axis=0, keepdims=True)
        return dist, far

    dist0 = jnp.full((n, b), 1e10, dtype=jnp.float32)
    far0 = jnp.zeros((1, b), dtype=jnp.int32)
    jax.lax.fori_loop(0, npoint, body, (dist0, far0))


def _farthest_point_sample(xyz, npoint):
    B, N, _ = xyz.shape
    xt = jnp.transpose(xyz, (2, 1, 0))
    out = pl.pallas_call(
        functools.partial(_fps_kernel, npoint),
        grid=(1,),
        in_specs=[pl.BlockSpec((3, N, B), lambda i: (0, 0, 0))],
        out_specs=pl.BlockSpec((npoint, B), lambda i: (0, 0)),
        out_shape=jax.ShapeDtypeStruct((npoint, B), jnp.int32),
    )(xt)
    return out.T



def _mm_kernel(norm, x_ref, wt_ref, b_ref, mean_ref, inv_ref, gm_ref, bt_ref,
               y_ref, sum_ref, ssq_ref):
    x = x_ref[...]
    if norm:
        x = jnp.maximum((x - mean_ref[...]) * inv_ref[...] * gm_ref[...]
                        + bt_ref[...], 0.0)
    y = jnp.dot(x, wt_ref[...], preferred_element_type=jnp.float32)
    y = y + b_ref[...]
    y_ref[...] = y

    @pl.when(pl.program_id(0) == 0)
    def _():
        sum_ref[...] = jnp.zeros_like(sum_ref)
        ssq_ref[...] = jnp.zeros_like(ssq_ref)

    s = jnp.sum(y, axis=0, keepdims=True)
    q = jnp.sum(y * y, axis=0, keepdims=True)
    sum_ref[...] += jnp.broadcast_to(s, sum_ref.shape)
    ssq_ref[...] += jnp.broadcast_to(q, ssq_ref.shape)


def _mm_stats(x, wt, b, stats, norm):
    M, Cin = x.shape
    O = wt.shape[1]
    Mb = min(M, 1024)
    grid = M // Mb
    if stats is None:
        z = jnp.zeros((1, Cin), jnp.float32)
        mean_in, inv_in, gm_in, bt_in = z, z, z, z
    else:
        mean_in, inv_in, gm_in, bt_in = stats
    y, sums, ssqs = pl.pallas_call(
        functools.partial(_mm_kernel, norm),
        grid=(grid,),
        in_specs=[
            pl.BlockSpec((Mb, Cin), lambda i: (i, 0)),
            pl.BlockSpec((Cin, O), lambda i: (0, 0)),
            pl.BlockSpec((1, O), lambda i: (0, 0)),
            pl.BlockSpec((1, Cin), lambda i: (0, 0)),
            pl.BlockSpec((1, Cin), lambda i: (0, 0)),
            pl.BlockSpec((1, Cin), lambda i: (0, 0)),
            pl.BlockSpec((1, Cin), lambda i: (0, 0)),
        ],
        out_specs=(
            pl.BlockSpec((Mb, O), lambda i: (i, 0)),
            pl.BlockSpec((8, O), lambda i: (0, 0)),
            pl.BlockSpec((8, O), lambda i: (0, 0)),
        ),
        out_shape=(
            jax.ShapeDtypeStruct((M, O), jnp.float32),
            jax.ShapeDtypeStruct((8, O), jnp.float32),
            jax.ShapeDtypeStruct((8, O), jnp.float32),
        ),
    )(x, wt, b.reshape(1, O), mean_in, inv_in, gm_in, bt_in)
    mean = sums[0:1] / M
    var = ssqs[0:1] / M - mean * mean
    inv = jax.lax.rsqrt(var + 1e-5)
    return y, mean, inv



def _pool_kernel(x_ref, mean_ref, inv_ref, gm_ref, bt_ref, o_ref):
    x = x_ref[...]
    z = jnp.maximum((x - mean_ref[...][None]) * inv_ref[...][None]
                    * gm_ref[...][None] + bt_ref[...][None], 0.0)
    o_ref[...] = jnp.max(z, axis=1)


def _pool(y, mean, inv, gm, bt, BS, K):
    O = y.shape[-1]
    y3 = y.reshape(BS, K, O)
    R = max(1, min(BS, 4096 // K))
    while BS % R:
        R -= 1
    return pl.pallas_call(
        _pool_kernel,
        grid=(BS // R,),
        in_specs=[
            pl.BlockSpec((R, K, O), lambda i: (i, 0, 0)),
            pl.BlockSpec((1, O), lambda i: (0, 0)),
            pl.BlockSpec((1, O), lambda i: (0, 0)),
            pl.BlockSpec((1, O), lambda i: (0, 0)),
            pl.BlockSpec((1, O), lambda i: (0, 0)),
        ],
        out_specs=pl.BlockSpec((R, O), lambda i: (i, 0)),
        out_shape=jax.ShapeDtypeStruct((BS, O), jnp.float32),
    )(y3, mean, inv, gm.reshape(1, O), bt.reshape(1, O))


def _run_branch(g, convs):
    B, S, K, C = g.shape
    h = g.reshape(B * S * K, C)
    stats = None
    for li, (W, b, gm, bt) in enumerate(convs):
        h, mean, inv = _mm_stats(h, W.T, b, stats, norm=(li > 0))
        stats = (mean, inv, gm.reshape(1, -1), bt.reshape(1, -1))
    W, b, gm, bt = convs[-1]
    out = _pool(h, stats[0], stats[1], gm, bt, B * S, K)
    return out.reshape(B, S, -1)



def _index_points(points, idx):
    if idx.ndim == 2:
        return jnp.take_along_axis(points, idx[..., None], axis=1)
    B, S, K = idx.shape
    flat = idx.reshape(B, S * K)
    out = jnp.take_along_axis(points, flat[..., None], axis=1)
    return out.reshape(B, S, K, points.shape[-1])


def _query_ball_point(radius, nsample, xyz, new_xyz):
    B, N, _ = xyz.shape
    S = new_xyz.shape[1]
    sqrdists = jnp.sum(
        (new_xyz[:, :, None, :] - xyz[:, None, :, :]) ** 2, axis=-1)
    group_idx = jnp.broadcast_to(jnp.arange(N, dtype=jnp.int32), (B, S, N))
    group_idx = jnp.where(sqrdists > radius ** 2, N, group_idx)
    group_idx = jnp.sort(group_idx, axis=-1)[:, :, :nsample]
    group_first = jnp.broadcast_to(group_idx[:, :, :1], group_idx.shape)
    return jnp.where(group_idx == N, group_first, group_idx)


def _sa_msg(xyz, points, npoint, radius_list, nsample_list, branches):
    fps_idx = _farthest_point_sample(xyz, npoint)
    new_xyz = _index_points(xyz, fps_idx)
    outs = []
    for radius, K, convs in zip(radius_list, nsample_list, branches):
        gidx = _query_ball_point(radius, K, xyz, new_xyz)
        grouped_xyz = _index_points(xyz, gidx) - new_xyz[:, :, None, :]
        if points is not None:
            gp = _index_points(points, gidx)
            g = jnp.concatenate([gp, grouped_xyz], axis=-1)
        else:
            g = grouped_xyz
        outs.append(_run_branch(g, convs))
    return new_xyz, jnp.concatenate(outs, axis=-1)



def _fc_kernel(x_ref, wt_ref, b_ref, o_ref):
    y = jnp.dot(x_ref[...], wt_ref[...], preferred_element_type=jnp.float32)
    o_ref[...] = jnp.maximum(y + b_ref[...], 0.0)


def _fc_relu(x, W, b):
    M, Cin = x.shape
    O = W.shape[0]
    return pl.pallas_call(
        _fc_kernel,
        grid=(1,),
        in_specs=[
            pl.BlockSpec((M, Cin), lambda i: (0, 0)),
            pl.BlockSpec((Cin, O), lambda i: (0, 0)),
            pl.BlockSpec((1, O), lambda i: (0, 0)),
        ],
        out_specs=pl.BlockSpec((M, O), lambda i: (0, 0)),
        out_shape=jax.ShapeDtypeStruct((M, O), jnp.float32),
    )(x, W.T, b.reshape(1, O))


def kernel(points, normals, sa1_params, sa2_params, sa3_params, fc1_W, fc1_b):
    l1_xyz, l1_points = _sa_msg(points, normals, 512, [0.1, 0.2, 0.4],
                                [16, 32, 128], sa1_params)
    l2_xyz, l2_points = _sa_msg(l1_xyz, l1_points, 128, [0.2, 0.4, 0.8],
                                [32, 64, 128], sa2_params)
    B = l2_xyz.shape[0]
    g = jnp.concatenate([l2_xyz, l2_points], axis=-1)[:, None, :, :]
    x = _run_branch(g, sa3_params).reshape(B, -1)
    return _fc_relu(x, fc1_W, fc1_b)

# --- scband reference (transcript-rebuilt; emitter-appended) ---
"""Pipeline reference for scband-pointnet2-44109314130658 (READ-ONLY COPY).

The authoritative reference and input builder live on the scoring server;
editing this copy changes nothing except your own understanding.
"""

import jax, jax.numpy as jnp
import numpy as np


def square_distance(src, dst):
    return jnp.sum((src[:, :, None, :] - dst[:, None, :, :]) ** 2, axis=-1)


def index_points(points, idx):
    if idx.ndim == 2:
        return jnp.take_along_axis(points, idx[..., None], axis=1)
    B, S, K = idx.shape
    flat = idx.reshape(B, S * K)
    out = jnp.take_along_axis(points, flat[..., None], axis=1)
    return out.reshape(B, S, K, points.shape[-1])


def farthest_point_sample(xyz, npoint):
    B, N, _ = xyz.shape

    def body(i, state):
        centroids, distance, farthest = state
        centroids = centroids.at[:, i].set(farthest)
        centroid = jnp.take_along_axis(xyz, farthest[:, None, None], axis=1)
        dist = jnp.sum((xyz - centroid) ** 2, axis=-1)
        distance = jnp.minimum(distance, dist)
        farthest = jnp.argmax(distance, axis=-1).astype(jnp.int32)
        return (centroids, distance, farthest)

    centroids = jnp.zeros((B, npoint), dtype=jnp.int32)
    distance = jnp.full((B, N), 1e10, dtype=xyz.dtype)
    farthest = jnp.zeros((B,), dtype=jnp.int32)
    centroids, _, _ = jax.lax.fori_loop(0, npoint, body, (centroids, distance, farthest))
    return centroids


def query_ball_point(radius, nsample, xyz, new_xyz):
    B, N, _ = xyz.shape
    S = new_xyz.shape[1]
    sqrdists = square_distance(new_xyz, xyz)
    group_idx = jnp.broadcast_to(jnp.arange(N, dtype=jnp.int32), (B, S, N))
    group_idx = jnp.where(sqrdists > radius ** 2, N, group_idx)
    group_idx = jnp.sort(group_idx, axis=-1)[:, :, :nsample]
    group_first = jnp.broadcast_to(group_idx[:, :, :1], group_idx.shape)
    group_idx = jnp.where(group_idx == N, group_first, group_idx)
    return group_idx


def conv_bn_relu(x, W, b, gamma, beta):
    y = jnp.einsum('bskc,oc->bsko', x, W) + b
    mean = jnp.mean(y, axis=(0, 1, 2), keepdims=True)
    var = jnp.var(y, axis=(0, 1, 2), keepdims=True)
    y = (y - mean) / jnp.sqrt(var + 1e-5)
    y = y * gamma + beta
    return jax.nn.relu(y)


def sa_msg(xyz, points, npoint, radius_list, nsample_list, branches):
    xyz_sg = jax.lax.stop_gradient(xyz)
    fps_idx = farthest_point_sample(xyz_sg, npoint)
    new_xyz = index_points(xyz, fps_idx)
    new_xyz_sg = jax.lax.stop_gradient(new_xyz)
    outs = []
    for radius, K, convs in zip(radius_list, nsample_list, branches):
        gidx = query_ball_point(radius, K, xyz_sg, new_xyz_sg)
        grouped_xyz = index_points(xyz, gidx) - new_xyz[:, :, None, :]
        if points is not None:
            gp = index_points(points, gidx)
            g = jnp.concatenate([gp, grouped_xyz], axis=-1)
        else:
            g = grouped_xyz
        for (W, b, gm, bt) in convs:
            g = conv_bn_relu(g, W, b, gm, bt)
        outs.append(jnp.max(g, axis=2))
    return new_xyz, jnp.concatenate(outs, axis=-1)


def sa_group_all(xyz, points, convs):
    B = xyz.shape[0]
    g = jnp.concatenate([xyz, points], axis=-1)[:, None, :, :]
    for (W, b, gm, bt) in convs:
        g = conv_bn_relu(g, W, b, gm, bt)
    return jnp.max(g, axis=2).reshape(B, -1)


def setup_inputs(seed: int = 0):
    key = jax.random.key(seed)
    ks = jax.random.split(key, 8)
    B, N = 8, 1024
    points = jax.random.uniform(ks[0], (B, N, 3), dtype=jnp.float32)
    normals = jax.random.normal(ks[1], (B, N, 3), dtype=jnp.float32)

    def make_conv(k, cin, cout):
        W = jax.random.normal(k, (cout, cin), dtype=jnp.float32) * 0.1
        return [W, jnp.zeros((cout,), jnp.float32), jnp.ones((cout,), jnp.float32), jnp.zeros((cout,), jnp.float32)]

    def make_branch(k, cin, mlp):
        convs = []
        last = cin
        for i, c in enumerate(mlp):
            convs.append(make_conv(jax.random.fold_in(k, i), last, c))
            last = c
        return convs

    sa1_params = [make_branch(jax.random.fold_in(ks[2], i), 6, m) for i, m in enumerate([[32, 32, 64], [64, 64, 128], [64, 96, 128]])]
    sa2_params = [make_branch(jax.random.fold_in(ks[3], i), 323, m) for i, m in enumerate([[64, 64, 128], [128, 128, 256], [128, 128, 256]])]
    sa3_params = make_branch(ks[4], 643, [256, 512, 1024])
    fc1_W = jax.random.normal(ks[5], (512, 1024), dtype=jnp.float32) * 0.03
    fc1_b = jnp.zeros((512,), jnp.float32)
    return {"points": points, "normals": normals, "sa1_params": sa1_params, "sa2_params": sa2_params, "sa3_params": sa3_params, "fc1_W": fc1_W, "fc1_b": fc1_b}


def reference(points, normals, sa1_params, sa2_params, sa3_params, fc1_W, fc1_b):
    l1_xyz, l1_points = sa_msg(points, normals, 512, [0.1, 0.2, 0.4], [16, 32, 128], sa1_params)
    l2_xyz, l2_points = sa_msg(l1_xyz, l1_points, 128, [0.2, 0.4, 0.8], [32, 64, 128], sa2_params)
    x = sa_group_all(l2_xyz, l2_points, sa3_params)
    x = jax.nn.relu(x @ fc1_W.T + fc1_b)
    return x

if __name__ == "__main__":
    import jax
    _d = setup_inputs()
    print(jax.jit(kernel)(*tuple(_d.values())))

</pallas_src>

<mosaic_0001>
module attributes {stable_mosaic.version = 14 : i64} {
  func.func @_fps_kernel(%arg0: i32, %arg1: memref<3x1024x8xf32, #tpu.memory_space<vmem>>, %arg2: memref<512x8xi32, #tpu.memory_space<vmem>>) attributes {dimension_semantics = [#tpu.dimension_semantics<arbitrary>], iteration_bounds = array<i64: 1>, scalar_prefetch = 0 : i64, scratch_operands = 0 : i64, tpu.core_type = #tpu.core_type<tc>, window_params = [{pipeline_mode = #tpu.pipeline_mode<synchronous>, transform_indices = @transform_0, window_bounds = array<i64: 3, 1024, 8>}, {pipeline_mode = #tpu.pipeline_mode<synchronous>, transform_indices = @transform_1, window_bounds = array<i64: 512, 8>}]} {
    %get3A = arith.constant 0 : index
    %get3A_0 = arith.constant 0 : index
    %get3A_1 = arith.constant 0 : index
    %get3A_2 = vector.load %arg1[%get3A, %get3A_0, %get3A_1] : memref<3x1024x8xf32, #tpu.memory_space<vmem>>, vector<3x1024x8xf32>
    %iota3A = tpu.iota {dimensions = array<i32: 0>} : vector<1024x8xi32>
    %broadcast_in_dim3A = arith.constant 1.000000e+10 : f32
    %broadcast_in_dim3A_3 = vector.broadcast %broadcast_in_dim3A : f32 to vector<1024x8xf32>
    %broadcast_in_dim3A_4 = arith.constant 0 : i32
    %broadcast_in_dim3A_5 = vector.broadcast %broadcast_in_dim3A_4 : i32 to vector<1x8xi32>
    %scan3A = arith.constant 0 : i32
    %scan3A_6 = arith.constant 512 : i32
    %scan3A_7 = arith.addi %scan3A, %scan3A_6 : i32
    %scan3A_8 = arith.constant 1 : i32
    %scan3A_9:2 = scf.for %scan3A_11 = %scan3A to %scan3A_7 step %scan3A_8 iter_args(%scan3A_12 = %broadcast_in_dim3A_3, %scan3A_13 = %broadcast_in_dim3A_5) -> (vector<1024x8xf32>, vector<1x8xi32>)  : i32 {
      %swap3A = arith.index_cast %scan3A_11 : i32 to index
      %swap3A_14 = arith.constant 0 : index
      %swap3A_15 = vector.load %arg2[%swap3A, %swap3A_14] : memref<512x8xi32, #tpu.memory_space<vmem>>, vector<1x8xi32>
      tpu.vector_store %arg2[%swap3A, %swap3A_14], %scan3A_13 {strides = array<i32>} : memref<512x8xi32, #tpu.memory_space<vmem>>, vector<1x8xi32>,
      %eq3A = vector.broadcast %scan3A_13 : vector<1x8xi32> to vector<1024x8xi32>
      %eq3A_16 = arith.cmpi eq, %iota3A, %eq3A : vector<1024x8xi32>
      %convert_element_type3A = arith.extui %eq3A_16 : vector<1024x8xi1> to vector<1024x8xi32>
      %convert_element_type3A_17 = arith.sitofp %convert_element_type3A : vector<1024x8xi32> to vector<1024x8xf32>
      %broadcast_in_dim3A_18 = vector.shape_cast %convert_element_type3A_17 : vector<1024x8xf32> to vector<1x1024x8xf32>
      %mul3A = vector.broadcast %broadcast_in_dim3A_18 : vector<1x1024x8xf32> to vector<3x1024x8xf32>
      %mul3A_19 = arith.mulf %get3A_2, %mul3A : vector<3x1024x8xf32>
      %reduce_sum3A = arith.constant dense<0.000000e+00> : vector<3x8xf32>
      %reduce_sum3A_20 = vector.multi_reduction <add>, %mul3A_19, %reduce_sum3A [1] : vector<3x1024x8xf32> to vector<3x8xf32>
      %broadcast_in_dim3A_21 = vector.shape_cast %reduce_sum3A_20 : vector<3x8xf32> to vector<3x1x8xf32>
      %sub3A = vector.broadcast %broadcast_in_dim3A_21 : vector<3x1x8xf32> to vector<3x1024x8xf32>
      %sub3A_22 = arith.subf %get3A_2, %sub3A : vector<3x1024x8xf32>
      %integer_pow3A = arith.mulf %sub3A_22, %sub3A_22 : vector<3x1024x8xf32>
      %reduce_sum3A_23 = arith.constant dense<0.000000e+00> : vector<1024x8xf32>
      %reduce_sum3A_24 = vector.multi_reduction <add>, %integer_pow3A, %reduce_sum3A_23 [0] : vector<3x1024x8xf32> to vector<1024x8xf32>
      %min3A = arith.minimumf %scan3A_12, %reduce_sum3A_24 : vector<1024x8xf32>
      %reduce_max3A = arith.constant dense<0xFF800000> : vector<8xf32>
      %reduce_max3A_25 = vector.multi_reduction <maximumf>, %min3A, %reduce_max3A [0] : vector<1024x8xf32> to vector<8xf32>
      %broadcast_in_dim3A_26 = vector.shape_cast %reduce_max3A_25 : vector<8xf32> to vector<1x8xf32>
      %eq3A_27 = vector.broadcast %broadcast_in_dim3A_26 : vector<1x8xf32> to vector<1024x8xf32>
      %eq3A_28 = arith.cmpf oeq, %min3A, %eq3A_27 : vector<1024x8xf32>
      %jit3A = arith.constant 1024 : i32
      %broadcast_in_dim3A_29 = vector.broadcast %jit3A : i32 to vector<1024x8xi32>
      %select_n3A = arith.select %eq3A_28, %iota3A, %broadcast_in_dim3A_29 : vector<1024x8xi1>, vector<1024x8xi32>
      %reduce_min3A = arith.constant dense<2147483647> : vector<8xi32>
      %reduce_min3A_30 = vector.multi_reduction <minsi>, %select_n3A, %reduce_min3A [0] : vector<1024x8xi32> to vector<8xi32>
      %broadcast_in_dim3A_31 = vector.shape_cast %reduce_min3A_30 : vector<8xi32> to vector<1x8xi32>
      scf.yield %min3A, %broadcast_in_dim3A_31 : vector<1024x8xf32>, vector<1x8xi32>
    }
    %scan3A_10 = arith.constant 512 : i32
    return
  }
  func.func @transform_0(%arg0: i32) -> (i32, i32, i32) {
    %c0_i32 = arith.constant 0 : i32
    %c0_i32_0 = arith.constant 0 : i32
    %c0_i32_1 = arith.constant 0 : i32
    %c0_i32_2 = arith.constant 0 : i32
    return %c0_i32, %c0_i32_0, %c0_i32_1 : i32, i32, i32
  }
  func.func @transform_1(%arg0: i32) -> (i32, i32) {
    %c0_i32 = arith.constant 0 : i32
    %c0_i32_0 = arith.constant 0 : i32
    %c0_i32_1 = arith.constant 0 : i32
    return %c0_i32, %c0_i32_0 : i32, i32
  }
}

module attributes {stable_mosaic.version = 14 : i64} {
  func.func @_fps_kernel(%arg0: i32, %arg1: memref<3x512x8xf32, #tpu.memory_space<vmem>>, %arg2: memref<128x8xi32, #tpu.memory_space<vmem>>) attributes {dimension_semantics = [#tpu.dimension_semantics<arbitrary>], iteration_bounds = array<i64: 1>, scalar_prefetch = 0 : i64, scratch_operands = 0 : i64, tpu.core_type = #tpu.core_type<tc>, window_params = [{pipeline_mode = #tpu.pipeline_mode<synchronous>, transform_indices = @transform_0, window_bounds = array<i64: 3, 512, 8>}, {pipeline_mode = #tpu.pipeline_mode<synchronous>, transform_indices = @transform_1, window_bounds = array<i64: 128, 8>}]} {
    %get3A = arith.constant 0 : index
    %get3A_0 = arith.constant 0 : index
    %get3A_1 = arith.constant 0 : index
    %get3A_2 = vector.load %arg1[%get3A, %get3A_0, %get3A_1] : memref<3x512x8xf32, #tpu.memory_space<vmem>>, vector<3x512x8xf32>
    %iota3A = tpu.iota {dimensions = array<i32: 0>} : vector<512x8xi32>
    %broadcast_in_dim3A = arith.constant 1.000000e+10 : f32
    %broadcast_in_dim3A_3 = vector.broadcast %broadcast_in_dim3A : f32 to vector<512x8xf32>
    %broadcast_in_dim3A_4 = arith.constant 0 : i32
    %broadcast_in_dim3A_5 = vector.broadcast %broadcast_in_dim3A_4 : i32 to vector<1x8xi32>
    %scan3A = arith.constant 0 : i32
    %scan3A_6 = arith.constant 128 : i32
    %scan3A_7 = arith.addi %scan3A, %scan3A_6 : i32
    %scan3A_8 = arith.constant 1 : i32
    %scan3A_9:2 = scf.for %scan3A_11 = %scan3A to %scan3A_7 step %scan3A_8 iter_args(%scan3A_12 = %broadcast_in_dim3A_3, %scan3A_13 = %broadcast_in_dim3A_5) -> (vector<512x8xf32>, vector<1x8xi32>)  : i32 {
      %swap3A = arith.index_cast %scan3A_11 : i32 to index
      %swap3A_14 = arith.constant 0 : index
      %swap3A_15 = vector.load %arg2[%swap3A, %swap3A_14] : memref<128x8xi32, #tpu.memory_space<vmem>>, vector<1x8xi32>
      tpu.vector_store %arg2[%swap3A, %swap3A_14], %scan3A_13 {strides = array<i32>} : memref<128x8xi32, #tpu.memory_space<vmem>>, vector<1x8xi32>,
      %eq3A = vector.broadcast %scan3A_13 : vector<1x8xi32> to vector<512x8xi32>
      %eq3A_16 = arith.cmpi eq, %iota3A, %eq3A : vector<512x8xi32>
      %convert_element_type3A = arith.extui %eq3A_16 : vector<512x8xi1> to vector<512x8xi32>
      %convert_element_type3A_17 = arith.sitofp %convert_element_type3A : vector<512x8xi32> to vector<512x8xf32>
      %broadcast_in_dim3A_18 = vector.shape_cast %convert_element_type3A_17 : vector<512x8xf32> to vector<1x512x8xf32>
      %mul3A = vector.broadcast %broadcast_in_dim3A_18 : vector<1x512x8xf32> to vector<3x512x8xf32>
      %mul3A_19 = arith.mulf %get3A_2, %mul3A : vector<3x512x8xf32>
      %reduce_sum3A = arith.constant dense<0.000000e+00> : vector<3x8xf32>
      %reduce_sum3A_20 = vector.multi_reduction <add>, %mul3A_19, %reduce_sum3A [1] : vector<3x512x8xf32> to vector<3x8xf32>
      %broadcast_in_dim3A_21 = vector.shape_cast %reduce_sum3A_20 : vector<3x8xf32> to vector<3x1x8xf32>
      %sub3A = vector.broadcast %broadcast_in_dim3A_21 : vector<3x1x8xf32> to vector<3x512x8xf32>
      %sub3A_22 = arith.subf %get3A_2, %sub3A : vector<3x512x8xf32>
      %integer_pow3A = arith.mulf %sub3A_22, %sub3A_22 : vector<3x512x8xf32>
      %reduce_sum3A_23 = arith.constant dense<0.000000e+00> : vector<512x8xf32>
      %reduce_sum3A_24 = vector.multi_reduction <add>, %integer_pow3A, %reduce_sum3A_23 [0] : vector<3x512x8xf32> to vector<512x8xf32>
      %min3A = arith.minimumf %scan3A_12, %reduce_sum3A_24 : vector<512x8xf32>
      %reduce_max3A = arith.constant dense<0xFF800000> : vector<8xf32>
      %reduce_max3A_25 = vector.multi_reduction <maximumf>, %min3A, %reduce_max3A [0] : vector<512x8xf32> to vector<8xf32>
      %broadcast_in_dim3A_26 = vector.shape_cast %reduce_max3A_25 : vector<8xf32> to vector<1x8xf32>
      %eq3A_27 = vector.broadcast %broadcast_in_dim3A_26 : vector<1x8xf32> to vector<512x8xf32>
      %eq3A_28 = arith.cmpf oeq, %min3A, %eq3A_27 : vector<512x8xf32>
      %jit3A = arith.constant 512 : i32
      %broadcast_in_dim3A_29 = vector.broadcast %jit3A : i32 to vector<512x8xi32>
      %select_n3A = arith.select %eq3A_28, %iota3A, %broadcast_in_dim3A_29 : vector<512x8xi1>, vector<512x8xi32>
      %reduce_min3A = arith.constant dense<2147483647> : vector<8xi32>
      %reduce_min3A_30 = vector.multi_reduction <minsi>, %select_n3A, %reduce_min3A [0] : vector<512x8xi32> to vector<8xi32>
      %broadcast_in_dim3A_31 = vector.shape_cast %reduce_min3A_30 : vector<8xi32> to vector<1x8xi32>
      scf.yield %min3A, %broadcast_in_dim3A_31 : vector<512x8xf32>, vector<1x8xi32>
    }
    %scan3A_10 = arith.constant 128 : i32
    return
  }
  func.func @transform_0(%arg0: i32) -> (i32, i32, i32) {
    %c0_i32 = arith.constant 0 : i32
    %c0_i32_0 = arith.constant 0 : i32
    %c0_i32_1 = arith.constant 0 : i32
    %c0_i32_2 = arith.constant 0 : i32
    return %c0_i32, %c0_i32_0, %c0_i32_1 : i32, i32, i32
  }
  func.func @transform_1(%arg0: i32) -> (i32, i32) {
    %c0_i32 = arith.constant 0 : i32
    %c0_i32_0 = arith.constant 0 : i32
    %c0_i32_1 = arith.constant 0 : i32
    return %c0_i32, %c0_i32_0 : i32, i32
  }
}

module attributes {stable_mosaic.version = 14 : i64} {
  func.func @_mm_kernel(%arg0: i32, %arg1: memref<1024x6xf32, #tpu.memory_space<vmem>>, %arg2: memref<6x32xf32, #tpu.memory_space<vmem>>, %arg3: memref<1x32xf32, #tpu.memory_space<vmem>>, %arg4: memref<1x6xf32, #tpu.memory_space<vmem>>, %arg5: memref<1x6xf32, #tpu.memory_space<vmem>>, %arg6: memref<1x6xf32, #tpu.memory_space<vmem>>, %arg7: memref<1x6xf32, #tpu.memory_space<vmem>>, %arg8: memref<1024x32xf32, #tpu.memory_space<vmem>>, %arg9: memref<8x32xf32, #tpu.memory_space<vmem>>, %arg10: memref<8x32xf32, #tpu.memory_space<vmem>>) attributes {dimension_semantics = [#tpu.dimension_semantics<arbitrary>], iteration_bounds = array<i64: 64>, scalar_prefetch = 0 : i64, scratch_operands = 0 : i64, tpu.core_type = #tpu.core_type<tc>, window_params = [{transform_indices = @transform_0, window_bounds = array<i64: 1024, 6>}, {pipeline_mode = #tpu.pipeline_mode<synchronous>, transform_indices = @transform_1, window_bounds = array<i64: 6, 32>}, {pipeline_mode = #tpu.pipeline_mode<synchronous>, transform_indices = @transform_2, window_bounds = array<i64: 1, 32>}, {pipeline_mode = #tpu.pipeline_mode<synchronous>, transform_indices = @transform_3, window_bounds = array<i64: 1, 6>}, {pipeline_mode = #tpu.pipeline_mode<synchronous>, transform_indices = @transform_4, window_bounds = array<i64: 1, 6>}, {pipeline_mode = #tpu.pipeline_mode<synchronous>, transform_indices = @transform_5, window_bounds = array<i64: 1, 6>}, {pipeline_mode = #tpu.pipeline_mode<synchronous>, transform_indices = @transform_6, window_bounds = array<i64: 1, 6>}, {transform_indices = @transform_7, window_bounds = array<i64: 1024, 32>}, {pipeline_mode = #tpu.pipeline_mode<synchronous>, transform_indices = @transform_8, window_bounds = array<i64: 8, 32>}, {pipeline_mode = #tpu.pipeline_mode<synchronous>, transform_indices = @transform_9, window_bounds = array<i64: 8, 32>}]} {
    %get3A = arith.constant 0 : index
    %get3A_0 = arith.constant 0 : index
    %get3A_1 = vector.load %arg1[%get3A, %get3A_0] : memref<1024x6xf32, #tpu.memory_space<vmem>>, vector<1024x6xf32>
    %get3A_2 = arith.constant 0 : index
    %get3A_3 = arith.constant 0 : index
    %get3A_4 = vector.load %arg2[%get3A_2, %get3A_3] : memref<6x32xf32, #tpu.memory_space<vmem>>, vector<6x32xf32>
    %dot_general3A = arith.constant dense<0.000000e+00> : vector<1024x32xf32>
    %dot_general3A_5 = tpu.matmul %get3A_1, %get3A_4, %dot_general3A {dimension_numbers = #tpu.dot_dimension_numbers<[1], [0], [0], [1], [0, 0, 1, 1], [], []>, transpose_lhs_hint = false} : vector<1024x6xf32>, vector<6x32xf32>, vector<1024x32xf32> -> vector<1024x32xf32>
    %get3A_6 = arith.constant 0 : index
    %get3A_7 = arith.constant 0 : index
    %get3A_8 = vector.load %arg3[%get3A_6, %get3A_7] : memref<1x32xf32, #tpu.memory_space<vmem>>, vector<1x32xf32>
    %add3A = vector.broadcast %get3A_8 : vector<1x32xf32> to vector<1024x32xf32>
    %add3A_9 = arith.addf %dot_general3A_5, %add3A : vector<1024x32xf32>
    %swap3A = arith.constant 0 : index
    %swap3A_10 = arith.constant 0 : index
    %swap3A_11 = vector.load %arg8[%swap3A, %swap3A_10] : memref<1024x32xf32, #tpu.memory_space<vmem>>, vector<1024x32xf32>
    tpu.vector_store %arg8[%swap3A, %swap3A_10], %add3A_9 {strides = array<i32>} : memref<1024x32xf32, #tpu.memory_space<vmem>>, vector<1024x32xf32>,
    %eq3A = arith.constant 0 : i32
    %eq3A_12 = arith.cmpi eq, %arg0, %eq3A : i32
    %convert_element_type3A = arith.extui %eq3A_12 : i1 to i32
    %cond3A = arith.constant 0 : i32
    %cond3A_13 = arith.cmpi ne, %convert_element_type3A, %cond3A : i32
    scf.if %cond3A_13 {
      %broadcast_in_dim3A_36 = arith.constant 0.000000e+00 : f32
      %broadcast_in_dim3A_37 = vector.broadcast %broadcast_in_dim3A_36 : f32 to vector<8x32xf32>
      %swap3A_38 = arith.constant 0 : index
      %swap3A_39 = arith.constant 0 : index
      %swap3A_40 = vector.load %arg9[%swap3A_38, %swap3A_39] : memref<8x32xf32, #tpu.memory_space<vmem>>, vector<8x32xf32>
      tpu.vector_store %arg9[%swap3A_38, %swap3A_39], %broadcast_in_dim3A_37 {strides = array<i32>} : memref<8x32xf32, #tpu.memory_space<vmem>>, vector<8x32xf32>,
      %broadcast_in_dim3A_41 = arith.constant 0.000000e+00 : f32
      %broadcast_in_dim3A_42 = vector.broadcast %broadcast_in_dim3A_41 : f32 to vector<8x32xf32>
      %swap3A_43 = arith.constant 0 : index
      %swap3A_44 = arith.constant 0 : index
      %swap3A_45 = vector.load %arg10[%swap3A_43, %swap3A_44] : memref<8x32xf32, #tpu.memory_space<vmem>>, vector<8x32xf32>
      tpu.vector_store %arg10[%swap3A_43, %swap3A_44], %broadcast_in_dim3A_42 {strides = array<i32>} : memref<8x32xf32, #tpu.memory_space<vmem>>, vector<8x32xf32>,
    } else {
    }
    %reduce_sum3A = arith.constant dense<0.000000e+00> : vector<32xf32>
    %reduce_sum3A_14 = vector.multi_reduction <add>, %add3A_9, %reduce_sum3A [0] : vector<1024x32xf32> to vector<32xf32>
    %broadcast_in_dim3A = vector.shape_cast %reduce_sum3A_14 : vector<32xf32> to vector<1x32xf32>
    %mul3A = arith.mulf %add3A_9, %add3A_9 : vector<1024x32xf32>
    %reduce_sum3A_15 = arith.constant dense<0.000000e+00> : vector<32xf32>
    %reduce_sum3A_16 = vector.multi_reduction <add>, %mul3A, %reduce_sum3A_15 [0] : vector<1024x32xf32> to vector<32xf32>
    %broadcast_in_dim3A_17 = vector.shape_cast %reduce_sum3A_16 : vector<32xf32> to vector<1x32xf32>
    %get3A_18 = arith.constant 0 : index
    %get3A_19 = arith.constant 0 : index
    %get3A_20 = vector.load %arg9[%get3A_18, %get3A_19] : memref<8x32xf32, #tpu.memory_space<vmem>>, vector<8x32xf32>
    %broadcast_in_dim3A_21 = vector.shape_cast %broadcast_in_dim3A : vector<1x32xf32> to vector<1x32xf32>
    %broadcast_in_dim3A_22 = vector.broadcast %broadcast_in_dim3A_21 : vector<1x32xf32> to vector<8x32xf32>
    %add3A_23 = arith.addf %get3A_20, %broadcast_in_dim3A_22 : vector<8x32xf32>
    %swap3A_24 = arith.constant 0 : index
    %swap3A_25 = arith.constant 0 : index
    %swap3A_26 = vector.load %arg9[%swap3A_24, %swap3A_25] : memref<8x32xf32, #tpu.memory_space<vmem>>, vector<8x32xf32>
    tpu.vector_store %arg9[%swap3A_24, %swap3A_25], %add3A_23 {strides = array<i32>} : memref<8x32xf32, #tpu.memory_space<vmem>>, vector<8x32xf32>,
    %get3A_27 = arith.constant 0 : index
    %get3A_28 = arith.constant 0 : index
    %get3A_29 = vector.load %arg10[%get3A_27, %get3A_28] : memref<8x32xf32, #tpu.memory_space<vmem>>, vector<8x32xf32>
    %broadcast_in_dim3A_30 = vector.shape_cast %broadcast_in_dim3A_17 : vector<1x32xf32> to vector<1x32xf32>
    %broadcast_in_dim3A_31 = vector.broadcast %broadcast_in_dim3A_30 : vector<1x32xf32> to vector<8x32xf32>
    %add3A_32 = arith.addf %get3A_29, %broadcast_in_dim3A_31 : vector<8x32xf32>
    %swap3A_33 = arith.constant 0 : index
    %swap3A_34 = arith.constant 0 : index
    %swap3A_35 = vector.load %arg10[%swap3A_33, %swap3A_34] : memref<8x32xf32, #tpu.memory_space<vmem>>, vector<8x32xf32>
    tpu.vector_store %arg10[%swap3A_33, %swap3A_34], %add3A_32 {strides = array<i32>} : memref<8x32xf32, #tpu.memory_space<vmem>>, vector<8x32xf32>,
    return
  }
  func.func @transform_0(%arg0: i32) -> (i32, i32) {
    %c0_i32 = arith.constant 0 : i32
    %c0_i32_0 = arith.constant 0 : i32
    return %arg0, %c0_i32 : i32, i32
  }
  func.func @transform_1(%arg0: i32) -> (i32, i32) {
    %c0_i32 = arith.constant 0 : i32
    %c0_i32_0 = arith.constant 0 : i32
    %c0_i32_1 = arith.constant 0 : i32
    return %c0_i32, %c0_i32_0 : i32, i32
  }
  func.func @transform_2(%arg0: i32) -> (i32, i32) {
    %c0_i32 = arith.constant 0 : i32
    %c0_i32_0 = arith.constant 0 : i32
    %c0_i32_1 = arith.constant 0 : i32
    return %c0_i32, %c0_i32_0 : i32, i32
  }
  func.func @transform_3(%arg0: i32) -> (i32, i32) {
    %c0_i32 = arith.constant 0 : i32
    %c0_i32_0 = arith.constant 0 : i32
    %c0_i32_1 = arith.constant 0 : i32
    return %c0_i32, %c0_i32_0 : i32, i32
  }
  func.func @transform_4(%arg0: i32) -> (i32, i32) {
    %c0_i32 = arith.constant 0 : i32
    %c0_i32_0 = arith.constant 0 : i32
    %c0_i32_1 = arith.constant 0 : i32
    return %c0_i32, %c0_i32_0 : i32, i32
  }
  func.func @transform_5(%arg0: i32) -> (i32, i32) {
    %c0_i32 = arith.constant 0 : i32
    %c0_i32_0 = arith.constant 0 : i32
    %c0_i32_1 = arith.constant 0 : i32
    return %c0_i32, %c0_i32_0 : i32, i32
  }
  func.func @transform_6(%arg0: i32) -> (i32, i32) {
    %c0_i32 = arith.constant 0 : i32
    %c0_i32_0 = arith.constant 0 : i32
    %c0_i32_1 = arith.constant 0 : i32
    return %c0_i32, %c0_i32_0 : i32, i32
  }
  func.func @transform_7(%arg0: i32) -> (i32, i32) {
    %c0_i32 = arith.constant 0 : i32
    %c0_i32_0 = arith.constant 0 : i32
    return %arg0, %c0_i32 : i32, i32
  }
  func.func @transform_8(%arg0: i32) -> (i32, i32) {
    %c0_i32 = arith.constant 0 : i32
    %c0_i32_0 = arith.constant 0 : i32
    %c0_i32_1 = arith.constant 0 : i32
    return %c0_i32, %c0_i32_0 : i32, i32
  }
  func.func @transform_9(%arg0: i32) -> (i32, i32) {
    %c0_i32 = arith.constant 0 : i32
    %c0_i32_0 = arith.constant 0 : i32
    %c0_i32_1 = arith.constant 0 : i32
    return %c0_i32, %c0_i32_0 : i32, i32
  }
}

module attributes {stable_mosaic.version = 14 : i64} {
  func.func @_mm_kernel(%arg0: i32, %arg1: memref<1024x32xf32, #tpu.memory_space<vmem>>, %arg2: memref<32x32xf32, #tpu.memory_space<vmem>>, %arg3: memref<1x32xf32, #tpu.memory_space<vmem>>, %arg4: memref<1x32xf32, #tpu.memory_space<vmem>>, %arg5: memref<1x32xf32, #tpu.memory_space<vmem>>, %arg6: memref<1x32xf32, #tpu.memory_space<vmem>>, %arg7: memref<1x32xf32, #tpu.memory_space<vmem>>, %arg8: memref<1024x32xf32, #tpu.memory_space<vmem>>, %arg9: memref<8x32xf32, #tpu.memory_space<vmem>>, %arg10: memref<8x32xf32, #tpu.memory_space<vmem>>) attributes {dimension_semantics = [#tpu.dimension_semantics<arbitrary>], iteration_bounds = array<i64: 64>, scalar_prefetch = 0 : i64, scratch_operands = 0 : i64, tpu.core_type = #tpu.core_type<tc>, window_params = [{transform_indices = @transform_0, window_bounds = array<i64: 1024, 32>}, {pipeline_mode = #tpu.pipeline_mode<synchronous>, transform_indices = @transform_1, window_bounds = array<i64: 32, 32>}, {pipeline_mode = #tpu.pipeline_mode<synchronous>, transform_indices = @transform_2, window_bounds = array<i64: 1, 32>}, {pipeline_mode = #tpu.pipeline_mode<synchronous>, transform_indices = @transform_3, window_bounds = array<i64: 1, 32>}, {pipeline_mode = #tpu.pipeline_mode<synchronous>, transform_indices = @transform_4, window_bounds = array<i64: 1, 32>}, {pipeline_mode = #tpu.pipeline_mode<synchronous>, transform_indices = @transform_5, window_bounds = array<i64: 1, 32>}, {pipeline_mode = #tpu.pipeline_mode<synchronous>, transform_indices = @transform_6, window_bounds = array<i64: 1, 32>}, {transform_indices = @transform_7, window_bounds = array<i64: 1024, 32>}, {pipeline_mode = #tpu.pipeline_mode<synchronous>, transform_indices = @transform_8, window_bounds = array<i64: 8, 32>}, {pipeline_mode = #tpu.pipeline_mode<synchronous>, transform_indices = @transform_9, window_bounds = array<i64: 8, 32>}]} {
    %get3A = arith.constant 0 : index
    %get3A_0 = arith.constant 0 : index
    %get3A_1 = vector.load %arg1[%get3A, %get3A_0] : memref<1024x32xf32, #tpu.memory_space<vmem>>, vector<1024x32xf32>
    %get3A_2 = arith.constant 0 : index
    %get3A_3 = arith.constant 0 : index
    %get3A_4 = vector.load %arg4[%get3A_2, %get3A_3] : memref<1x32xf32, #tpu.memory_space<vmem>>, vector<1x32xf32>
    %sub3A = vector.broadcast %get3A_4 : vector<1x32xf32> to vector<1024x32xf32>
    %sub3A_5 = arith.subf %get3A_1, %sub3A : vector<1024x32xf32>
    %get3A_6 = arith.constant 0 : index
    %get3A_7 = arith.constant 0 : index
    %get3A_8 = vector.load %arg5[%get3A_6, %get3A_7] : memref<1x32xf32, #tpu.memory_space<vmem>>, vector<1x32xf32>
    %mul3A = vector.broadcast %get3A_8 : vector<1x32xf32> to vector<1024x32xf32>
    %mul3A_9 = arith.mulf %sub3A_5, %mul3A : vector<1024x32xf32>
    %get3A_10 = arith.constant 0 : index
    %get3A_11 = arith.constant 0 : index
    %get3A_12 = vector.load %arg6[%get3A_10, %get3A_11] : memref<1x32xf32, #tpu.memory_space<vmem>>, vector<1x32xf32>
    %mul3A_13 = vector.broadcast %get3A_12 : vector<1x32xf32> to vector<1024x32xf32>
    %mul3A_14 = arith.mulf %mul3A_9, %mul3A_13 : vector<1024x32xf32>
    %get3A_15 = arith.constant 0 : index
    %get3A_16 = arith.constant 0 : index
    %get3A_17 = vector.load %arg7[%get3A_15, %get3A_16] : memref<1x32xf32, #tpu.memory_space<vmem>>, vector<1x32xf32>
    %add3A = vector.broadcast %get3A_17 : vector<1x32xf32> to vector<1024x32xf32>
    %add3A_18 = arith.addf %mul3A_14, %add3A : vector<1024x32xf32>
    %max3A = arith.constant 0.000000e+00 : f32
    %max3A_19 = vector.broadcast %max3A : f32 to vector<1024x32xf32>
    %max3A_20 = arith.maximumf %add3A_18, %max3A_19 : vector<1024x32xf32>
    %get3A_21 = arith.constant 0 : index
    %get3A_22 = arith.constant 0 : index
    %get3A_23 = vector.load %arg2[%get3A_21, %get3A_22] : memref<32x32xf32, #tpu.memory_space<vmem>>, vector<32x32xf32>
    %dot_general3A = arith.constant dense<0.000000e+00> : vector<1024x32xf32>
    %dot_general3A_24 = tpu.matmul %max3A_20, %get3A_23, %dot_general3A {dimension_numbers = #tpu.dot_dimension_numbers<[1], [0], [0], [1], [0, 0, 1, 1], [], []>, transpose_lhs_hint = false} : vector<1024x32xf32>, vector<32x32xf32>, vector<1024x32xf32> -> vector<1024x32xf32>
    %get3A_25 = arith.constant 0 : index
    %get3A_26 = arith.constant 0 : index
    %get3A_27 = vector.load %arg3[%get3A_25, %get3A_26] : memref<1x32xf32, #tpu.memory_space<vmem>>, vector<1x32xf32>
    %add3A_28 = vector.broadcast %get3A_27 : vector<1x32xf32> to vector<1024x32xf32>
    %add3A_29 = arith.addf %dot_general3A_24, %add3A_28 : vector<1024x32xf32>
    %swap3A = arith.constant 0 : index
    %swap3A_30 = arith.constant 0 : index
    %swap3A_31 = vector.load %arg8[%swap3A, %swap3A_30] : memref<1024x32xf32, #tpu.memory_space<vmem>>, vector<1024x32xf32>
    tpu.vector_store %arg8[%swap3A, %swap3A_30], %add3A_29 {strides = array<i32>} : memref<1024x32xf32, #tpu.memory_space<vmem>>, vector<1024x32xf32>,
    %eq3A = arith.constant 0 : i32
    %eq3A_32 = arith.cmpi eq, %arg0, %eq3A : i32
    %convert_element_type3A = arith.extui %eq3A_32 : i1 to i32
    %cond3A = arith.constant 0 : i32
    %cond3A_33 = arith.cmpi ne, %convert_element_type3A, %cond3A : i32
    scf.if %cond3A_33 {
      %broadcast_in_dim3A_57 = arith.constant 0.000000e+00 : f32
      %broadcast_in_dim3A_58 = vector.broadcast %broadcast_in_dim3A_57 : f32 to vector<8x32xf32>
      %swap3A_59 = arith.constant 0 : index
      %swap3A_60 = arith.constant 0 : index
      %swap3A_61 = vector.load %arg9[%swap3A_59, %swap3A_60] : memref<8x32xf32, #tpu.memory_space<vmem>>, vector<8x32xf32>
      tpu.vector_store %arg9[%swap3A_59, %swap3A_60], %broadcast_in_dim3A_58 {strides = array<i32>} : memref<8x32xf32, #tpu.memory_space<vmem>>, vector<8x32xf32>,
      %broadcast_in_dim3A_62 = arith.constant 0.000000e+00 : f32
      %broadcast_in_dim3A_63 = vector.broadcast %broadcast_in_dim3A_62 : f32 to vector<8x32xf32>
      %swap3A_64 = arith.constant 0 : index
      %swap3A_65 = arith.constant 0 : index
      %swap3A_66 = vector.load %arg10[%swap3A_64, %swap3A_65] : memref<8x32xf32, #tpu.memory_space<vmem>>, vector<8x32xf32>
      tpu.vector_store %arg10[%swap3A_64, %swap3A_65], %broadcast_in_dim3A_63 {strides = array<i32>} : memref<8x32xf32, #tpu.memory_space<vmem>>, vector<8x32xf32>,
    } else {
    }
    %reduce_sum3A = arith.constant dense<0.000000e+00> : vector<32xf32>
    %reduce_sum3A_34 = vector.multi_reduction <add>, %add3A_29, %reduce_sum3A [0] : vector<1024x32xf32> to vector<32xf32>
    %broadcast_in_dim3A = vector.shape_cast %reduce_sum3A_34 : vector<32xf32> to vector<1x32xf32>
    %mul3A_35 = arith.mulf %add3A_29, %add3A_29 : vector<1024x32xf32>
    %reduce_sum3A_36 = arith.constant dense<0.000000e+00> : vector<32xf32>
    %reduce_sum3A_37 = vector.multi_reduction <add>, %mul3A_35, %reduce_sum3A_36 [0] : vector<1024x32xf32> to vector<32xf32>
    %broadcast_in_dim3A_38 = vector.shape_cast %reduce_sum3A_37 : vector<32xf32> to vector<1x32xf32>
    %get3A_39 = arith.constant 0 : index
    %get3A_40 = arith.constant 0 : index
    %get3A_41 = vector.load %arg9[%get3A_39, %get3A_40] : memref<8x32xf32, #tpu.memory_space<vmem>>, vector<8x32xf32>
    %broadcast_in_dim3A_42 = vector.shape_cast %broadcast_in_dim3A : vector<1x32xf32> to vector<1x32xf32>
    %broadcast_in_dim3A_43 = vector.broadcast %broadcast_in_dim3A_42 : vector<1x32xf32> to vector<8x32xf32>
    %add3A_44 = arith.addf %get3A_41, %broadcast_in_dim3A_43 : vector<8x32xf32>
    %swap3A_45 = arith.constant 0 : index
    %swap3A_46 = arith.constant 0 : index
    %swap3A_47 = vector.load %arg9[%swap3A_45, %swap3A_46] : memref<8x32xf32, #tpu.memory_space<vmem>>, vector<8x32xf32>
    tpu.vector_store %arg9[%swap3A_45, %swap3A_46], %add3A_44 {strides = array<i32>} : memref<8x32xf32, #tpu.memory_space<vmem>>, vector<8x32xf32>,
    %get3A_48 = arith.constant 0 : index
    %get3A_49 = arith.constant 0 : index
    %get3A_50 = vector.load %arg10[%get3A_48, %get3A_49] : memref<8x32xf32, #tpu.memory_space<vmem>>, vector<8x32xf32>
    %broadcast_in_dim3A_51 = vector.shape_cast %broadcast_in_dim3A_38 : vector<1x32xf32> to vector<1x32xf32>
    %broadcast_in_dim3A_52 = vector.broadcast %broadcast_in_dim3A_51 : vector<1x32xf32> to vector<8x32xf32>
    %add3A_53 = arith.addf %get3A_50, %broadcast_in_dim3A_52 : vector<8x32xf32>
    %swap3A_54 = arith.constant 0 : index
    %swap3A_55 = arith.constant 0 : index
    %swap3A_56 = vector.load %arg10[%swap3A_54, %swap3A_55] : memref<8x32xf32, #tpu.memory_space<vmem>>, vector<8x32xf32>
    tpu.vector_store %arg10[%swap3A_54, %swap3A_55], %add3A_53 {strides = array<i32>} : memref<8x32xf32, #tpu.memory_space<vmem>>, vector<8x32xf32>,
    return
  }
  func.func @transform_0(%arg0: i32) -> (i32, i32) {
    %c0_i32 = arith.constant 0 : i32
    %c0_i32_0 = arith.constant 0 : i32
    return %arg0, %c0_i32 : i32, i32
  }
  func.func @transform_1(%arg0: i32) -> (i32, i32) {
    %c0_i32 = arith.constant 0 : i32
    %c0_i32_0 = arith.constant 0 : i32
    %c0_i32_1 = arith.constant 0 : i32
    return %c0_i32, %c0_i32_0 : i32, i32
  }
  func.func @transform_2(%arg0: i32) -> (i32, i32) {
    %c0_i32 = arith.constant 0 : i32
    %c0_i32_0 = arith.constant 0 : i32
    %c0_i32_1 = arith.constant 0 : i32
    return %c0_i32, %c0_i32_0 : i32, i32
  }
  func.func @transform_3(%arg0: i32) -> (i32, i32) {
    %c0_i32 = arith.constant 0 : i32
    %c0_i32_0 = arith.constant 0 : i32
    %c0_i32_1 = arith.constant 0 : i32
    return %c0_i32, %c0_i32_0 : i32, i32
  }
  func.func @transform_4(%arg0: i32) -> (i32, i32) {
    %c0_i32 = arith.constant 0 : i32
    %c0_i32_0 = arith.constant 0 : i32
    %c0_i32_1 = arith.constant 0 : i32
    return %c0_i32, %c0_i32_0 : i32, i32
  }
  func.func @transform_5(%arg0: i32) -> (i32, i32) {
    %c0_i32 = arith.constant 0 : i32
    %c0_i32_0 = arith.constant 0 : i32
    %c0_i32_1 = arith.constant 0 : i32
    return %c0_i32, %c0_i32_0 : i32, i32
  }
  func.func @transform_6(%arg0: i32) -> (i32, i32) {
    %c0_i32 = arith.constant 0 : i32
    %c0_i32_0 = arith.constant 0 : i32
    %c0_i32_1 = arith.constant 0 : i32
    return %c0_i32, %c0_i32_0 : i32, i32
  }
  func.func @transform_7(%arg0: i32) -> (i32, i32) {
    %c0_i32 = arith.constant 0 : i32
    %c0_i32_0 = arith.constant 0 : i32
    return %arg0, %c0_i32 : i32, i32
  }
  func.func @transform_8(%arg0: i32) -> (i32, i32) {
    %c0_i32 = arith.constant 0 : i32
    %c0_i32_0 = arith.constant 0 : i32
    %c0_i32_1 = arith.constant 0 : i32
    return %c0_i32, %c0_i32_0 : i32, i32
  }
  func.func @transform_9(%arg0: i32) -> (i32, i32) {
    %c0_i32 = arith.constant 0 : i32
    %c0_i32_0 = arith.constant 0 : i32
    %c0_i32_1 = arith.constant 0 : i32
    return %c0_i32, %c0_i32_0 : i32, i32
  }
}

module attributes {stable_mosaic.version = 14 : i64} {
  func.func @_mm_kernel(%arg0: i32, %arg1: memref<1024x32xf32, #tpu.memory_space<vmem>>, %arg2: memref<32x64xf32, #tpu.memory_space<vmem>>, %arg3: memref<1x64xf32, #tpu.memory_space<vmem>>, %arg4: memref<1x32xf32, #tpu.memory_space<vmem>>, %arg5: memref<1x32xf32, #tpu.memory_space<vmem>>, %arg6: memref<1x32xf32, #tpu.memory_space<vmem>>, %arg7: memref<1x32xf32, #tpu.memory_space<vmem>>, %arg8: memref<1024x64xf32, #tpu.memory_space<vmem>>, %arg9: memref<8x64xf32, #tpu.memory_space<vmem>>, %arg10: memref<8x64xf32, #tpu.memory_space<vmem>>) attributes {dimension_semantics = [#tpu.dimension_semantics<arbitrary>], iteration_bounds = array<i64: 64>, scalar_prefetch = 0 : i64, scratch_operands = 0 : i64, tpu.core_type = #tpu.core_type<tc>, window_params = [{transform_indices = @transform_0, window_bounds = array<i64: 1024, 32>}, {pipeline_mode = #tpu.pipeline_mode<synchronous>, transform_indices = @transform_1, window_bounds = array<i64: 32, 64>}, {pipeline_mode = #tpu.pipeline_mode<synchronous>, transform_indices = @transform_2, window_bounds = array<i64: 1, 64>}, {pipeline_mode = #tpu.pipeline_mode<synchronous>, transform_indices = @transform_3, window_bounds = array<i64: 1, 32>}, {pipeline_mode = #tpu.pipeline_mode<synchronous>, transform_indices = @transform_4, window_bounds = array<i64: 1, 32>}, {pipeline_mode = #tpu.pipeline_mode<synchronous>, transform_indices = @transform_5, window_bounds = array<i64: 1, 32>}, {pipeline_mode = #tpu.pipeline_mode<synchronous>, transform_indices = @transform_6, window_bounds = array<i64: 1, 32>}, {transform_indices = @transform_7, window_bounds = array<i64: 1024, 64>}, {pipeline_mode = #tpu.pipeline_mode<synchronous>, transform_indices = @transform_8, window_bounds = array<i64: 8, 64>}, {pipeline_mode = #tpu.pipeline_mode<synchronous>, transform_indices = @transform_9, window_bounds = array<i64: 8, 64>}]} {
    %get3A = arith.constant 0 : index
    %get3A_0 = arith.constant 0 : index
    %get3A_1 = vector.load %arg1[%get3A, %get3A_0] : memref<1024x32xf32, #tpu.memory_space<vmem>>, vector<1024x32xf32>
    %get3A_2 = arith.constant 0 : index
    %get3A_3 = arith.constant 0 : index
    %get3A_4 = vector.load %arg4[%get3A_2, %get3A_3] : memref<1x32xf32, #tpu.memory_space<vmem>>, vector<1x32xf32>
    %sub3A = vector.broadcast %get3A_4 : vector<1x32xf32> to vector<1024x32xf32>
    %sub3A_5 = arith.subf %get3A_1, %sub3A : vector<1024x32xf32>
    %get3A_6 = arith.constant 0 : index
    %get3A_7 = arith.constant 0 : index
    %get3A_8 = vector.load %arg5[%get3A_6, %get3A_7] : memref<1x32xf32, #tpu.memory_space<vmem>>, vector<1x32xf32>
    %mul3A = vector.broadcast %get3A_8 : vector<1x32xf32> to vector<1024x32xf32>
    %mul3A_9 = arith.mulf %sub3A_5, %mul3A : vector<1024x32xf32>
    %get3A_10 = arith.constant 0 : index
    %get3A_11 = arith.constant 0 : index
    %get3A_12 = vector.load %arg6[%get3A_10, %get3A_11] : memref<1x32xf32, #tpu.memory_space<vmem>>, vector<1x32xf32>
    %mul3A_13 = vector.broadcast %get3A_12 : vector<1x32xf32> to vector<1024x32xf32>
    %mul3A_14 = arith.mulf %mul3A_9, %mul3A_13 : vector<1024x32xf32>
    %get3A_15 = arith.constant 0 : index
    %get3A_16 = arith.constant 0 : index
    %get3A_17 = vector.load %arg7[%get3A_15, %get3A_16] : memref<1x32xf32, #tpu.memory_space<vmem>>, vector<1x32xf32>
    %add3A = vector.broadcast %get3A_17 : vector<1x32xf32> to vector<1024x32xf32>
    %add3A_18 = arith.addf %mul3A_14, %add3A : vector<1024x32xf32>
    %max3A = arith.constant 0.000000e+00 : f32
    %max3A_19 = vector.broadcast %max3A : f32 to vector<1024x32xf32>
    %max3A_20 = arith.maximumf %add3A_18, %max3A_19 : vector<1024x32xf32>
    %get3A_21 = arith.constant 0 : index
    %get3A_22 = arith.constant 0 : index
    %get3A_23 = vector.load %arg2[%get3A_21, %get3A_22] : memref<32x64xf32, #tpu.memory_space<vmem>>, vector<32x64xf32>
    %dot_general3A = arith.constant dense<0.000000e+00> : vector<1024x64xf32>
    %dot_general3A_24 = tpu.matmul %max3A_20, %get3A_23, %dot_general3A {dimension_numbers = #tpu.dot_dimension_numbers<[1], [0], [0], [1], [0, 0, 1, 1], [], []>, transpose_lhs_hint = false} : vector<1024x32xf32>, vector<32x64xf32>, vector<1024x64xf32> -> vector<1024x64xf32>
    %get3A_25 = arith.constant 0 : index
    %get3A_26 = arith.constant 0 : index
    %get3A_27 = vector.load %arg3[%get3A_25, %get3A_26] : memref<1x64xf32, #tpu.memory_space<vmem>>, vector<1x64xf32>
    %add3A_28 = vector.broadcast %get3A_27 : vector<1x64xf32> to vector<1024x64xf32>
    %add3A_29 = arith.addf %dot_general3A_24, %add3A_28 : vector<1024x64xf32>
    %swap3A = arith.constant 0 : index
    %swap3A_30 = arith.constant 0 : index
    %swap3A_31 = vector.load %arg8[%swap3A, %swap3A_30] : memref<1024x64xf32, #tpu.memory_space<vmem>>, vector<1024x64xf32>
    tpu.vector_store %arg8[%swap3A, %swap3A_30], %add3A_29 {strides = array<i32>} : memref<1024x64xf32, #tpu.memory_space<vmem>>, vector<1024x64xf32>,
    %eq3A = arith.constant 0 : i32
    %eq3A_32 = arith.cmpi eq, %arg0, %eq3A : i32
    %convert_element_type3A = arith.extui %eq3A_32 : i1 to i32
    %cond3A = arith.constant 0 : i32
    %cond3A_33 = arith.cmpi ne, %convert_element_type3A, %cond3A : i32
    scf.if %cond3A_33 {
      %broadcast_in_dim3A_57 = arith.constant 0.000000e+00 : f32
      %broadcast_in_dim3A_58 = vector.broadcast %broadcast_in_dim3A_57 : f32 to vector<8x64xf32>
      %swap3A_59 = arith.constant 0 : index
      %swap3A_60 = arith.constant 0 : index
      %swap3A_61 = vector.load %arg9[%swap3A_59, %swap3A_60] : memref<8x64xf32, #tpu.memory_space<vmem>>, vector<8x64xf32>
      tpu.vector_store %arg9[%swap3A_59, %swap3A_60], %broadcast_in_dim3A_58 {strides = array<i32>} : memref<8x64xf32, #tpu.memory_space<vmem>>, vector<8x64xf32>,
      %broadcast_in_dim3A_62 = arith.constant 0.000000e+00 : f32
      %broadcast_in_dim3A_63 = vector.broadcast %broadcast_in_dim3A_62 : f32 to vector<8x64xf32>
      %swap3A_64 = arith.constant 0 : index
      %swap3A_65 = arith.constant 0 : index
      %swap3A_66 = vector.load %arg10[%swap3A_64, %swap3A_65] : memref<8x64xf32, #tpu.memory_space<vmem>>, vector<8x64xf32>
      tpu.vector_store %arg10[%swap3A_64, %swap3A_65], %broadcast_in_dim3A_63 {strides = array<i32>} : memref<8x64xf32, #tpu.memory_space<vmem>>, vector<8x64xf32>,
    } else {
    }
    %reduce_sum3A = arith.constant dense<0.000000e+00> : vector<64xf32>
    %reduce_sum3A_34 = vector.multi_reduction <add>, %add3A_29, %reduce_sum3A [0] : vector<1024x64xf32> to vector<64xf32>
    %broadcast_in_dim3A = vector.shape_cast %reduce_sum3A_34 : vector<64xf32> to vector<1x64xf32>
    %mul3A_35 = arith.mulf %add3A_29, %add3A_29 : vector<1024x64xf32>
    %reduce_sum3A_36 = arith.constant dense<0.000000e+00> : vector<64xf32>
    %reduce_sum3A_37 = vector.multi_reduction <add>, %mul3A_35, %reduce_sum3A_36 [0] : vector<1024x64xf32> to vector<64xf32>
    %broadcast_in_dim3A_38 = vector.shape_cast %reduce_sum3A_37 : vector<64xf32> to vector<1x64xf32>
    %get3A_39 = arith.constant 0 : index
    %get3A_40 = arith.constant 0 : index
    %get3A_41 = vector.load %arg9[%get3A_39, %get3A_40] : memref<8x64xf32, #tpu.memory_space<vmem>>, vector<8x64xf32>
    %broadcast_in_dim3A_42 = vector.shape_cast %broadcast_in_dim3A : vector<1x64xf32> to vector<1x64xf32>
    %broadcast_in_dim3A_43 = vector.broadcast %broadcast_in_dim3A_42 : vector<1x64xf32> to vector<8x64xf32>
    %add3A_44 = arith.addf %get3A_41, %broadcast_in_dim3A_43 : vector<8x64xf32>
    %swap3A_45 = arith.constant 0 : index
    %swap3A_46 = arith.constant 0 : index
    %swap3A_47 = vector.load %arg9[%swap3A_45, %swap3A_46] : memref<8x64xf32, #tpu.memory_space<vmem>>, vector<8x64xf32>
    tpu.vector_store %arg9[%swap3A_45, %swap3A_46], %add3A_44 {strides = array<i32>} : memref<8x64xf32, #tpu.memory_space<vmem>>, vector<8x64xf32>,
    %get3A_48 = arith.constant 0 : index
    %get3A_49 = arith.constant 0 : index
    %get3A_50 = vector.load %arg10[%get3A_48, %get3A_49] : memref<8x64xf32, #tpu.memory_space<vmem>>, vector<8x64xf32>
    %broadcast_in_dim3A_51 = vector.shape_cast %broadcast_in_dim3A_38 : vector<1x64xf32> to vector<1x64xf32>
    %broadcast_in_dim3A_52 = vector.broadcast %broadcast_in_dim3A_51 : vector<1x64xf32> to vector<8x64xf32>
    %add3A_53 = arith.addf %get3A_50, %broadcast_in_dim3A_52 : vector<8x64xf32>
    %swap3A_54 = arith.constant 0 : index
    %swap3A_55 = arith.constant 0 : index
    %swap3A_56 = vector.load %arg10[%swap3A_54, %swap3A_55] : memref<8x64xf32, #tpu.memory_space<vmem>>, vector<8x64xf32>
    tpu.vector_store %arg10[%swap3A_54, %swap3A_55], %add3A_53 {strides = array<i32>} : memref<8x64xf32, #tpu.memory_space<vmem>>, vector<8x64xf32>,
    return
  }
  func.func @transform_0(%arg0: i32) -> (i32, i32) {
    %c0_i32 = arith.constant 0 : i32
    %c0_i32_0 = arith.constant 0 : i32
    return %arg0, %c0_i32 : i32, i32
  }
  func.func @transform_1(%arg0: i32) -> (i32, i32) {
    %c0_i32 = arith.constant 0 : i32
    %c0_i32_0 = arith.constant 0 : i32
    %c0_i32_1 = arith.constant 0 : i32
    return %c0_i32, %c0_i32_0 : i32, i32
  }
  func.func @transform_2(%arg0: i32) -> (i32, i32) {
    %c0_i32 = arith.constant 0 : i32
    %c0_i32_0 = arith.constant 0 : i32
    %c0_i32_1 = arith.constant 0 : i32
    return %c0_i32, %c0_i32_0 : i32, i32
  }
  func.func @transform_3(%arg0: i32) -> (i32, i32) {
    %c0_i32 = arith.constant 0 : i32
    %c0_i32_0 = arith.constant 0 : i32
    %c0_i32_1 = arith.constant 0 : i32
    return %c0_i32, %c0_i32_0 : i32, i32
  }
  func.func @transform_4(%arg0: i32) -> (i32, i32) {
    %c0_i32 = arith.constant 0 : i32
    %c0_i32_0 = arith.constant 0 : i32
    %c0_i32_1 = arith.constant 0 : i32
    return %c0_i32, %c0_i32_0 : i32, i32
  }
  func.func @transform_5(%arg0: i32) -> (i32, i32) {
    %c0_i32 = arith.constant 0 : i32
    %c0_i32_0 = arith.constant 0 : i32
    %c0_i32_1 = arith.constant 0 : i32
    return %c0_i32, %c0_i32_0 : i32, i32
  }
  func.func @transform_6(%arg0: i32) -> (i32, i32) {
    %c0_i32 = arith.constant 0 : i32
    %c0_i32_0 = arith.constant 0 : i32
    %c0_i32_1 = arith.constant 0 : i32
    return %c0_i32, %c0_i32_0 : i32, i32
  }
  func.func @transform_7(%arg0: i32) -> (i32, i32) {
    %c0_i32 = arith.constant 0 : i32
    %c0_i32_0 = arith.constant 0 : i32
    return %arg0, %c0_i32 : i32, i32
  }
  func.func @transform_8(%arg0: i32) -> (i32, i32) {
    %c0_i32 = arith.constant 0 : i32
    %c0_i32_0 = arith.constant 0 : i32
    %c0_i32_1 = arith.constant 0 : i32
    return %c0_i32, %c0_i32_0 : i32, i32
  }
  func.func @transform_9(%arg0: i32) -> (i32, i32) {
    %c0_i32 = arith.constant 0 : i32
    %c0_i32_0 = arith.constant 0 : i32
    %c0_i32_1 = arith.constant 0 : i32
    return %c0_i32, %c0_i32_0 : i32, i32
  }
}

module attributes {stable_mosaic.version = 14 : i64} {
  func.func @_mm_kernel(%arg0: i32, %arg1: memref<1024x6xf32, #tpu.memory_space<vmem>>, %arg2: memref<6x64xf32, #tpu.memory_space<vmem>>, %arg3: memref<1x64xf32, #tpu.memory_space<vmem>>, %arg4: memref<1x6xf32, #tpu.memory_space<vmem>>, %arg5: memref<1x6xf32, #tpu.memory_space<vmem>>, %arg6: memref<1x6xf32, #tpu.memory_space<vmem>>, %arg7: memref<1x6xf32, #tpu.memory_space<vmem>>, %arg8: memref<1024x64xf32, #tpu.memory_space<vmem>>, %arg9: memref<8x64xf32, #tpu.memory_space<vmem>>, %arg10: memref<8x64xf32, #tpu.memory_space<vmem>>) attributes {dimension_semantics = [#tpu.dimension_semantics<arbitrary>], iteration_bounds = array<i64: 128>, scalar_prefetch = 0 : i64, scratch_operands = 0 : i64, tpu.core_type = #tpu.core_type<tc>, window_params = [{transform_indices = @transform_0, window_bounds = array<i64: 1024, 6>}, {pipeline_mode = #tpu.pipeline_mode<synchronous>, transform_indices = @transform_1, window_bounds = array<i64: 6, 64>}, {pipeline_mode = #tpu.pipeline_mode<synchronous>, transform_indices = @transform_2, window_bounds = array<i64: 1, 64>}, {pipeline_mode = #tpu.pipeline_mode<synchronous>, transform_indices = @transform_3, window_bounds = array<i64: 1, 6>}, {pipeline_mode = #tpu.pipeline_mode<synchronous>, transform_indices = @transform_4, window_bounds = array<i64: 1, 6>}, {pipeline_mode = #tpu.pipeline_mode<synchronous>, transform_indices = @transform_5, window_bounds = array<i64: 1, 6>}, {pipeline_mode = #tpu.pipeline_mode<synchronous>, transform_indices = @transform_6, window_bounds = array<i64: 1, 6>}, {transform_indices = @transform_7, window_bounds = array<i64: 1024, 64>}, {pipeline_mode = #tpu.pipeline_mode<synchronous>, transform_indices = @transform_8, window_bounds = array<i64: 8, 64>}, {pipeline_mode = #tpu.pipeline_mode<synchronous>, transform_indices = @transform_9, window_bounds = array<i64: 8, 64>}]} {
    %get3A = arith.constant 0 : index
    %get3A_0 = arith.constant 0 : index
    %get3A_1 = vector.load %arg1[%get3A, %get3A_0] : memref<1024x6xf32, #tpu.memory_space<vmem>>, vector<1024x6xf32>
    %get3A_2 = arith.constant 0 : index
    %get3A_3 = arith.constant 0 : index
    %get3A_4 = vector.load %arg2[%get3A_2, %get3A_3] : memref<6x64xf32, #tpu.memory_space<vmem>>, vector<6x64xf32>
    %dot_general3A = arith.constant dense<0.000000e+00> : vector<1024x64xf32>
    %dot_general3A_5 = tpu.matmul %get3A_1, %get3A_4, %dot_general3A {dimension_numbers = #tpu.dot_dimension_numbers<[1], [0], [0], [1], [0, 0, 1, 1], [], []>, transpose_lhs_hint = false} : vector<1024x6xf32>, vector<6x64xf32>, vector<1024x64xf32> -> vector<1024x64xf32>
    %get3A_6 = arith.constant 0 : index
    %get3A_7 = arith.constant 0 : index
    %get3A_8 = vector.load %arg3[%get3A_6, %get3A_7] : memref<1x64xf32, #tpu.memory_space<vmem>>, vector<1x64xf32>
    %add3A = vector.broadcast %get3A_8 : vector<1x64xf32> to vector<1024x64xf32>
    %add3A_9 = arith.addf %dot_general3A_5, %add3A : vector<1024x64xf32>
    %swap3A = arith.constant 0 : index
    %swap3A_10 = arith.constant 0 : index
    %swap3A_11 = vector.load %arg8[%swap3A, %swap3A_10] : memref<1024x64xf32, #tpu.memory_space<vmem>>, vector<1024x64xf32>
    tpu.vector_store %arg8[%swap3A, %swap3A_10], %add3A_9 {strides = array<i32>} : memref<1024x64xf32, #tpu.memory_space<vmem>>, vector<1024x64xf32>,
    %eq3A = arith.constant 0 : i32
    %eq3A_12 = arith.cmpi eq, %arg0, %eq3A : i32
    %convert_element_type3A = arith.extui %eq3A_12 : i1 to i32
    %cond3A = arith.constant 0 : i32
    %cond3A_13 = arith.cmpi ne, %convert_element_type3A, %cond3A : i32
    scf.if %cond3A_13 {
      %broadcast_in_dim3A_36 = arith.constant 0.000000e+00 : f32
      %broadcast_in_dim3A_37 = vector.broadcast %broadcast_in_dim3A_36 : f32 to vector<8x64xf32>
      %swap3A_38 = arith.constant 0 : index
      %swap3A_39 = arith.constant 0 : index
      %swap3A_40 = vector.load %arg9[%swap3A_38, %swap3A_39] : memref<8x64xf32, #tpu.memory_space<vmem>>, vector<8x64xf32>
      tpu.vector_store %arg9[%swap3A_38, %swap3A_39], %broadcast_in_dim3A_37 {strides = array<i32>} : memref<8x64xf32, #tpu.memory_space<vmem>>, vector<8x64xf32>,
      %broadcast_in_dim3A_41 = arith.constant 0.000000e+00 : f32
      %broadcast_in_dim3A_42 = vector.broadcast %broadcast_in_dim3A_41 : f32 to vector<8x64xf32>
      %swap3A_43 = arith.constant 0 : index
      %swap3A_44 = arith.constant 0 : index
      %swap3A_45 = vector.load %arg10[%swap3A_43, %swap3A_44] : memref<8x64xf32, #tpu.memory_space<vmem>>, vector<8x64xf32>
      tpu.vector_store %arg10[%swap3A_43, %swap3A_44], %broadcast_in_dim3A_42 {strides = array<i32>} : memref<8x64xf32, #tpu.memory_space<vmem>>, vector<8x64xf32>,
    } else {
    }
    %reduce_sum3A = arith.constant dense<0.000000e+00> : vector<64xf32>
    %reduce_sum3A_14 = vector.multi_reduction <add>, %add3A_9, %reduce_sum3A [0] : vector<1024x64xf32> to vector<64xf32>
    %broadcast_in_dim3A = vector.shape_cast %reduce_sum3A_14 : vector<64xf32> to vector<1x64xf32>
    %mul3A = arith.mulf %add3A_9, %add3A_9 : vector<1024x64xf32>
    %reduce_sum3A_15 = arith.constant dense<0.000000e+00> : vector<64xf32>
    %reduce_sum3A_16 = vector.multi_reduction <add>, %mul3A, %reduce_sum3A_15 [0] : vector<1024x64xf32> to vector<64xf32>
    %broadcast_in_dim3A_17 = vector.shape_cast %reduce_sum3A_16 : vector<64xf32> to vector<1x64xf32>
    %get3A_18 = arith.constant 0 : index
    %get3A_19 = arith.constant 0 : index
    %get3A_20 = vector.load %arg9[%get3A_18, %get3A_19] : memref<8x64xf32, #tpu.memory_space<vmem>>, vector<8x64xf32>
    %broadcast_in_dim3A_21 = vector.shape_cast %broadcast_in_dim3A : vector<1x64xf32> to vector<1x64xf32>
    %broadcast_in_dim3A_22 = vector.broadcast %broadcast_in_dim3A_21 : vector<1x64xf32> to vector<8x64xf32>
    %add3A_23 = arith.addf %get3A_20, %broadcast_in_dim3A_22 : vector<8x64xf32>
    %swap3A_24 = arith.constant 0 : index
    %swap3A_25 = arith.constant 0 : index
    %swap3A_26 = vector.load %arg9[%swap3A_24, %swap3A_25] : memref<8x64xf32, #tpu.memory_space<vmem>>, vector<8x64xf32>
    tpu.vector_store %arg9[%swap3A_24, %swap3A_25], %add3A_23 {strides = array<i32>} : memref<8x64xf32, #tpu.memory_space<vmem>>, vector<8x64xf32>,
    %get3A_27 = arith.constant 0 : index
    %get3A_28 = arith.constant 0 : index
    %get3A_29 = vector.load %arg10[%get3A_27, %get3A_28] : memref<8x64xf32, #tpu.memory_space<vmem>>, vector<8x64xf32>
    %broadcast_in_dim3A_30 = vector.shape_cast %broadcast_in_dim3A_17 : vector<1x64xf32> to vector<1x64xf32>
    %broadcast_in_dim3A_31 = vector.broadcast %broadcast_in_dim3A_30 : vector<1x64xf32> to vector<8x64xf32>
    %add3A_32 = arith.addf %get3A_29, %broadcast_in_dim3A_31 : vector<8x64xf32>
    %swap3A_33 = arith.constant 0 : index
    %swap3A_34 = arith.constant 0 : index
    %swap3A_35 = vector.load %arg10[%swap3A_33, %swap3A_34] : memref<8x64xf32, #tpu.memory_space<vmem>>, vector<8x64xf32>
    tpu.vector_store %arg10[%swap3A_33, %swap3A_34], %add3A_32 {strides = array<i32>} : memref<8x64xf32, #tpu.memory_space<vmem>>, vector<8x64xf32>,
    return
  }
  func.func @transform_0(%arg0: i32) -> (i32, i32) {
    %c0_i32 = arith.constant 0 : i32
    %c0_i32_0 = arith.constant 0 : i32
    return %arg0, %c0_i32 : i32, i32
  }
  func.func @transform_1(%arg0: i32) -> (i32, i32) {
    %c0_i32 = arith.constant 0 : i32
    %c0_i32_0 = arith.constant 0 : i32
    %c0_i32_1 = arith.constant 0 : i32
    return %c0_i32, %c0_i32_0 : i32, i32
  }
  func.func @transform_2(%arg0: i32) -> (i32, i32) {
    %c0_i32 = arith.constant 0 : i32
    %c0_i32_0 = arith.constant 0 : i32
    %c0_i32_1 = arith.constant 0 : i32
    return %c0_i32, %c0_i32_0 : i32, i32
  }
  func.func @transform_3(%arg0: i32) -> (i32, i32) {
    %c0_i32 = arith.constant 0 : i32
    %c0_i32_0 = arith.constant 0 : i32
    %c0_i32_1 = arith.constant 0 : i32
    return %c0_i32, %c0_i32_0 : i32, i32
  }
  func.func @transform_4(%arg0: i32) -> (i32, i32) {
    %c0_i32 = arith.constant 0 : i32
    %c0_i32_0 = arith.constant 0 : i32
    %c0_i32_1 = arith.constant 0 : i32
    return %c0_i32, %c0_i32_0 : i32, i32
  }
  func.func @transform_5(%arg0: i32) -> (i32, i32) {
    %c0_i32 = arith.constant 0 : i32
    %c0_i32_0 = arith.constant 0 : i32
    %c0_i32_1 = arith.constant 0 : i32
    return %c0_i32, %c0_i32_0 : i32, i32
  }
  func.func @transform_6(%arg0: i32) -> (i32, i32) {
    %c0_i32 = arith.constant 0 : i32
    %c0_i32_0 = arith.constant 0 : i32
    %c0_i32_1 = arith.constant 0 : i32
    return %c0_i32, %c0_i32_0 : i32, i32
  }
  func.func @transform_7(%arg0: i32) -> (i32, i32) {
    %c0_i32 = arith.constant 0 : i32
    %c0_i32_0 = arith.constant 0 : i32
    return %arg0, %c0_i32 : i32, i32
  }
  func.func @transform_8(%arg0: i32) -> (i32, i32) {
    %c0_i32 = arith.constant 0 : i32
    %c0_i32_0 = arith.constant 0 : i32
    %c0_i32_1 = arith.constant 0 : i32
    return %c0_i32, %c0_i32_0 : i32, i32
  }
  func.func @transform_9(%arg0: i32) -> (i32, i32) {
    %c0_i32 = arith.constant 0 : i32
    %c0_i32_0 = arith.constant 0 : i32
    %c0_i32_1 = arith.constant 0 : i32
    return %c0_i32, %c0_i32_0 : i32, i32
  }
}

module attributes {stable_mosaic.version = 14 : i64} {
  func.func @_mm_kernel(%arg0: i32, %arg1: memref<1024x64xf32, #tpu.memory_space<vmem>>, %arg2: memref<64x64xf32, #tpu.memory_space<vmem>>, %arg3: memref<1x64xf32, #tpu.memory_space<vmem>>, %arg4: memref<1x64xf32, #tpu.memory_space<vmem>>, %arg5: memref<1x64xf32, #tpu.memory_space<vmem>>, %arg6: memref<1x64xf32, #tpu.memory_space<vmem>>, %arg7: memref<1x64xf32, #tpu.memory_space<vmem>>, %arg8: memref<1024x64xf32, #tpu.memory_space<vmem>>, %arg9: memref<8x64xf32, #tpu.memory_space<vmem>>, %arg10: memref<8x64xf32, #tpu.memory_space<vmem>>) attributes {dimension_semantics = [#tpu.dimension_semantics<arbitrary>], iteration_bounds = array<i64: 128>, scalar_prefetch = 0 : i64, scratch_operands = 0 : i64, tpu.core_type = #tpu.core_type<tc>, window_params = [{transform_indices = @transform_0, window_bounds = array<i64: 1024, 64>}, {pipeline_mode = #tpu.pipeline_mode<synchronous>, transform_indices = @transform_1, window_bounds = array<i64: 64, 64>}, {pipeline_mode = #tpu.pipeline_mode<synchronous>, transform_indices = @transform_2, window_bounds = array<i64: 1, 64>}, {pipeline_mode = #tpu.pipeline_mode<synchronous>, transform_indices = @transform_3, window_bounds = array<i64: 1, 64>}, {pipeline_mode = #tpu.pipeline_mode<synchronous>, transform_indices = @transform_4, window_bounds = array<i64: 1, 64>}, {pipeline_mode = #tpu.pipeline_mode<synchronous>, transform_indices = @transform_5, window_bounds = array<i64: 1, 64>}, {pipeline_mode = #tpu.pipeline_mode<synchronous>, transform_indices = @transform_6, window_bounds = array<i64: 1, 64>}, {transform_indices = @transform_7, window_bounds = array<i64: 1024, 64>}, {pipeline_mode = #tpu.pipeline_mode<synchronous>, transform_indices = @transform_8, window_bounds = array<i64: 8, 64>}, {pipeline_mode = #tpu.pipeline_mode<synchronous>, transform_indices = @transform_9, window_bounds = array<i64: 8, 64>}]} {
    %get3A = arith.constant 0 : index
    %get3A_0 = arith.constant 0 : index
    %get3A_1 = vector.load %arg1[%get3A, %get3A_0] : memref<1024x64xf32, #tpu.memory_space<vmem>>, vector<1024x64xf32>
    %get3A_2 = arith.constant 0 : index
    %get3A_3 = arith.constant 0 : index
    %get3A_4 = vector.load %arg4[%get3A_2, %get3A_3] : memref<1x64xf32, #tpu.memory_space<vmem>>, vector<1x64xf32>
    %sub3A = vector.broadcast %get3A_4 : vector<1x64xf32> to vector<1024x64xf32>
    %sub3A_5 = arith.subf %get3A_1, %sub3A : vector<1024x64xf32>
    %get3A_6 = arith.constant 0 : index
    %get3A_7 = arith.constant 0 : index
    %get3A_8 = vector.load %arg5[%get3A_6, %get3A_7] : memref<1x64xf32, #tpu.memory_space<vmem>>, vector<1x64xf32>
    %mul3A = vector.broadcast %get3A_8 : vector<1x64xf32> to vector<1024x64xf32>
    %mul3A_9 = arith.mulf %sub3A_5, %mul3A : vector<1024x64xf32>
    %get3A_10 = arith.constant 0 : index
    %get3A_11 = arith.constant 0 : index
    %get3A_12 = vector.load %arg6[%get3A_10, %get3A_11] : memref<1x64xf32, #tpu.memory_space<vmem>>, vector<1x64xf32>
    %mul3A_13 = vector.broadcast %get3A_12 : vector<1x64xf32> to vector<1024x64xf32>
    %mul3A_14 = arith.mulf %mul3A_9, %mul3A_13 : vector<1024x64xf32>
    %get3A_15 = arith.constant 0 : index
    %get3A_16 = arith.constant 0 : index
    %get3A_17 = vector.load %arg7[%get3A_15, %get3A_16] : memref<1x64xf32, #tpu.memory_space<vmem>>, vector<1x64xf32>
    %add3A = vector.broadcast %get3A_17 : vector<1x64xf32> to vector<1024x64xf32>
    %add3A_18 = arith.addf %mul3A_14, %add3A : vector<1024x64xf32>
    %max3A = arith.constant 0.000000e+00 : f32
    %max3A_19 = vector.broadcast %max3A : f32 to vector<1024x64xf32>
    %max3A_20 = arith.maximumf %add3A_18, %max3A_19 : vector<1024x64xf32>
    %get3A_21 = arith.constant 0 : index
    %get3A_22 = arith.constant 0 : index
    %get3A_23 = vector.load %arg2[%get3A_21, %get3A_22] : memref<64x64xf32, #tpu.memory_space<vmem>>, vector<64x64xf32>
    %dot_general3A = arith.constant dense<0.000000e+00> : vector<1024x64xf32>
    %dot_general3A_24 = tpu.matmul %max3A_20, %get3A_23, %dot_general3A {dimension_numbers = #tpu.dot_dimension_numbers<[1], [0], [0], [1], [0, 0, 1, 1], [], []>, transpose_lhs_hint = false} : vector<1024x64xf32>, vector<64x64xf32>, vector<1024x64xf32> -> vector<1024x64xf32>
    %get3A_25 = arith.constant 0 : index
    %get3A_26 = arith.constant 0 : index
    %get3A_27 = vector.load %arg3[%get3A_25, %get3A_26] : memref<1x64xf32, #tpu.memory_space<vmem>>, vector<1x64xf32>
    %add3A_28 = vector.broadcast %get3A_27 : vector<1x64xf32> to vector<1024x64xf32>
    %add3A_29 = arith.addf %dot_general3A_24, %add3A_28 : vector<1024x64xf32>
    %swap3A = arith.constant 0 : index
    %swap3A_30 = arith.constant 0 : index
    %swap3A_31 = vector.load %arg8[%swap3A, %swap3A_30] : memref<1024x64xf32, #tpu.memory_space<vmem>>, vector<1024x64xf32>
    tpu.vector_store %arg8[%swap3A, %swap3A_30], %add3A_29 {strides = array<i32>} : memref<1024x64xf32, #tpu.memory_space<vmem>>, vector<1024x64xf32>,
    %eq3A = arith.constant 0 : i32
    %eq3A_32 = arith.cmpi eq, %arg0, %eq3A : i32
    %convert_element_type3A = arith.extui %eq3A_32 : i1 to i32
    %cond3A = arith.constant 0 : i32
    %cond3A_33 = arith.cmpi ne, %convert_element_type3A, %cond3A : i32
    scf.if %cond3A_33 {
      %broadcast_in_dim3A_57 = arith.constant 0.000000e+00 : f32
      %broadcast_in_dim3A_58 = vector.broadcast %broadcast_in_dim3A_57 : f32 to vector<8x64xf32>
      %swap3A_59 = arith.constant 0 : index
      %swap3A_60 = arith.constant 0 : index
      %swap3A_61 = vector.load %arg9[%swap3A_59, %swap3A_60] : memref<8x64xf32, #tpu.memory_space<vmem>>, vector<8x64xf32>
      tpu.vector_store %arg9[%swap3A_59, %swap3A_60], %broadcast_in_dim3A_58 {strides = array<i32>} : memref<8x64xf32, #tpu.memory_space<vmem>>, vector<8x64xf32>,
      %broadcast_in_dim3A_62 = arith.constant 0.000000e+00 : f32
      %broadcast_in_dim3A_63 = vector.broadcast %broadcast_in_dim3A_62 : f32 to vector<8x64xf32>
      %swap3A_64 = arith.constant 0 : index
      %swap3A_65 = arith.constant 0 : index
      %swap3A_66 = vector.load %arg10[%swap3A_64, %swap3A_65] : memref<8x64xf32, #tpu.memory_space<vmem>>, vector<8x64xf32>
      tpu.vector_store %arg10[%swap3A_64, %swap3A_65], %broadcast_in_dim3A_63 {strides = array<i32>} : memref<8x64xf32, #tpu.memory_space<vmem>>, vector<8x64xf32>,
    } else {
    }
    %reduce_sum3A = arith.constant dense<0.000000e+00> : vector<64xf32>
    %reduce_sum3A_34 = vector.multi_reduction <add>, %add3A_29, %reduce_sum3A [0] : vector<1024x64xf32> to vector<64xf32>
    %broadcast_in_dim3A = vector.shape_cast %reduce_sum3A_34 : vector<64xf32> to vector<1x64xf32>
    %mul3A_35 = arith.mulf %add3A_29, %add3A_29 : vector<1024x64xf32>
    %reduce_sum3A_36 = arith.constant dense<0.000000e+00> : vector<64xf32>
    %reduce_sum3A_37 = vector.multi_reduction <add>, %mul3A_35, %reduce_sum3A_36 [0] : vector<1024x64xf32> to vector<64xf32>
    %broadcast_in_dim3A_38 = vector.shape_cast %reduce_sum3A_37 : vector<64xf32> to vector<1x64xf32>
    %get3A_39 = arith.constant 0 : index
    %get3A_40 = arith.constant 0 : index
    %get3A_41 = vector.load %arg9[%get3A_39, %get3A_40] : memref<8x64xf32, #tpu.memory_space<vmem>>, vector<8x64xf32>
    %broadcast_in_dim3A_42 = vector.shape_cast %broadcast_in_dim3A : vector<1x64xf32> to vector<1x64xf32>
    %broadcast_in_dim3A_43 = vector.broadcast %broadcast_in_dim3A_42 : vector<1x64xf32> to vector<8x64xf32>
    %add3A_44 = arith.addf %get3A_41, %broadcast_in_dim3A_43 : vector<8x64xf32>
    %swap3A_45 = arith.constant 0 : index
    %swap3A_46 = arith.constant 0 : index
    %swap3A_47 = vector.load %arg9[%swap3A_45, %swap3A_46] : memref<8x64xf32, #tpu.memory_space<vmem>>, vector<8x64xf32>
    tpu.vector_store %arg9[%swap3A_45, %swap3A_46], %add3A_44 {strides = array<i32>} : memref<8x64xf32, #tpu.memory_space<vmem>>, vector<8x64xf32>,
    %get3A_48 = arith.constant 0 : index
    %get3A_49 = arith.constant 0 : index
    %get3A_50 = vector.load %arg10[%get3A_48, %get3A_49] : memref<8x64xf32, #tpu.memory_space<vmem>>, vector<8x64xf32>
    %broadcast_in_dim3A_51 = vector.shape_cast %broadcast_in_dim3A_38 : vector<1x64xf32> to vector<1x64xf32>
    %broadcast_in_dim3A_52 = vector.broadcast %broadcast_in_dim3A_51 : vector<1x64xf32> to vector<8x64xf32>
    %add3A_53 = arith.addf %get3A_50, %broadcast_in_dim3A_52 : vector<8x64xf32>
    %swap3A_54 = arith.constant 0 : index
    %swap3A_55 = arith.constant 0 : index
    %swap3A_56 = vector.load %arg10[%swap3A_54, %swap3A_55] : memref<8x64xf32, #tpu.memory_space<vmem>>, vector<8x64xf32>
    tpu.vector_store %arg10[%swap3A_54, %swap3A_55], %add3A_53 {strides = array<i32>} : memref<8x64xf32, #tpu.memory_space<vmem>>, vector<8x64xf32>,
    return
  }
  func.func @transform_0(%arg0: i32) -> (i32, i32) {
    %c0_i32 = arith.constant 0 : i32
    %c0_i32_0 = arith.constant 0 : i32
    return %arg0, %c0_i32 : i32, i32
  }
  func.func @transform_1(%arg0: i32) -> (i32, i32) {
    %c0_i32 = arith.constant 0 : i32
    %c0_i32_0 = arith.constant 0 : i32
    %c0_i32_1 = arith.constant 0 : i32
    return %c0_i32, %c0_i32_0 : i32, i32
  }
  func.func @transform_2(%arg0: i32) -> (i32, i32) {
    %c0_i32 = arith.constant 0 : i32
    %c0_i32_0 = arith.constant 0 : i32
    %c0_i32_1 = arith.constant 0 : i32
    return %c0_i32, %c0_i32_0 : i32, i32
  }
  func.func @transform_3(%arg0: i32) -> (i32, i32) {
    %c0_i32 = arith.constant 0 : i32
    %c0_i32_0 = arith.constant 0 : i32
    %c0_i32_1 = arith.constant 0 : i32
    return %c0_i32, %c0_i32_0 : i32, i32
  }
  func.func @transform_4(%arg0: i32) -> (i32, i32) {
    %c0_i32 = arith.constant 0 : i32
    %c0_i32_0 = arith.constant 0 : i32
    %c0_i32_1 = arith.constant 0 : i32
    return %c0_i32, %c0_i32_0 : i32, i32
  }
  func.func @transform_5(%arg0: i32) -> (i32, i32) {
    %c0_i32 = arith.constant 0 : i32
    %c0_i32_0 = arith.constant 0 : i32
    %c0_i32_1 = arith.constant 0 : i32
    return %c0_i32, %c0_i32_0 : i32, i32
  }
  func.func @transform_6(%arg0: i32) -> (i32, i32) {
    %c0_i32 = arith.constant 0 : i32
    %c0_i32_0 = arith.constant 0 : i32
    %c0_i32_1 = arith.constant 0 : i32
    return %c0_i32, %c0_i32_0 : i32, i32
  }
  func.func @transform_7(%arg0: i32) -> (i32, i32) {
    %c0_i32 = arith.constant 0 : i32
    %c0_i32_0 = arith.constant 0 : i32
    return %arg0, %c0_i32 : i32, i32
  }
  func.func @transform_8(%arg0: i32) -> (i32, i32) {
    %c0_i32 = arith.constant 0 : i32
    %c0_i32_0 = arith.constant 0 : i32
    %c0_i32_1 = arith.constant 0 : i32
    return %c0_i32, %c0_i32_0 : i32, i32
  }
  func.func @transform_9(%arg0: i32) -> (i32, i32) {
    %c0_i32 = arith.constant 0 : i32
    %c0_i32_0 = arith.constant 0 : i32
    %c0_i32_1 = arith.constant 0 : i32
    return %c0_i32, %c0_i32_0 : i32, i32
  }
}

module attributes {stable_mosaic.version = 14 : i64} {
  func.func @_mm_kernel(%arg0: i32, %arg1: memref<1024x64xf32, #tpu.memory_space<vmem>>, %arg2: memref<64x128xf32, #tpu.memory_space<vmem>>, %arg3: memref<1x128xf32, #tpu.memory_space<vmem>>, %arg4: memref<1x64xf32, #tpu.memory_space<vmem>>, %arg5: memref<1x64xf32, #tpu.memory_space<vmem>>, %arg6: memref<1x64xf32, #tpu.memory_space<vmem>>, %arg7: memref<1x64xf32, #tpu.memory_space<vmem>>, %arg8: memref<1024x128xf32, #tpu.memory_space<vmem>>, %arg9: memref<8x128xf32, #tpu.memory_space<vmem>>, %arg10: memref<8x128xf32, #tpu.memory_space<vmem>>) attributes {dimension_semantics = [#tpu.dimension_semantics<arbitrary>], iteration_bounds = array<i64: 128>, scalar_prefetch = 0 : i64, scratch_operands = 0 : i64, tpu.core_type = #tpu.core_type<tc>, window_params = [{transform_indices = @transform_0, window_bounds = array<i64: 1024, 64>}, {pipeline_mode = #tpu.pipeline_mode<synchronous>, transform_indices = @transform_1, window_bounds = array<i64: 64, 128>}, {pipeline_mode = #tpu.pipeline_mode<synchronous>, transform_indices = @transform_2, window_bounds = array<i64: 1, 128>}, {pipeline_mode = #tpu.pipeline_mode<synchronous>, transform_indices = @transform_3, window_bounds = array<i64: 1, 64>}, {pipeline_mode = #tpu.pipeline_mode<synchronous>, transform_indices = @transform_4, window_bounds = array<i64: 1, 64>}, {pipeline_mode = #tpu.pipeline_mode<synchronous>, transform_indices = @transform_5, window_bounds = array<i64: 1, 64>}, {pipeline_mode = #tpu.pipeline_mode<synchronous>, transform_indices = @transform_6, window_bounds = array<i64: 1, 64>}, {transform_indices = @transform_7, window_bounds = array<i64: 1024, 128>}, {pipeline_mode = #tpu.pipeline_mode<synchronous>, transform_indices = @transform_8, window_bounds = array<i64: 8, 128>}, {pipeline_mode = #tpu.pipeline_mode<synchronous>, transform_indices = @transform_9, window_bounds = array<i64: 8, 128>}]} {
    %get3A = arith.constant 0 : index
    %get3A_0 = arith.constant 0 : index
    %get3A_1 = vector.load %arg1[%get3A, %get3A_0] : memref<1024x64xf32, #tpu.memory_space<vmem>>, vector<1024x64xf32>
    %get3A_2 = arith.constant 0 : index
    %get3A_3 = arith.constant 0 : index
    %get3A_4 = vector.load %arg4[%get3A_2, %get3A_3] : memref<1x64xf32, #tpu.memory_space<vmem>>, vector<1x64xf32>
    %sub3A = vector.broadcast %get3A_4 : vector<1x64xf32> to vector<1024x64xf32>
    %sub3A_5 = arith.subf %get3A_1, %sub3A : vector<1024x64xf32>
    %get3A_6 = arith.constant 0 : index
    %get3A_7 = arith.constant 0 : index
    %get3A_8 = vector.load %arg5[%get3A_6, %get3A_7] : memref<1x64xf32, #tpu.memory_space<vmem>>, vector<1x64xf32>
    %mul3A = vector.broadcast %get3A_8 : vector<1x64xf32> to vector<1024x64xf32>
    %mul3A_9 = arith.mulf %sub3A_5, %mul3A : vector<1024x64xf32>
    %get3A_10 = arith.constant 0 : index
    %get3A_11 = arith.constant 0 : index
    %get3A_12 = vector.load %arg6[%get3A_10, %get3A_11] : memref<1x64xf32, #tpu.memory_space<vmem>>, vector<1x64xf32>
    %mul3A_13 = vector.broadcast %get3A_12 : vector<1x64xf32> to vector<1024x64xf32>
    %mul3A_14 = arith.mulf %mul3A_9, %mul3A_13 : vector<1024x64xf32>
    %get3A_15 = arith.constant 0 : index
    %get3A_16 = arith.constant 0 : index
    %get3A_17 = vector.load %arg7[%get3A_15, %get3A_16] : memref<1x64xf32, #tpu.memory_space<vmem>>, vector<1x64xf32>
    %add3A = vector.broadcast %get3A_17 : vector<1x64xf32> to vector<1024x64xf32>
    %add3A_18 = arith.addf %mul3A_14, %add3A : vector<1024x64xf32>
    %max3A = arith.constant 0.000000e+00 : f32
    %max3A_19 = vector.broadcast %max3A : f32 to vector<1024x64xf32>
    %max3A_20 = arith.maximumf %add3A_18, %max3A_19 : vector<1024x64xf32>
    %get3A_21 = arith.constant 0 : index
    %get3A_22 = arith.constant 0 : index
    %get3A_23 = vector.load %arg2[%get3A_21, %get3A_22] : memref<64x128xf32, #tpu.memory_space<vmem>>, vector<64x128xf32>
    %dot_general3A = arith.constant dense<0.000000e+00> : vector<1024x128xf32>
    %dot_general3A_24 = tpu.matmul %max3A_20, %get3A_23, %dot_general3A {dimension_numbers = #tpu.dot_dimension_numbers<[1], [0], [0], [1], [0, 0, 1, 1], [], []>, transpose_lhs_hint = false} : vector<1024x64xf32>, vector<64x128xf32>, vector<1024x128xf32> -> vector<1024x128xf32>
    %get3A_25 = arith.constant 0 : index
    %get3A_26 = arith.constant 0 : index
    %get3A_27 = vector.load %arg3[%get3A_25, %get3A_26] : memref<1x128xf32, #tpu.memory_space<vmem>>, vector<1x128xf32>
    %add3A_28 = vector.broadcast %get3A_27 : vector<1x128xf32> to vector<1024x128xf32>
    %add3A_29 = arith.addf %dot_general3A_24, %add3A_28 : vector<1024x128xf32>
    %swap3A = arith.constant 0 : index
    %swap3A_30 = arith.constant 0 : index
    %swap3A_31 = vector.load %arg8[%swap3A, %swap3A_30] : memref<1024x128xf32, #tpu.memory_space<vmem>>, vector<1024x128xf32>
    tpu.vector_store %arg8[%swap3A, %swap3A_30], %add3A_29 {strides = array<i32>} : memref<1024x128xf32, #tpu.memory_space<vmem>>, vector<1024x128xf32>,
    %eq3A = arith.constant 0 : i32
    %eq3A_32 = arith.cmpi eq, %arg0, %eq3A : i32
    %convert_element_type3A = arith.extui %eq3A_32 : i1 to i32
    %cond3A = arith.constant 0 : i32
    %cond3A_33 = arith.cmpi ne, %convert_element_type3A, %cond3A : i32
    scf.if %cond3A_33 {
      %broadcast_in_dim3A_57 = arith.constant 0.000000e+00 : f32
      %broadcast_in_dim3A_58 = vector.broadcast %broadcast_in_dim3A_57 : f32 to vector<8x128xf32>
      %swap3A_59 = arith.constant 0 : index
      %swap3A_60 = arith.constant 0 : index
      %swap3A_61 = vector.load %arg9[%swap3A_59, %swap3A_60] : memref<8x128xf32, #tpu.memory_space<vmem>>, vector<8x128xf32>
      tpu.vector_store %arg9[%swap3A_59, %swap3A_60], %broadcast_in_dim3A_58 {strides = array<i32>} : memref<8x128xf32, #tpu.memory_space<vmem>>, vector<8x128xf32>,
      %broadcast_in_dim3A_62 = arith.constant 0.000000e+00 : f32
      %broadcast_in_dim3A_63 = vector.broadcast %broadcast_in_dim3A_62 : f32 to vector<8x128xf32>
      %swap3A_64 = arith.constant 0 : index
      %swap3A_65 = arith.constant 0 : index
      %swap3A_66 = vector.load %arg10[%swap3A_64, %swap3A_65] : memref<8x128xf32, #tpu.memory_space<vmem>>, vector<8x128xf32>
      tpu.vector_store %arg10[%swap3A_64, %swap3A_65], %broadcast_in_dim3A_63 {strides = array<i32>} : memref<8x128xf32, #tpu.memory_space<vmem>>, vector<8x128xf32>,
    } else {
    }
    %reduce_sum3A = arith.constant dense<0.000000e+00> : vector<128xf32>
    %reduce_sum3A_34 = vector.multi_reduction <add>, %add3A_29, %reduce_sum3A [0] : vector<1024x128xf32> to vector<128xf32>
    %broadcast_in_dim3A = vector.shape_cast %reduce_sum3A_34 : vector<128xf32> to vector<1x128xf32>
    %mul3A_35 = arith.mulf %add3A_29, %add3A_29 : vector<1024x128xf32>
    %reduce_sum3A_36 = arith.constant dense<0.000000e+00> : vector<128xf32>
    %reduce_sum3A_37 = vector.multi_reduction <add>, %mul3A_35, %reduce_sum3A_36 [0] : vector<1024x128xf32> to vector<128xf32>
    %broadcast_in_dim3A_38 = vector.shape_cast %reduce_sum3A_37 : vector<128xf32> to vector<1x128xf32>
    %get3A_39 = arith.constant 0 : index
    %get3A_40 = arith.constant 0 : index
    %get3A_41 = vector.load %arg9[%get3A_39, %get3A_40] : memref<8x128xf32, #tpu.memory_space<vmem>>, vector<8x128xf32>
    %broadcast_in_dim3A_42 = vector.shape_cast %broadcast_in_dim3A : vector<1x128xf32> to vector<1x128xf32>
    %broadcast_in_dim3A_43 = vector.broadcast %broadcast_in_dim3A_42 : vector<1x128xf32> to vector<8x128xf32>
    %add3A_44 = arith.addf %get3A_41, %broadcast_in_dim3A_43 : vector<8x128xf32>
    %swap3A_45 = arith.constant 0 : index
    %swap3A_46 = arith.constant 0 : index
    %swap3A_47 = vector.load %arg9[%swap3A_45, %swap3A_46] : memref<8x128xf32, #tpu.memory_space<vmem>>, vector<8x128xf32>
    tpu.vector_store %arg9[%swap3A_45, %swap3A_46], %add3A_44 {strides = array<i32>} : memref<8x128xf32, #tpu.memory_space<vmem>>, vector<8x128xf32>,
    %get3A_48 = arith.constant 0 : index
    %get3A_49 = arith.constant 0 : index
    %get3A_50 = vector.load %arg10[%get3A_48, %get3A_49] : memref<8x128xf32, #tpu.memory_space<vmem>>, vector<8x128xf32>
    %broadcast_in_dim3A_51 = vector.shape_cast %broadcast_in_dim3A_38 : vector<1x128xf32> to vector<1x128xf32>
    %broadcast_in_dim3A_52 = vector.broadcast %broadcast_in_dim3A_51 : vector<1x128xf32> to vector<8x128xf32>
    %add3A_53 = arith.addf %get3A_50, %broadcast_in_dim3A_52 : vector<8x128xf32>
    %swap3A_54 = arith.constant 0 : index
    %swap3A_55 = arith.constant 0 : index
    %swap3A_56 = vector.load %arg10[%swap3A_54, %swap3A_55] : memref<8x128xf32, #tpu.memory_space<vmem>>, vector<8x128xf32>
    tpu.vector_store %arg10[%swap3A_54, %swap3A_55], %add3A_53 {strides = array<i32>} : memref<8x128xf32, #tpu.memory_space<vmem>>, vector<8x128xf32>,
    return
  }
  func.func @transform_0(%arg0: i32) -> (i32, i32) {
    %c0_i32 = arith.constant 0 : i32
    %c0_i32_0 = arith.constant 0 : i32
    return %arg0, %c0_i32 : i32, i32
  }
  func.func @transform_1(%arg0: i32) -> (i32, i32) {
    %c0_i32 = arith.constant 0 : i32
    %c0_i32_0 = arith.constant 0 : i32
    %c0_i32_1 = arith.constant 0 : i32
    return %c0_i32, %c0_i32_0 : i32, i32
  }
  func.func @transform_2(%arg0: i32) -> (i32, i32) {
    %c0_i32 = arith.constant 0 : i32
    %c0_i32_0 = arith.constant 0 : i32
    %c0_i32_1 = arith.constant 0 : i32
    return %c0_i32, %c0_i32_0 : i32, i32
  }
  func.func @transform_3(%arg0: i32) -> (i32, i32) {
    %c0_i32 = arith.constant 0 : i32
    %c0_i32_0 = arith.constant 0 : i32
    %c0_i32_1 = arith.constant 0 : i32
    return %c0_i32, %c0_i32_0 : i32, i32
  }
  func.func @transform_4(%arg0: i32) -> (i32, i32) {
    %c0_i32 = arith.constant 0 : i32
    %c0_i32_0 = arith.constant 0 : i32
    %c0_i32_1 = arith.constant 0 : i32
    return %c0_i32, %c0_i32_0 : i32, i32
  }
  func.func @transform_5(%arg0: i32) -> (i32, i32) {
    %c0_i32 = arith.constant 0 : i32
    %c0_i32_0 = arith.constant 0 : i32
    %c0_i32_1 = arith.constant 0 : i32
    return %c0_i32, %c0_i32_0 : i32, i32
  }
  func.func @transform_6(%arg0: i32) -> (i32, i32) {
    %c0_i32 = arith.constant 0 : i32
    %c0_i32_0 = arith.constant 0 : i32
    %c0_i32_1 = arith.constant 0 : i32
    return %c0_i32, %c0_i32_0 : i32, i32
  }
  func.func @transform_7(%arg0: i32) -> (i32, i32) {
    %c0_i32 = arith.constant 0 : i32
    %c0_i32_0 = arith.constant 0 : i32
    return %arg0, %c0_i32 : i32, i32
  }
  func.func @transform_8(%arg0: i32) -> (i32, i32) {
    %c0_i32 = arith.constant 0 : i32
    %c0_i32_0 = arith.constant 0 : i32
    %c0_i32_1 = arith.constant 0 : i32
    return %c0_i32, %c0_i32_0 : i32, i32
  }
  func.func @transform_9(%arg0: i32) -> (i32, i32) {
    %c0_i32 = arith.constant 0 : i32
    %c0_i32_0 = arith.constant 0 : i32
    %c0_i32_1 = arith.constant 0 : i32
    return %c0_i32, %c0_i32_0 : i32, i32
  }
}

module attributes {stable_mosaic.version = 14 : i64} {
  func.func @_mm_kernel(%arg0: i32, %arg1: memref<1024x6xf32, #tpu.memory_space<vmem>>, %arg2: memref<6x64xf32, #tpu.memory_space<vmem>>, %arg3: memref<1x64xf32, #tpu.memory_space<vmem>>, %arg4: memref<1x6xf32, #tpu.memory_space<vmem>>, %arg5: memref<1x6xf32, #tpu.memory_space<vmem>>, %arg6: memref<1x6xf32, #tpu.memory_space<vmem>>, %arg7: memref<1x6xf32, #tpu.memory_space<vmem>>, %arg8: memref<1024x64xf32, #tpu.memory_space<vmem>>, %arg9: memref<8x64xf32, #tpu.memory_space<vmem>>, %arg10: memref<8x64xf32, #tpu.memory_space<vmem>>) attributes {dimension_semantics = [#tpu.dimension_semantics<arbitrary>], iteration_bounds = array<i64: 512>, scalar_prefetch = 0 : i64, scratch_operands = 0 : i64, tpu.core_type = #tpu.core_type<tc>, window_params = [{transform_indices = @transform_0, window_bounds = array<i64: 1024, 6>}, {pipeline_mode = #tpu.pipeline_mode<synchronous>, transform_indices = @transform_1, window_bounds = array<i64: 6, 64>}, {pipeline_mode = #tpu.pipeline_mode<synchronous>, transform_indices = @transform_2, window_bounds = array<i64: 1, 64>}, {pipeline_mode = #tpu.pipeline_mode<synchronous>, transform_indices = @transform_3, window_bounds = array<i64: 1, 6>}, {pipeline_mode = #tpu.pipeline_mode<synchronous>, transform_indices = @transform_4, window_bounds = array<i64: 1, 6>}, {pipeline_mode = #tpu.pipeline_mode<synchronous>, transform_indices = @transform_5, window_bounds = array<i64: 1, 6>}, {pipeline_mode = #tpu.pipeline_mode<synchronous>, transform_indices = @transform_6, window_bounds = array<i64: 1, 6>}, {transform_indices = @transform_7, window_bounds = array<i64: 1024, 64>}, {pipeline_mode = #tpu.pipeline_mode<synchronous>, transform_indices = @transform_8, window_bounds = array<i64: 8, 64>}, {pipeline_mode = #tpu.pipeline_mode<synchronous>, transform_indices = @transform_9, window_bounds = array<i64: 8, 64>}]} {
    %get3A = arith.constant 0 : index
    %get3A_0 = arith.constant 0 : index
    %get3A_1 = vector.load %arg1[%get3A, %get3A_0] : memref<1024x6xf32, #tpu.memory_space<vmem>>, vector<1024x6xf32>
    %get3A_2 = arith.constant 0 : index
    %get3A_3 = arith.constant 0 : index
    %get3A_4 = vector.load %arg2[%get3A_2, %get3A_3] : memref<6x64xf32, #tpu.memory_space<vmem>>, vector<6x64xf32>
    %dot_general3A = arith.constant dense<0.000000e+00> : vector<1024x64xf32>
    %dot_general3A_5 = tpu.matmul %get3A_1, %get3A_4, %dot_general3A {dimension_numbers = #tpu.dot_dimension_numbers<[1], [0], [0], [1], [0, 0, 1, 1], [], []>, transpose_lhs_hint = false} : vector<1024x6xf32>, vector<6x64xf32>, vector<1024x64xf32> -> vector<1024x64xf32>
    %get3A_6 = arith.constant 0 : index
    %get3A_7 = arith.constant 0 : index
    %get3A_8 = vector.load %arg3[%get3A_6, %get3A_7] : memref<1x64xf32, #tpu.memory_space<vmem>>, vector<1x64xf32>
    %add3A = vector.broadcast %get3A_8 : vector<1x64xf32> to vector<1024x64xf32>
    %add3A_9 = arith.addf %dot_general3A_5, %add3A : vector<1024x64xf32>
    %swap3A = arith.constant 0 : index
    %swap3A_10 = arith.constant 0 : index
    %swap3A_11 = vector.load %arg8[%swap3A, %swap3A_10] : memref<1024x64xf32, #tpu.memory_space<vmem>>, vector<1024x64xf32>
    tpu.vector_store %arg8[%swap3A, %swap3A_10], %add3A_9 {strides = array<i32>} : memref<1024x64xf32, #tpu.memory_space<vmem>>, vector<1024x64xf32>,
    %eq3A = arith.constant 0 : i32
    %eq3A_12 = arith.cmpi eq, %arg0, %eq3A : i32
    %convert_element_type3A = arith.extui %eq3A_12 : i1 to i32
    %cond3A = arith.constant 0 : i32
    %cond3A_13 = arith.cmpi ne, %convert_element_type3A, %cond3A : i32
    scf.if %cond3A_13 {
      %broadcast_in_dim3A_36 = arith.constant 0.000000e+00 : f32
      %broadcast_in_dim3A_37 = vector.broadcast %broadcast_in_dim3A_36 : f32 to vector<8x64xf32>
      %swap3A_38 = arith.constant 0 : index
      %swap3A_39 = arith.constant 0 : index
      %swap3A_40 = vector.load %arg9[%swap3A_38, %swap3A_39] : memref<8x64xf32, #tpu.memory_space<vmem>>, vector<8x64xf32>
      tpu.vector_store %arg9[%swap3A_38, %swap3A_39], %broadcast_in_dim3A_37 {strides = array<i32>} : memref<8x64xf32, #tpu.memory_space<vmem>>, vector<8x64xf32>,
      %broadcast_in_dim3A_41 = arith.constant 0.000000e+00 : f32
      %broadcast_in_dim3A_42 = vector.broadcast %broadcast_in_dim3A_41 : f32 to vector<8x64xf32>
      %swap3A_43 = arith.constant 0 : index
      %swap3A_44 = arith.constant 0 : index
      %swap3A_45 = vector.load %arg10[%swap3A_43, %swap3A_44] : memref<8x64xf32, #tpu.memory_space<vmem>>, vector<8x64xf32>
      tpu.vector_store %arg10[%swap3A_43, %swap3A_44], %broadcast_in_dim3A_42 {strides = array<i32>} : memref<8x64xf32, #tpu.memory_space<vmem>>, vector<8x64xf32>,
    } else {
    }
    %reduce_sum3A = arith.constant dense<0.000000e+00> : vector<64xf32>
    %reduce_sum3A_14 = vector.multi_reduction <add>, %add3A_9, %reduce_sum3A [0] : vector<1024x64xf32> to vector<64xf32>
    %broadcast_in_dim3A = vector.shape_cast %reduce_sum3A_14 : vector<64xf32> to vector<1x64xf32>
    %mul3A = arith.mulf %add3A_9, %add3A_9 : vector<1024x64xf32>
    %reduce_sum3A_15 = arith.constant dense<0.000000e+00> : vector<64xf32>
    %reduce_sum3A_16 = vector.multi_reduction <add>, %mul3A, %reduce_sum3A_15 [0] : vector<1024x64xf32> to vector<64xf32>
    %broadcast_in_dim3A_17 = vector.shape_cast %reduce_sum3A_16 : vector<64xf32> to vector<1x64xf32>
    %get3A_18 = arith.constant 0 : index
    %get3A_19 = arith.constant 0 : index
    %get3A_20 = vector.load %arg9[%get3A_18, %get3A_19] : memref<8x64xf32, #tpu.memory_space<vmem>>, vector<8x64xf32>
    %broadcast_in_dim3A_21 = vector.shape_cast %broadcast_in_dim3A : vector<1x64xf32> to vector<1x64xf32>
    %broadcast_in_dim3A_22 = vector.broadcast %broadcast_in_dim3A_21 : vector<1x64xf32> to vector<8x64xf32>
    %add3A_23 = arith.addf %get3A_20, %broadcast_in_dim3A_22 : vector<8x64xf32>
    %swap3A_24 = arith.constant 0 : index
    %swap3A_25 = arith.constant 0 : index
    %swap3A_26 = vector.load %arg9[%swap3A_24, %swap3A_25] : memref<8x64xf32, #tpu.memory_space<vmem>>, vector<8x64xf32>
    tpu.vector_store %arg9[%swap3A_24, %swap3A_25], %add3A_23 {strides = array<i32>} : memref<8x64xf32, #tpu.memory_space<vmem>>, vector<8x64xf32>,
    %get3A_27 = arith.constant 0 : index
    %get3A_28 = arith.constant 0 : index
    %get3A_29 = vector.load %arg10[%get3A_27, %get3A_28] : memref<8x64xf32, #tpu.memory_space<vmem>>, vector<8x64xf32>
    %broadcast_in_dim3A_30 = vector.shape_cast %broadcast_in_dim3A_17 : vector<1x64xf32> to vector<1x64xf32>
    %broadcast_in_dim3A_31 = vector.broadcast %broadcast_in_dim3A_30 : vector<1x64xf32> to vector<8x64xf32>
    %add3A_32 = arith.addf %get3A_29, %broadcast_in_dim3A_31 : vector<8x64xf32>
    %swap3A_33 = arith.constant 0 : index
    %swap3A_34 = arith.constant 0 : index
    %swap3A_35 = vector.load %arg10[%swap3A_33, %swap3A_34] : memref<8x64xf32, #tpu.memory_space<vmem>>, vector<8x64xf32>
    tpu.vector_store %arg10[%swap3A_33, %swap3A_34], %add3A_32 {strides = array<i32>} : memref<8x64xf32, #tpu.memory_space<vmem>>, vector<8x64xf32>,
    return
  }
  func.func @transform_0(%arg0: i32) -> (i32, i32) {
    %c0_i32 = arith.constant 0 : i32
    %c0_i32_0 = arith.constant 0 : i32
    return %arg0, %c0_i32 : i32, i32
  }
  func.func @transform_1(%arg0: i32) -> (i32, i32) {
    %c0_i32 = arith.constant 0 : i32
    %c0_i32_0 = arith.constant 0 : i32
    %c0_i32_1 = arith.constant 0 : i32
    return %c0_i32, %c0_i32_0 : i32, i32
  }
  func.func @transform_2(%arg0: i32) -> (i32, i32) {
    %c0_i32 = arith.constant 0 : i32
    %c0_i32_0 = arith.constant 0 : i32
    %c0_i32_1 = arith.constant 0 : i32
    return %c0_i32, %c0_i32_0 : i32, i32
  }
  func.func @transform_3(%arg0: i32) -> (i32, i32) {
    %c0_i32 = arith.constant 0 : i32
    %c0_i32_0 = arith.constant 0 : i32
    %c0_i32_1 = arith.constant 0 : i32
    return %c0_i32, %c0_i32_0 : i32, i32
  }
  func.func @transform_4(%arg0: i32) -> (i32, i32) {
    %c0_i32 = arith.constant 0 : i32
    %c0_i32_0 = arith.constant 0 : i32
    %c0_i32_1 = arith.constant 0 : i32
    return %c0_i32, %c0_i32_0 : i32, i32
  }
  func.func @transform_5(%arg0: i32) -> (i32, i32) {
    %c0_i32 = arith.constant 0 : i32
    %c0_i32_0 = arith.constant 0 : i32
    %c0_i32_1 = arith.constant 0 : i32
    return %c0_i32, %c0_i32_0 : i32, i32
  }
  func.func @transform_6(%arg0: i32) -> (i32, i32) {
    %c0_i32 = arith.constant 0 : i32
    %c0_i32_0 = arith.constant 0 : i32
    %c0_i32_1 = arith.constant 0 : i32
    return %c0_i32, %c0_i32_0 : i32, i32
  }
  func.func @transform_7(%arg0: i32) -> (i32, i32) {
    %c0_i32 = arith.constant 0 : i32
    %c0_i32_0 = arith.constant 0 : i32
    return %arg0, %c0_i32 : i32, i32
  }
  func.func @transform_8(%arg0: i32) -> (i32, i32) {
    %c0_i32 = arith.constant 0 : i32
    %c0_i32_0 = arith.constant 0 : i32
    %c0_i32_1 = arith.constant 0 : i32
    return %c0_i32, %c0_i32_0 : i32, i32
  }
  func.func @transform_9(%arg0: i32) -> (i32, i32) {
    %c0_i32 = arith.constant 0 : i32
    %c0_i32_0 = arith.constant 0 : i32
    %c0_i32_1 = arith.constant 0 : i32
    return %c0_i32, %c0_i32_0 : i32, i32
  }
}

module attributes {stable_mosaic.version = 14 : i64} {
  func.func @_mm_kernel(%arg0: i32, %arg1: memref<1024x64xf32, #tpu.memory_space<vmem>>, %arg2: memref<64x96xf32, #tpu.memory_space<vmem>>, %arg3: memref<1x96xf32, #tpu.memory_space<vmem>>, %arg4: memref<1x64xf32, #tpu.memory_space<vmem>>, %arg5: memref<1x64xf32, #tpu.memory_space<vmem>>, %arg6: memref<1x64xf32, #tpu.memory_space<vmem>>, %arg7: memref<1x64xf32, #tpu.memory_space<vmem>>, %arg8: memref<1024x96xf32, #tpu.memory_space<vmem>>, %arg9: memref<8x96xf32, #tpu.memory_space<vmem>>, %arg10: memref<8x96xf32, #tpu.memory_space<vmem>>) attributes {dimension_semantics = [#tpu.dimension_semantics<arbitrary>], iteration_bounds = array<i64: 512>, scalar_prefetch = 0 : i64, scratch_operands = 0 : i64, tpu.core_type = #tpu.core_type<tc>, window_params = [{transform_indices = @transform_0, window_bounds = array<i64: 1024, 64>}, {pipeline_mode = #tpu.pipeline_mode<synchronous>, transform_indices = @transform_1, window_bounds = array<i64: 64, 96>}, {pipeline_mode = #tpu.pipeline_mode<synchronous>, transform_indices = @transform_2, window_bounds = array<i64: 1, 96>}, {pipeline_mode = #tpu.pipeline_mode<synchronous>, transform_indices = @transform_3, window_bounds = array<i64: 1, 64>}, {pipeline_mode = #tpu.pipeline_mode<synchronous>, transform_indices = @transform_4, window_bounds = array<i64: 1, 64>}, {pipeline_mode = #tpu.pipeline_mode<synchronous>, transform_indices = @transform_5, window_bounds = array<i64: 1, 64>}, {pipeline_mode = #tpu.pipeline_mode<synchronous>, transform_indices = @transform_6, window_bounds = array<i64: 1, 64>}, {transform_indices = @transform_7, window_bounds = array<i64: 1024, 96>}, {pipeline_mode = #tpu.pipeline_mode<synchronous>, transform_indices = @transform_8, window_bounds = array<i64: 8, 96>}, {pipeline_mode = #tpu.pipeline_mode<synchronous>, transform_indices = @transform_9, window_bounds = array<i64: 8, 96>}]} {
    %get3A = arith.constant 0 : index
    %get3A_0 = arith.constant 0 : index
    %get3A_1 = vector.load %arg1[%get3A, %get3A_0] : memref<1024x64xf32, #tpu.memory_space<vmem>>, vector<1024x64xf32>
    %get3A_2 = arith.constant 0 : index
    %get3A_3 = arith.constant 0 : index
    %get3A_4 = vector.load %arg4[%get3A_2, %get3A_3] : memref<1x64xf32, #tpu.memory_space<vmem>>, vector<1x64xf32>
    %sub3A = vector.broadcast %get3A_4 : vector<1x64xf32> to vector<1024x64xf32>
    %sub3A_5 = arith.subf %get3A_1, %sub3A : vector<1024x64xf32>
    %get3A_6 = arith.constant 0 : index
    %get3A_7 = arith.constant 0 : index
    %get3A_8 = vector.load %arg5[%get3A_6, %get3A_7] : memref<1x64xf32, #tpu.memory_space<vmem>>, vector<1x64xf32>
    %mul3A = vector.broadcast %get3A_8 : vector<1x64xf32> to vector<1024x64xf32>
    %mul3A_9 = arith.mulf %sub3A_5, %mul3A : vector<1024x64xf32>
    %get3A_10 = arith.constant 0 : index
    %get3A_11 = arith.constant 0 : index
    %get3A_12 = vector.load %arg6[%get3A_10, %get3A_11] : memref<1x64xf32, #tpu.memory_space<vmem>>, vector<1x64xf32>
    %mul3A_13 = vector.broadcast %get3A_12 : vector<1x64xf32> to vector<1024x64xf32>
    %mul3A_14 = arith.mulf %mul3A_9, %mul3A_13 : vector<1024x64xf32>
    %get3A_15 = arith.constant 0 : index
    %get3A_16 = arith.constant 0 : index
    %get3A_17 = vector.load %arg7[%get3A_15, %get3A_16] : memref<1x64xf32, #tpu.memory_space<vmem>>, vector<1x64xf32>
    %add3A = vector.broadcast %get3A_17 : vector<1x64xf32> to vector<1024x64xf32>
    %add3A_18 = arith.addf %mul3A_14, %add3A : vector<1024x64xf32>
    %max3A = arith.constant 0.000000e+00 : f32
    %max3A_19 = vector.broadcast %max3A : f32 to vector<1024x64xf32>
    %max3A_20 = arith.maximumf %add3A_18, %max3A_19 : vector<1024x64xf32>
    %get3A_21 = arith.constant 0 : index
    %get3A_22 = arith.constant 0 : index
    %get3A_23 = vector.load %arg2[%get3A_21, %get3A_22] : memref<64x96xf32, #tpu.memory_space<vmem>>, vector<64x96xf32>
    %dot_general3A = arith.constant dense<0.000000e+00> : vector<1024x96xf32>
    %dot_general3A_24 = tpu.matmul %max3A_20, %get3A_23, %dot_general3A {dimension_numbers = #tpu.dot_dimension_numbers<[1], [0], [0], [1], [0, 0, 1, 1], [], []>, transpose_lhs_hint = false} : vector<1024x64xf32>, vector<64x96xf32>, vector<1024x96xf32> -> vector<1024x96xf32>
    %get3A_25 = arith.constant 0 : index
    %get3A_26 = arith.constant 0 : index
    %get3A_27 = vector.load %arg3[%get3A_25, %get3A_26] : memref<1x96xf32, #tpu.memory_space<vmem>>, vector<1x96xf32>
    %add3A_28 = vector.broadcast %get3A_27 : vector<1x96xf32> to vector<1024x96xf32>
    %add3A_29 = arith.addf %dot_general3A_24, %add3A_28 : vector<1024x96xf32>
    %swap3A = arith.constant 0 : index
    %swap3A_30 = arith.constant 0 : index
    %swap3A_31 = vector.load %arg8[%swap3A, %swap3A_30] : memref<1024x96xf32, #tpu.memory_space<vmem>>, vector<1024x96xf32>
    tpu.vector_store %arg8[%swap3A, %swap3A_30], %add3A_29 {strides = array<i32>} : memref<1024x96xf32, #tpu.memory_space<vmem>>, vector<1024x96xf32>,
    %eq3A = arith.constant 0 : i32
    %eq3A_32 = arith.cmpi eq, %arg0, %eq3A : i32
    %convert_element_type3A = arith.extui %eq3A_32 : i1 to i32
    %cond3A = arith.constant 0 : i32
    %cond3A_33 = arith.cmpi ne, %convert_element_type3A, %cond3A : i32
    scf.if %cond3A_33 {
      %broadcast_in_dim3A_57 = arith.constant 0.000000e+00 : f32
      %broadcast_in_dim3A_58 = vector.broadcast %broadcast_in_dim3A_57 : f32 to vector<8x96xf32>
      %swap3A_59 = arith.constant 0 : index
      %swap3A_60 = arith.constant 0 : index
      %swap3A_61 = vector.load %arg9[%swap3A_59, %swap3A_60] : memref<8x96xf32, #tpu.memory_space<vmem>>, vector<8x96xf32>
      tpu.vector_store %arg9[%swap3A_59, %swap3A_60], %broadcast_in_dim3A_58 {strides = array<i32>} : memref<8x96xf32, #tpu.memory_space<vmem>>, vector<8x96xf32>,
      %broadcast_in_dim3A_62 = arith.constant 0.000000e+00 : f32
      %broadcast_in_dim3A_63 = vector.broadcast %broadcast_in_dim3A_62 : f32 to vector<8x96xf32>
      %swap3A_64 = arith.constant 0 : index
      %swap3A_65 = arith.constant 0 : index
      %swap3A_66 = vector.load %arg10[%swap3A_64, %swap3A_65] : memref<8x96xf32, #tpu.memory_space<vmem>>, vector<8x96xf32>
      tpu.vector_store %arg10[%swap3A_64, %swap3A_65], %broadcast_in_dim3A_63 {strides = array<i32>} : memref<8x96xf32, #tpu.memory_space<vmem>>, vector<8x96xf32>,
    } else {
    }
    %reduce_sum3A = arith.constant dense<0.000000e+00> : vector<96xf32>
    %reduce_sum3A_34 = vector.multi_reduction <add>, %add3A_29, %reduce_sum3A [0] : vector<1024x96xf32> to vector<96xf32>
    %broadcast_in_dim3A = vector.shape_cast %reduce_sum3A_34 : vector<96xf32> to vector<1x96xf32>
    %mul3A_35 = arith.mulf %add3A_29, %add3A_29 : vector<1024x96xf32>
    %reduce_sum3A_36 = arith.constant dense<0.000000e+00> : vector<96xf32>
    %reduce_sum3A_37 = vector.multi_reduction <add>, %mul3A_35, %reduce_sum3A_36 [0] : vector<1024x96xf32> to vector<96xf32>
    %broadcast_in_dim3A_38 = vector.shape_cast %reduce_sum3A_37 : vector<96xf32> to vector<1x96xf32>
    %get3A_39 = arith.constant 0 : index
    %get3A_40 = arith.constant 0 : index
    %get3A_41 = vector.load %arg9[%get3A_39, %get3A_40] : memref<8x96xf32, #tpu.memory_space<vmem>>, vector<8x96xf32>
    %broadcast_in_dim3A_42 = vector.shape_cast %broadcast_in_dim3A : vector<1x96xf32> to vector<1x96xf32>
    %broadcast_in_dim3A_43 = vector.broadcast %broadcast_in_dim3A_42 : vector<1x96xf32> to vector<8x96xf32>
    %add3A_44 = arith.addf %get3A_41, %broadcast_in_dim3A_43 : vector<8x96xf32>
    %swap3A_45 = arith.constant 0 : index
    %swap3A_46 = arith.constant 0 : index
    %swap3A_47 = vector.load %arg9[%swap3A_45, %swap3A_46] : memref<8x96xf32, #tpu.memory_space<vmem>>, vector<8x96xf32>
    tpu.vector_store %arg9[%swap3A_45, %swap3A_46], %add3A_44 {strides = array<i32>} : memref<8x96xf32, #tpu.memory_space<vmem>>, vector<8x96xf32>,
    %get3A_48 = arith.constant 0 : index
    %get3A_49 = arith.constant 0 : index
    %get3A_50 = vector.load %arg10[%get3A_48, %get3A_49] : memref<8x96xf32, #tpu.memory_space<vmem>>, vector<8x96xf32>
    %broadcast_in_dim3A_51 = vector.shape_cast %broadcast_in_dim3A_38 : vector<1x96xf32> to vector<1x96xf32>
    %broadcast_in_dim3A_52 = vector.broadcast %broadcast_in_dim3A_51 : vector<1x96xf32> to vector<8x96xf32>
    %add3A_53 = arith.addf %get3A_50, %broadcast_in_dim3A_52 : vector<8x96xf32>
    %swap3A_54 = arith.constant 0 : index
    %swap3A_55 = arith.constant 0 : index
    %swap3A_56 = vector.load %arg10[%swap3A_54, %swap3A_55] : memref<8x96xf32, #tpu.memory_space<vmem>>, vector<8x96xf32>
    tpu.vector_store %arg10[%swap3A_54, %swap3A_55], %add3A_53 {strides = array<i32>} : memref<8x96xf32, #tpu.memory_space<vmem>>, vector<8x96xf32>,
    return
  }
  func.func @transform_0(%arg0: i32) -> (i32, i32) {
    %c0_i32 = arith.constant 0 : i32
    %c0_i32_0 = arith.constant 0 : i32
    return %arg0, %c0_i32 : i32, i32
  }
  func.func @transform_1(%arg0: i32) -> (i32, i32) {
    %c0_i32 = arith.constant 0 : i32
    %c0_i32_0 = arith.constant 0 : i32
    %c0_i32_1 = arith.constant 0 : i32
    return %c0_i32, %c0_i32_0 : i32, i32
  }
  func.func @transform_2(%arg0: i32) -> (i32, i32) {
    %c0_i32 = arith.constant 0 : i32
    %c0_i32_0 = arith.constant 0 : i32
    %c0_i32_1 = arith.constant 0 : i32
    return %c0_i32, %c0_i32_0 : i32, i32
  }
  func.func @transform_3(%arg0: i32) -> (i32, i32) {
    %c0_i32 = arith.constant 0 : i32
    %c0_i32_0 = arith.constant 0 : i32
    %c0_i32_1 = arith.constant 0 : i32
    return %c0_i32, %c0_i32_0 : i32, i32
  }
  func.func @transform_4(%arg0: i32) -> (i32, i32) {
    %c0_i32 = arith.constant 0 : i32
    %c0_i32_0 = arith.constant 0 : i32
    %c0_i32_1 = arith.constant 0 : i32
    return %c0_i32, %c0_i32_0 : i32, i32
  }
  func.func @transform_5(%arg0: i32) -> (i32, i32) {
    %c0_i32 = arith.constant 0 : i32
    %c0_i32_0 = arith.constant 0 : i32
    %c0_i32_1 = arith.constant 0 : i32
    return %c0_i32, %c0_i32_0 : i32, i32
  }
  func.func @transform_6(%arg0: i32) -> (i32, i32) {
    %c0_i32 = arith.constant 0 : i32
    %c0_i32_0 = arith.constant 0 : i32
    %c0_i32_1 = arith.constant 0 : i32
    return %c0_i32, %c0_i32_0 : i32, i32
  }
  func.func @transform_7(%arg0: i32) -> (i32, i32) {
    %c0_i32 = arith.constant 0 : i32
    %c0_i32_0 = arith.constant 0 : i32
    return %arg0, %c0_i32 : i32, i32
  }
  func.func @transform_8(%arg0: i32) -> (i32, i32) {
    %c0_i32 = arith.constant 0 : i32
    %c0_i32_0 = arith.constant 0 : i32
    %c0_i32_1 = arith.constant 0 : i32
    return %c0_i32, %c0_i32_0 : i32, i32
  }
  func.func @transform_9(%arg0: i32) -> (i32, i32) {
    %c0_i32 = arith.constant 0 : i32
    %c0_i32_0 = arith.constant 0 : i32
    %c0_i32_1 = arith.constant 0 : i32
    return %c0_i32, %c0_i32_0 : i32, i32
  }
}

module attributes {stable_mosaic.version = 14 : i64} {
  func.func @_mm_kernel(%arg0: i32, %arg1: memref<1024x96xf32, #tpu.memory_space<vmem>>, %arg2: memref<96x128xf32, #tpu.memory_space<vmem>>, %arg3: memref<1x128xf32, #tpu.memory_space<vmem>>, %arg4: memref<1x96xf32, #tpu.memory_space<vmem>>, %arg5: memref<1x96xf32, #tpu.memory_space<vmem>>, %arg6: memref<1x96xf32, #tpu.memory_space<vmem>>, %arg7: memref<1x96xf32, #tpu.memory_space<vmem>>, %arg8: memref<1024x128xf32, #tpu.memory_space<vmem>>, %arg9: memref<8x128xf32, #tpu.memory_space<vmem>>, %arg10: memref<8x128xf32, #tpu.memory_space<vmem>>) attributes {dimension_semantics = [#tpu.dimension_semantics<arbitrary>], iteration_bounds = array<i64: 512>, scalar_prefetch = 0 : i64, scratch_operands = 0 : i64, tpu.core_type = #tpu.core_type<tc>, window_params = [{transform_indices = @transform_0, window_bounds = array<i64: 1024, 96>}, {pipeline_mode = #tpu.pipeline_mode<synchronous>, transform_indices = @transform_1, window_bounds = array<i64: 96, 128>}, {pipeline_mode = #tpu.pipeline_mode<synchronous>, transform_indices = @transform_2, window_bounds = array<i64: 1, 128>}, {pipeline_mode = #tpu.pipeline_mode<synchronous>, transform_indices = @transform_3, window_bounds = array<i64: 1, 96>}, {pipeline_mode = #tpu.pipeline_mode<synchronous>, transform_indices = @transform_4, window_bounds = array<i64: 1, 96>}, {pipeline_mode = #tpu.pipeline_mode<synchronous>, transform_indices = @transform_5, window_bounds = array<i64: 1, 96>}, {pipeline_mode = #tpu.pipeline_mode<synchronous>, transform_indices = @transform_6, window_bounds = array<i64: 1, 96>}, {transform_indices = @transform_7, window_bounds = array<i64: 1024, 128>}, {pipeline_mode = #tpu.pipeline_mode<synchronous>, transform_indices = @transform_8, window_bounds = array<i64: 8, 128>}, {pipeline_mode = #tpu.pipeline_mode<synchronous>, transform_indices = @transform_9, window_bounds = array<i64: 8, 128>}]} {
    %get3A = arith.constant 0 : index
    %get3A_0 = arith.constant 0 : index
    %get3A_1 = vector.load %arg1[%get3A, %get3A_0] : memref<1024x96xf32, #tpu.memory_space<vmem>>, vector<1024x96xf32>
    %get3A_2 = arith.constant 0 : index
    %get3A_3 = arith.constant 0 : index
    %get3A_4 = vector.load %arg4[%get3A_2, %get3A_3] : memref<1x96xf32, #tpu.memory_space<vmem>>, vector<1x96xf32>
    %sub3A = vector.broadcast %get3A_4 : vector<1x96xf32> to vector<1024x96xf32>
    %sub3A_5 = arith.subf %get3A_1, %sub3A : vector<1024x96xf32>
    %get3A_6 = arith.constant 0 : index
    %get3A_7 = arith.constant 0 : index
    %get3A_8 = vector.load %arg5[%get3A_6, %get3A_7] : memref<1x96xf32, #tpu.memory_space<vmem>>, vector<1x96xf32>
    %mul3A = vector.broadcast %get3A_8 : vector<1x96xf32> to vector<1024x96xf32>
    %mul3A_9 = arith.mulf %sub3A_5, %mul3A : vector<1024x96xf32>
    %get3A_10 = arith.constant 0 : index
    %get3A_11 = arith.constant 0 : index
    %get3A_12 = vector.load %arg6[%get3A_10, %get3A_11] : memref<1x96xf32, #tpu.memory_space<vmem>>, vector<1x96xf32>
    %mul3A_13 = vector.broadcast %get3A_12 : vector<1x96xf32> to vector<1024x96xf32>
    %mul3A_14 = arith.mulf %mul3A_9, %mul3A_13 : vector<1024x96xf32>
    %get3A_15 = arith.constant 0 : index
    %get3A_16 = arith.constant 0 : index
    %get3A_17 = vector.load %arg7[%get3A_15, %get3A_16] : memref<1x96xf32, #tpu.memory_space<vmem>>, vector<1x96xf32>
    %add3A = vector.broadcast %get3A_17 : vector<1x96xf32> to vector<1024x96xf32>
    %add3A_18 = arith.addf %mul3A_14, %add3A : vector<1024x96xf32>
    %max3A = arith.constant 0.000000e+00 : f32
    %max3A_19 = vector.broadcast %max3A : f32 to vector<1024x96xf32>
    %max3A_20 = arith.maximumf %add3A_18, %max3A_19 : vector<1024x96xf32>
    %get3A_21 = arith.constant 0 : index
    %get3A_22 = arith.constant 0 : index
    %get3A_23 = vector.load %arg2[%get3A_21, %get3A_22] : memref<96x128xf32, #tpu.memory_space<vmem>>, vector<96x128xf32>
    %dot_general3A = arith.constant dense<0.000000e+00> : vector<1024x128xf32>
    %dot_general3A_24 = tpu.matmul %max3A_20, %get3A_23, %dot_general3A {dimension_numbers = #tpu.dot_dimension_numbers<[1], [0], [0], [1], [0, 0, 1, 1], [], []>, transpose_lhs_hint = false} : vector<1024x96xf32>, vector<96x128xf32>, vector<1024x128xf32> -> vector<1024x128xf32>
    %get3A_25 = arith.constant 0 : index
    %get3A_26 = arith.constant 0 : index
    %get3A_27 = vector.load %arg3[%get3A_25, %get3A_26] : memref<1x128xf32, #tpu.memory_space<vmem>>, vector<1x128xf32>
    %add3A_28 = vector.broadcast %get3A_27 : vector<1x128xf32> to vector<1024x128xf32>
    %add3A_29 = arith.addf %dot_general3A_24, %add3A_28 : vector<1024x128xf32>
    %swap3A = arith.constant 0 : index
    %swap3A_30 = arith.constant 0 : index
    %swap3A_31 = vector.load %arg8[%swap3A, %swap3A_30] : memref<1024x128xf32, #tpu.memory_space<vmem>>, vector<1024x128xf32>
    tpu.vector_store %arg8[%swap3A, %swap3A_30], %add3A_29 {strides = array<i32>} : memref<1024x128xf32, #tpu.memory_space<vmem>>, vector<1024x128xf32>,
    %eq3A = arith.constant 0 : i32
    %eq3A_32 = arith.cmpi eq, %arg0, %eq3A : i32
    %convert_element_type3A = arith.extui %eq3A_32 : i1 to i32
    %cond3A = arith.constant 0 : i32
    %cond3A_33 = arith.cmpi ne, %convert_element_type3A, %cond3A : i32
    scf.if %cond3A_33 {
      %broadcast_in_dim3A_57 = arith.constant 0.000000e+00 : f32
      %broadcast_in_dim3A_58 = vector.broadcast %broadcast_in_dim3A_57 : f32 to vector<8x128xf32>
      %swap3A_59 = arith.constant 0 : index
      %swap3A_60 = arith.constant 0 : index
      %swap3A_61 = vector.load %arg9[%swap3A_59, %swap3A_60] : memref<8x128xf32, #tpu.memory_space<vmem>>, vector<8x128xf32>
      tpu.vector_store %arg9[%swap3A_59, %swap3A_60], %broadcast_in_dim3A_58 {strides = array<i32>} : memref<8x128xf32, #tpu.memory_space<vmem>>, vector<8x128xf32>,
      %broadcast_in_dim3A_62 = arith.constant 0.000000e+00 : f32
      %broadcast_in_dim3A_63 = vector.broadcast %broadcast_in_dim3A_62 : f32 to vector<8x128xf32>
      %swap3A_64 = arith.constant 0 : index
      %swap3A_65 = arith.constant 0 : index
      %swap3A_66 = vector.load %arg10[%swap3A_64, %swap3A_65] : memref<8x128xf32, #tpu.memory_space<vmem>>, vector<8x128xf32>
      tpu.vector_store %arg10[%swap3A_64, %swap3A_65], %broadcast_in_dim3A_63 {strides = array<i32>} : memref<8x128xf32, #tpu.memory_space<vmem>>, vector<8x128xf32>,
    } else {
    }
    %reduce_sum3A = arith.constant dense<0.000000e+00> : vector<128xf32>
    %reduce_sum3A_34 = vector.multi_reduction <add>, %add3A_29, %reduce_sum3A [0] : vector<1024x128xf32> to vector<128xf32>
    %broadcast_in_dim3A = vector.shape_cast %reduce_sum3A_34 : vector<128xf32> to vector<1x128xf32>
    %mul3A_35 = arith.mulf %add3A_29, %add3A_29 : vector<1024x128xf32>
    %reduce_sum3A_36 = arith.constant dense<0.000000e+00> : vector<128xf32>
    %reduce_sum3A_37 = vector.multi_reduction <add>, %mul3A_35, %reduce_sum3A_36 [0] : vector<1024x128xf32> to vector<128xf32>
    %broadcast_in_dim3A_38 = vector.shape_cast %reduce_sum3A_37 : vector<128xf32> to vector<1x128xf32>
    %get3A_39 = arith.constant 0 : index
    %get3A_40 = arith.constant 0 : index
    %get3A_41 = vector.load %arg9[%get3A_39, %get3A_40] : memref<8x128xf32, #tpu.memory_space<vmem>>, vector<8x128xf32>
    %broadcast_in_dim3A_42 = vector.shape_cast %broadcast_in_dim3A : vector<1x128xf32> to vector<1x128xf32>
    %broadcast_in_dim3A_43 = vector.broadcast %broadcast_in_dim3A_42 : vector<1x128xf32> to vector<8x128xf32>
    %add3A_44 = arith.addf %get3A_41, %broadcast_in_dim3A_43 : vector<8x128xf32>
    %swap3A_45 = arith.constant 0 : index
    %swap3A_46 = arith.constant 0 : index
    %swap3A_47 = vector.load %arg9[%swap3A_45, %swap3A_46] : memref<8x128xf32, #tpu.memory_space<vmem>>, vector<8x128xf32>
    tpu.vector_store %arg9[%swap3A_45, %swap3A_46], %add3A_44 {strides = array<i32>} : memref<8x128xf32, #tpu.memory_space<vmem>>, vector<8x128xf32>,
    %get3A_48 = arith.constant 0 : index
    %get3A_49 = arith.constant 0 : index
    %get3A_50 = vector.load %arg10[%get3A_48, %get3A_49] : memref<8x128xf32, #tpu.memory_space<vmem>>, vector<8x128xf32>
    %broadcast_in_dim3A_51 = vector.shape_cast %broadcast_in_dim3A_38 : vector<1x128xf32> to vector<1x128xf32>
    %broadcast_in_dim3A_52 = vector.broadcast %broadcast_in_dim3A_51 : vector<1x128xf32> to vector<8x128xf32>
    %add3A_53 = arith.addf %get3A_50, %broadcast_in_dim3A_52 : vector<8x128xf32>
    %swap3A_54 = arith.constant 0 : index
    %swap3A_55 = arith.constant 0 : index
    %swap3A_56 = vector.load %arg10[%swap3A_54, %swap3A_55] : memref<8x128xf32, #tpu.memory_space<vmem>>, vector<8x128xf32>
    tpu.vector_store %arg10[%swap3A_54, %swap3A_55], %add3A_53 {strides = array<i32>} : memref<8x128xf32, #tpu.memory_space<vmem>>, vector<8x128xf32>,
    return
  }
  func.func @transform_0(%arg0: i32) -> (i32, i32) {
    %c0_i32 = arith.constant 0 : i32
    %c0_i32_0 = arith.constant 0 : i32
    return %arg0, %c0_i32 : i32, i32
  }
  func.func @transform_1(%arg0: i32) -> (i32, i32) {
    %c0_i32 = arith.constant 0 : i32
    %c0_i32_0 = arith.constant 0 : i32
    %c0_i32_1 = arith.constant 0 : i32
    return %c0_i32, %c0_i32_0 : i32, i32
  }
  func.func @transform_2(%arg0: i32) -> (i32, i32) {
    %c0_i32 = arith.constant 0 : i32
    %c0_i32_0 = arith.constant 0 : i32
    %c0_i32_1 = arith.constant 0 : i32
    return %c0_i32, %c0_i32_0 : i32, i32
  }
  func.func @transform_3(%arg0: i32) -> (i32, i32) {
    %c0_i32 = arith.constant 0 : i32
    %c0_i32_0 = arith.constant 0 : i32
    %c0_i32_1 = arith.constant 0 : i32
    return %c0_i32, %c0_i32_0 : i32, i32
  }
  func.func @transform_4(%arg0: i32) -> (i32, i32) {
    %c0_i32 = arith.constant 0 : i32
    %c0_i32_0 = arith.constant 0 : i32
    %c0_i32_1 = arith.constant 0 : i32
    return %c0_i32, %c0_i32_0 : i32, i32
  }
  func.func @transform_5(%arg0: i32) -> (i32, i32) {
    %c0_i32 = arith.constant 0 : i32
    %c0_i32_0 = arith.constant 0 : i32
    %c0_i32_1 = arith.constant 0 : i32
    return %c0_i32, %c0_i32_0 : i32, i32
  }
  func.func @transform_6(%arg0: i32) -> (i32, i32) {
    %c0_i32 = arith.constant 0 : i32
    %c0_i32_0 = arith.constant 0 : i32
    %c0_i32_1 = arith.constant 0 : i32
    return %c0_i32, %c0_i32_0 : i32, i32
  }
  func.func @transform_7(%arg0: i32) -> (i32, i32) {
    %c0_i32 = arith.constant 0 : i32
    %c0_i32_0 = arith.constant 0 : i32
    return %arg0, %c0_i32 : i32, i32
  }
  func.func @transform_8(%arg0: i32) -> (i32, i32) {
    %c0_i32 = arith.constant 0 : i32
    %c0_i32_0 = arith.constant 0 : i32
    %c0_i32_1 = arith.constant 0 : i32
    return %c0_i32, %c0_i32_0 : i32, i32
  }
  func.func @transform_9(%arg0: i32) -> (i32, i32) {
    %c0_i32 = arith.constant 0 : i32
    %c0_i32_0 = arith.constant 0 : i32
    %c0_i32_1 = arith.constant 0 : i32
    return %c0_i32, %c0_i32_0 : i32, i32
  }
}

module attributes {stable_mosaic.version = 14 : i64} {
  func.func @_pool_kernel(%arg0: i32, %arg1: memref<256x16x64xf32, #tpu.memory_space<vmem>>, %arg2: memref<1x64xf32, #tpu.memory_space<vmem>>, %arg3: memref<1x64xf32, #tpu.memory_space<vmem>>, %arg4: memref<1x64xf32, #tpu.memory_space<vmem>>, %arg5: memref<1x64xf32, #tpu.memory_space<vmem>>, %arg6: memref<256x64xf32, #tpu.memory_space<vmem>>) attributes {dimension_semantics = [#tpu.dimension_semantics<arbitrary>], iteration_bounds = array<i64: 16>, scalar_prefetch = 0 : i64, scratch_operands = 0 : i64, tpu.core_type = #tpu.core_type<tc>, window_params = [{transform_indices = @transform_0, window_bounds = array<i64: 256, 16, 64>}, {pipeline_mode = #tpu.pipeline_mode<synchronous>, transform_indices = @transform_1, window_bounds = array<i64: 1, 64>}, {pipeline_mode = #tpu.pipeline_mode<synchronous>, transform_indices = @transform_2, window_bounds = array<i64: 1, 64>}, {pipeline_mode = #tpu.pipeline_mode<synchronous>, transform_indices = @transform_3, window_bounds = array<i64: 1, 64>}, {pipeline_mode = #tpu.pipeline_mode<synchronous>, transform_indices = @transform_4, window_bounds = array<i64: 1, 64>}, {transform_indices = @transform_5, window_bounds = array<i64: 256, 64>}]} {
    %get3A = arith.constant 0 : index
    %get3A_0 = arith.constant 0 : index
    %get3A_1 = arith.constant 0 : index
    %get3A_2 = vector.load %arg1[%get3A, %get3A_0, %get3A_1] : memref<256x16x64xf32, #tpu.memory_space<vmem>>, vector<256x16x64xf32>
    %get3A_3 = arith.constant 0 : index
    %get3A_4 = arith.constant 0 : index
    %get3A_5 = vector.load %arg2[%get3A_3, %get3A_4] : memref<1x64xf32, #tpu.memory_space<vmem>>, vector<1x64xf32>
    %broadcast_in_dim3A = vector.shape_cast %get3A_5 : vector<1x64xf32> to vector<1x1x64xf32>
    %sub3A = vector.broadcast %broadcast_in_dim3A : vector<1x1x64xf32> to vector<256x16x64xf32>
    %sub3A_6 = arith.subf %get3A_2, %sub3A : vector<256x16x64xf32>
    %get3A_7 = arith.constant 0 : index
    %get3A_8 = arith.constant 0 : index
    %get3A_9 = vector.load %arg3[%get3A_7, %get3A_8] : memref<1x64xf32, #tpu.memory_space<vmem>>, vector<1x64xf32>
    %broadcast_in_dim3A_10 = vector.shape_cast %get3A_9 : vector<1x64xf32> to vector<1x1x64xf32>
    %mul3A = vector.broadcast %broadcast_in_dim3A_10 : vector<1x1x64xf32> to vector<256x16x64xf32>
    %mul3A_11 = arith.mulf %sub3A_6, %mul3A : vector<256x16x64xf32>
    %get3A_12 = arith.constant 0 : index
    %get3A_13 = arith.constant 0 : index
    %get3A_14 = vector.load %arg4[%get3A_12, %get3A_13] : memref<1x64xf32, #tpu.memory_space<vmem>>, vector<1x64xf32>
    %broadcast_in_dim3A_15 = vector.shape_cast %get3A_14 : vector<1x64xf32> to vector<1x1x64xf32>
    %mul3A_16 = vector.broadcast %broadcast_in_dim3A_15 : vector<1x1x64xf32> to vector<256x16x64xf32>
    %mul3A_17 = arith.mulf %mul3A_11, %mul3A_16 : vector<256x16x64xf32>
    %get3A_18 = arith.constant 0 : index
    %get3A_19 = arith.constant 0 : index
    %get3A_20 = vector.load %arg5[%get3A_18, %get3A_19] : memref<1x64xf32, #tpu.memory_space<vmem>>, vector<1x64xf32>
    %broadcast_in_dim3A_21 = vector.shape_cast %get3A_20 : vector<1x64xf32> to vector<1x1x64xf32>
    %add3A = vector.broadcast %broadcast_in_dim3A_21 : vector<1x1x64xf32> to vector<256x16x64xf32>
    %add3A_22 = arith.addf %mul3A_17, %add3A : vector<256x16x64xf32>
    %max3A = arith.constant 0.000000e+00 : f32
    %max3A_23 = vector.broadcast %max3A : f32 to vector<256x16x64xf32>
    %max3A_24 = arith.maximumf %add3A_22, %max3A_23 : vector<256x16x64xf32>
    %reduce_max3A = arith.constant dense<0xFF800000> : vector<256x64xf32>
    %reduce_max3A_25 = vector.multi_reduction <maximumf>, %max3A_24, %reduce_max3A [1] : vector<256x16x64xf32> to vector<256x64xf32>
    %swap3A = arith.constant 0 : index
    %swap3A_26 = arith.constant 0 : index
    %swap3A_27 = vector.load %arg6[%swap3A, %swap3A_26] : memref<256x64xf32, #tpu.memory_space<vmem>>, vector<256x64xf32>
    tpu.vector_store %arg6[%swap3A, %swap3A_26], %reduce_max3A_25 {strides = array<i32>} : memref<256x64xf32, #tpu.memory_space<vmem>>, vector<256x64xf32>,
    return
  }
  func.func @transform_0(%arg0: i32) -> (i32, i32, i32) {
    %c0_i32 = arith.constant 0 : i32
    %c0_i32_0 = arith.constant 0 : i32
    %c0_i32_1 = arith.constant 0 : i32
    return %arg0, %c0_i32, %c0_i32_0 : i32, i32, i32
  }
  func.func @transform_1(%arg0: i32) -> (i32, i32) {
    %c0_i32 = arith.constant 0 : i32
    %c0_i32_0 = arith.constant 0 : i32
    %c0_i32_1 = arith.constant 0 : i32
    return %c0_i32, %c0_i32_0 : i32, i32
  }
  func.func @transform_2(%arg0: i32) -> (i32, i32) {
    %c0_i32 = arith.constant 0 : i32
    %c0_i32_0 = arith.constant 0 : i32
    %c0_i32_1 = arith.constant 0 : i32
    return %c0_i32, %c0_i32_0 : i32, i32
  }
  func.func @transform_3(%arg0: i32) -> (i32, i32) {
    %c0_i32 = arith.constant 0 : i32
    %c0_i32_0 = arith.constant 0 : i32
    %c0_i32_1 = arith.constant 0 : i32
    return %c0_i32, %c0_i32_0 : i32, i32
  }
  func.func @transform_4(%arg0: i32) -> (i32, i32) {
    %c0_i32 = arith.constant 0 : i32
    %c0_i32_0 = arith.constant 0 : i32
    %c0_i32_1 = arith.constant 0 : i32
    return %c0_i32, %c0_i32_0 : i32, i32
  }
  func.func @transform_5(%arg0: i32) -> (i32, i32) {
    %c0_i32 = arith.constant 0 : i32
    %c0_i32_0 = arith.constant 0 : i32
    return %arg0, %c0_i32 : i32, i32
  }
}

module attributes {stable_mosaic.version = 14 : i64} {
  func.func @_pool_kernel(%arg0: i32, %arg1: memref<128x32x128xf32, #tpu.memory_space<vmem>>, %arg2: memref<1x128xf32, #tpu.memory_space<vmem>>, %arg3: memref<1x128xf32, #tpu.memory_space<vmem>>, %arg4: memref<1x128xf32, #tpu.memory_space<vmem>>, %arg5: memref<1x128xf32, #tpu.memory_space<vmem>>, %arg6: memref<128x128xf32, #tpu.memory_space<vmem>>) attributes {dimension_semantics = [#tpu.dimension_semantics<arbitrary>], iteration_bounds = array<i64: 32>, scalar_prefetch = 0 : i64, scratch_operands = 0 : i64, tpu.core_type = #tpu.core_type<tc>, window_params = [{transform_indices = @transform_0, window_bounds = array<i64: 128, 32, 128>}, {pipeline_mode = #tpu.pipeline_mode<synchronous>, transform_indices = @transform_1, window_bounds = array<i64: 1, 128>}, {pipeline_mode = #tpu.pipeline_mode<synchronous>, transform_indices = @transform_2, window_bounds = array<i64: 1, 128>}, {pipeline_mode = #tpu.pipeline_mode<synchronous>, transform_indices = @transform_3, window_bounds = array<i64: 1, 128>}, {pipeline_mode = #tpu.pipeline_mode<synchronous>, transform_indices = @transform_4, window_bounds = array<i64: 1, 128>}, {transform_indices = @transform_5, window_bounds = array<i64: 128, 128>}]} {
    %get3A = arith.constant 0 : index
    %get3A_0 = arith.constant 0 : index
    %get3A_1 = arith.constant 0 : index
    %get3A_2 = vector.load %arg1[%get3A, %get3A_0, %get3A_1] : memref<128x32x128xf32, #tpu.memory_space<vmem>>, vector<128x32x128xf32>
    %get3A_3 = arith.constant 0 : index
    %get3A_4 = arith.constant 0 : index
    %get3A_5 = vector.load %arg2[%get3A_3, %get3A_4] : memref<1x128xf32, #tpu.memory_space<vmem>>, vector<1x128xf32>
    %broadcast_in_dim3A = vector.shape_cast %get3A_5 : vector<1x128xf32> to vector<1x1x128xf32>
    %sub3A = vector.broadcast %broadcast_in_dim3A : vector<1x1x128xf32> to vector<128x32x128xf32>
    %sub3A_6 = arith.subf %get3A_2, %sub3A : vector<128x32x128xf32>
    %get3A_7 = arith.constant 0 : index
    %get3A_8 = arith.constant 0 : index
    %get3A_9 = vector.load %arg3[%get3A_7, %get3A_8] : memref<1x128xf32, #tpu.memory_space<vmem>>, vector<1x128xf32>
    %broadcast_in_dim3A_10 = vector.shape_cast %get3A_9 : vector<1x128xf32> to vector<1x1x128xf32>
    %mul3A = vector.broadcast %broadcast_in_dim3A_10 : vector<1x1x128xf32> to vector<128x32x128xf32>
    %mul3A_11 = arith.mulf %sub3A_6, %mul3A : vector<128x32x128xf32>
    %get3A_12 = arith.constant 0 : index
    %get3A_13 = arith.constant 0 : index
    %get3A_14 = vector.load %arg4[%get3A_12, %get3A_13] : memref<1x128xf32, #tpu.memory_space<vmem>>, vector<1x128xf32>
    %broadcast_in_dim3A_15 = vector.shape_cast %get3A_14 : vector<1x128xf32> to vector<1x1x128xf32>
    %mul3A_16 = vector.broadcast %broadcast_in_dim3A_15 : vector<1x1x128xf32> to vector<128x32x128xf32>
    %mul3A_17 = arith.mulf %mul3A_11, %mul3A_16 : vector<128x32x128xf32>
    %get3A_18 = arith.constant 0 : index
    %get3A_19 = arith.constant 0 : index
    %get3A_20 = vector.load %arg5[%get3A_18, %get3A_19] : memref<1x128xf32, #tpu.memory_space<vmem>>, vector<1x128xf32>
    %broadcast_in_dim3A_21 = vector.shape_cast %get3A_20 : vector<1x128xf32> to vector<1x1x128xf32>
    %add3A = vector.broadcast %broadcast_in_dim3A_21 : vector<1x1x128xf32> to vector<128x32x128xf32>
    %add3A_22 = arith.addf %mul3A_17, %add3A : vector<128x32x128xf32>
    %max3A = arith.constant 0.000000e+00 : f32
    %max3A_23 = vector.broadcast %max3A : f32 to vector<128x32x128xf32>
    %max3A_24 = arith.maximumf %add3A_22, %max3A_23 : vector<128x32x128xf32>
    %reduce_max3A = arith.constant dense<0xFF800000> : vector<128x128xf32>
    %reduce_max3A_25 = vector.multi_reduction <maximumf>, %max3A_24, %reduce_max3A [1] : vector<128x32x128xf32> to vector<128x128xf32>
    %swap3A = arith.constant 0 : index
    %swap3A_26 = arith.constant 0 : index
    %swap3A_27 = vector.load %arg6[%swap3A, %swap3A_26] : memref<128x128xf32, #tpu.memory_space<vmem>>, vector<128x128xf32>
    tpu.vector_store %arg6[%swap3A, %swap3A_26], %reduce_max3A_25 {strides = array<i32>} : memref<128x128xf32, #tpu.memory_space<vmem>>, vector<128x128xf32>,
    return
  }
  func.func @transform_0(%arg0: i32) -> (i32, i32, i32) {
    %c0_i32 = arith.constant 0 : i32
    %c0_i32_0 = arith.constant 0 : i32
    %c0_i32_1 = arith.constant 0 : i32
    return %arg0, %c0_i32, %c0_i32_0 : i32, i32, i32
  }
  func.func @transform_1(%arg0: i32) -> (i32, i32) {
    %c0_i32 = arith.constant 0 : i32
    %c0_i32_0 = arith.constant 0 : i32
    %c0_i32_1 = arith.constant 0 : i32
    return %c0_i32, %c0_i32_0 : i32, i32
  }
  func.func @transform_2(%arg0: i32) -> (i32, i32) {
    %c0_i32 = arith.constant 0 : i32
    %c0_i32_0 = arith.constant 0 : i32
    %c0_i32_1 = arith.constant 0 : i32
    return %c0_i32, %c0_i32_0 : i32, i32
  }
  func.func @transform_3(%arg0: i32) -> (i32, i32) {
    %c0_i32 = arith.constant 0 : i32
    %c0_i32_0 = arith.constant 0 : i32
    %c0_i32_1 = arith.constant 0 : i32
    return %c0_i32, %c0_i32_0 : i32, i32
  }
  func.func @transform_4(%arg0: i32) -> (i32, i32) {
    %c0_i32 = arith.constant 0 : i32
    %c0_i32_0 = arith.constant 0 : i32
    %c0_i32_1 = arith.constant 0 : i32
    return %c0_i32, %c0_i32_0 : i32, i32
  }
  func.func @transform_5(%arg0: i32) -> (i32, i32) {
    %c0_i32 = arith.constant 0 : i32
    %c0_i32_0 = arith.constant 0 : i32
    return %arg0, %c0_i32 : i32, i32
  }
}

module attributes {stable_mosaic.version = 14 : i64} {
  func.func @_pool_kernel(%arg0: i32, %arg1: memref<32x128x128xf32, #tpu.memory_space<vmem>>, %arg2: memref<1x128xf32, #tpu.memory_space<vmem>>, %arg3: memref<1x128xf32, #tpu.memory_space<vmem>>, %arg4: memref<1x128xf32, #tpu.memory_space<vmem>>, %arg5: memref<1x128xf32, #tpu.memory_space<vmem>>, %arg6: memref<32x128xf32, #tpu.memory_space<vmem>>) attributes {dimension_semantics = [#tpu.dimension_semantics<arbitrary>], iteration_bounds = array<i64: 128>, scalar_prefetch = 0 : i64, scratch_operands = 0 : i64, tpu.core_type = #tpu.core_type<tc>, window_params = [{transform_indices = @transform_0, window_bounds = array<i64: 32, 128, 128>}, {pipeline_mode = #tpu.pipeline_mode<synchronous>, transform_indices = @transform_1, window_bounds = array<i64: 1, 128>}, {pipeline_mode = #tpu.pipeline_mode<synchronous>, transform_indices = @transform_2, window_bounds = array<i64: 1, 128>}, {pipeline_mode = #tpu.pipeline_mode<synchronous>, transform_indices = @transform_3, window_bounds = array<i64: 1, 128>}, {pipeline_mode = #tpu.pipeline_mode<synchronous>, transform_indices = @transform_4, window_bounds = array<i64: 1, 128>}, {transform_indices = @transform_5, window_bounds = array<i64: 32, 128>}]} {
    %get3A = arith.constant 0 : index
    %get3A_0 = arith.constant 0 : index
    %get3A_1 = arith.constant 0 : index
    %get3A_2 = vector.load %arg1[%get3A, %get3A_0, %get3A_1] : memref<32x128x128xf32, #tpu.memory_space<vmem>>, vector<32x128x128xf32>
    %get3A_3 = arith.constant 0 : index
    %get3A_4 = arith.constant 0 : index
    %get3A_5 = vector.load %arg2[%get3A_3, %get3A_4] : memref<1x128xf32, #tpu.memory_space<vmem>>, vector<1x128xf32>
    %broadcast_in_dim3A = vector.shape_cast %get3A_5 : vector<1x128xf32> to vector<1x1x128xf32>
    %sub3A = vector.broadcast %broadcast_in_dim3A : vector<1x1x128xf32> to vector<32x128x128xf32>
    %sub3A_6 = arith.subf %get3A_2, %sub3A : vector<32x128x128xf32>
    %get3A_7 = arith.constant 0 : index
    %get3A_8 = arith.constant 0 : index
    %get3A_9 = vector.load %arg3[%get3A_7, %get3A_8] : memref<1x128xf32, #tpu.memory_space<vmem>>, vector<1x128xf32>
    %broadcast_in_dim3A_10 = vector.shape_cast %get3A_9 : vector<1x128xf32> to vector<1x1x128xf32>
    %mul3A = vector.broadcast %broadcast_in_dim3A_10 : vector<1x1x128xf32> to vector<32x128x128xf32>
    %mul3A_11 = arith.mulf %sub3A_6, %mul3A : vector<32x128x128xf32>
    %get3A_12 = arith.constant 0 : index
    %get3A_13 = arith.constant 0 : index
    %get3A_14 = vector.load %arg4[%get3A_12, %get3A_13] : memref<1x128xf32, #tpu.memory_space<vmem>>, vector<1x128xf32>
    %broadcast_in_dim3A_15 = vector.shape_cast %get3A_14 : vector<1x128xf32> to vector<1x1x128xf32>
    %mul3A_16 = vector.broadcast %broadcast_in_dim3A_15 : vector<1x1x128xf32> to vector<32x128x128xf32>
    %mul3A_17 = arith.mulf %mul3A_11, %mul3A_16 : vector<32x128x128xf32>
    %get3A_18 = arith.constant 0 : index
    %get3A_19 = arith.constant 0 : index
    %get3A_20 = vector.load %arg5[%get3A_18, %get3A_19] : memref<1x128xf32, #tpu.memory_space<vmem>>, vector<1x128xf32>
    %broadcast_in_dim3A_21 = vector.shape_cast %get3A_20 : vector<1x128xf32> to vector<1x1x128xf32>
    %add3A = vector.broadcast %broadcast_in_dim3A_21 : vector<1x1x128xf32> to vector<32x128x128xf32>
    %add3A_22 = arith.addf %mul3A_17, %add3A : vector<32x128x128xf32>
    %max3A = arith.constant 0.000000e+00 : f32
    %max3A_23 = vector.broadcast %max3A : f32 to vector<32x128x128xf32>
    %max3A_24 = arith.maximumf %add3A_22, %max3A_23 : vector<32x128x128xf32>
    %reduce_max3A = arith.constant dense<0xFF800000> : vector<32x128xf32>
    %reduce_max3A_25 = vector.multi_reduction <maximumf>, %max3A_24, %reduce_max3A [1] : vector<32x128x128xf32> to vector<32x128xf32>
    %swap3A = arith.constant 0 : index
    %swap3A_26 = arith.constant 0 : index
    %swap3A_27 = vector.load %arg6[%swap3A, %swap3A_26] : memref<32x128xf32, #tpu.memory_space<vmem>>, vector<32x128xf32>
    tpu.vector_store %arg6[%swap3A, %swap3A_26], %reduce_max3A_25 {strides = array<i32>} : memref<32x128xf32, #tpu.memory_space<vmem>>, vector<32x128xf32>,
    return
  }
  func.func @transform_0(%arg0: i32) -> (i32, i32, i32) {
    %c0_i32 = arith.constant 0 : i32
    %c0_i32_0 = arith.constant 0 : i32
    %c0_i32_1 = arith.constant 0 : i32
    return %arg0, %c0_i32, %c0_i32_0 : i32, i32, i32
  }
  func.func @transform_1(%arg0: i32) -> (i32, i32) {
    %c0_i32 = arith.constant 0 : i32
    %c0_i32_0 = arith.constant 0 : i32
    %c0_i32_1 = arith.constant 0 : i32
    return %c0_i32, %c0_i32_0 : i32, i32
  }
  func.func @transform_2(%arg0: i32) -> (i32, i32) {
    %c0_i32 = arith.constant 0 : i32
    %c0_i32_0 = arith.constant 0 : i32
    %c0_i32_1 = arith.constant 0 : i32
    return %c0_i32, %c0_i32_0 : i32, i32
  }
  func.func @transform_3(%arg0: i32) -> (i32, i32) {
    %c0_i32 = arith.constant 0 : i32
    %c0_i32_0 = arith.constant 0 : i32
    %c0_i32_1 = arith.constant 0 : i32
    return %c0_i32, %c0_i32_0 : i32, i32
  }
  func.func @transform_4(%arg0: i32) -> (i32, i32) {
    %c0_i32 = arith.constant 0 : i32
    %c0_i32_0 = arith.constant 0 : i32
    %c0_i32_1 = arith.constant 0 : i32
    return %c0_i32, %c0_i32_0 : i32, i32
  }
  func.func @transform_5(%arg0: i32) -> (i32, i32) {
    %c0_i32 = arith.constant 0 : i32
    %c0_i32_0 = arith.constant 0 : i32
    return %arg0, %c0_i32 : i32, i32
  }
}

module attributes {stable_mosaic.version = 14 : i64} {
  func.func @_mm_kernel(%arg0: i32, %arg1: memref<1024x323xf32, #tpu.memory_space<vmem>>, %arg2: memref<323x64xf32, #tpu.memory_space<vmem>>, %arg3: memref<1x64xf32, #tpu.memory_space<vmem>>, %arg4: memref<1x323xf32, #tpu.memory_space<vmem>>, %arg5: memref<1x323xf32, #tpu.memory_space<vmem>>, %arg6: memref<1x323xf32, #tpu.memory_space<vmem>>, %arg7: memref<1x323xf32, #tpu.memory_space<vmem>>, %arg8: memref<1024x64xf32, #tpu.memory_space<vmem>>, %arg9: memref<8x64xf32, #tpu.memory_space<vmem>>, %arg10: memref<8x64xf32, #tpu.memory_space<vmem>>) attributes {dimension_semantics = [#tpu.dimension_semantics<arbitrary>], iteration_bounds = array<i64: 32>, scalar_prefetch = 0 : i64, scratch_operands = 0 : i64, tpu.core_type = #tpu.core_type<tc>, window_params = [{transform_indices = @transform_0, window_bounds = array<i64: 1024, 323>}, {pipeline_mode = #tpu.pipeline_mode<synchronous>, transform_indices = @transform_1, window_bounds = array<i64: 323, 64>}, {pipeline_mode = #tpu.pipeline_mode<synchronous>, transform_indices = @transform_2, window_bounds = array<i64: 1, 64>}, {pipeline_mode = #tpu.pipeline_mode<synchronous>, transform_indices = @transform_3, window_bounds = array<i64: 1, 323>}, {pipeline_mode = #tpu.pipeline_mode<synchronous>, transform_indices = @transform_4, window_bounds = array<i64: 1, 323>}, {pipeline_mode = #tpu.pipeline_mode<synchronous>, transform_indices = @transform_5, window_bounds = array<i64: 1, 323>}, {pipeline_mode = #tpu.pipeline_mode<synchronous>, transform_indices = @transform_6, window_bounds = array<i64: 1, 323>}, {transform_indices = @transform_7, window_bounds = array<i64: 1024, 64>}, {pipeline_mode = #tpu.pipeline_mode<synchronous>, transform_indices = @transform_8, window_bounds = array<i64: 8, 64>}, {pipeline_mode = #tpu.pipeline_mode<synchronous>, transform_indices = @transform_9, window_bounds = array<i64: 8, 64>}]} {
    %get3A = arith.constant 0 : index
    %get3A_0 = arith.constant 0 : index
    %get3A_1 = vector.load %arg1[%get3A, %get3A_0] : memref<1024x323xf32, #tpu.memory_space<vmem>>, vector<1024x323xf32>
    %get3A_2 = arith.constant 0 : index
    %get3A_3 = arith.constant 0 : index
    %get3A_4 = vector.load %arg2[%get3A_2, %get3A_3] : memref<323x64xf32, #tpu.memory_space<vmem>>, vector<323x64xf32>
    %dot_general3A = arith.constant dense<0.000000e+00> : vector<1024x64xf32>
    %dot_general3A_5 = tpu.matmul %get3A_1, %get3A_4, %dot_general3A {dimension_numbers = #tpu.dot_dimension_numbers<[1], [0], [0], [1], [0, 0, 1, 1], [], []>, transpose_lhs_hint = false} : vector<1024x323xf32>, vector<323x64xf32>, vector<1024x64xf32> -> vector<1024x64xf32>
    %get3A_6 = arith.constant 0 : index
    %get3A_7 = arith.constant 0 : index
    %get3A_8 = vector.load %arg3[%get3A_6, %get3A_7] : memref<1x64xf32, #tpu.memory_space<vmem>>, vector<1x64xf32>
    %add3A = vector.broadcast %get3A_8 : vector<1x64xf32> to vector<1024x64xf32>
    %add3A_9 = arith.addf %dot_general3A_5, %add3A : vector<1024x64xf32>
    %swap3A = arith.constant 0 : index
    %swap3A_10 = arith.constant 0 : index
    %swap3A_11 = vector.load %arg8[%swap3A, %swap3A_10] : memref<1024x64xf32, #tpu.memory_space<vmem>>, vector<1024x64xf32>
    tpu.vector_store %arg8[%swap3A, %swap3A_10], %add3A_9 {strides = array<i32>} : memref<1024x64xf32, #tpu.memory_space<vmem>>, vector<1024x64xf32>,
    %eq3A = arith.constant 0 : i32
    %eq3A_12 = arith.cmpi eq, %arg0, %eq3A : i32
    %convert_element_type3A = arith.extui %eq3A_12 : i1 to i32
    %cond3A = arith.constant 0 : i32
    %cond3A_13 = arith.cmpi ne, %convert_element_type3A, %cond3A : i32
    scf.if %cond3A_13 {
      %broadcast_in_dim3A_36 = arith.constant 0.000000e+00 : f32
      %broadcast_in_dim3A_37 = vector.broadcast %broadcast_in_dim3A_36 : f32 to vector<8x64xf32>
      %swap3A_38 = arith.constant 0 : index
      %swap3A_39 = arith.constant 0 : index
      %swap3A_40 = vector.load %arg9[%swap3A_38, %swap3A_39] : memref<8x64xf32, #tpu.memory_space<vmem>>, vector<8x64xf32>
      tpu.vector_store %arg9[%swap3A_38, %swap3A_39], %broadcast_in_dim3A_37 {strides = array<i32>} : memref<8x64xf32, #tpu.memory_space<vmem>>, vector<8x64xf32>,
      %broadcast_in_dim3A_41 = arith.constant 0.000000e+00 : f32
      %broadcast_in_dim3A_42 = vector.broadcast %broadcast_in_dim3A_41 : f32 to vector<8x64xf32>
      %swap3A_43 = arith.constant 0 : index
      %swap3A_44 = arith.constant 0 : index
      %swap3A_45 = vector.load %arg10[%swap3A_43, %swap3A_44] : memref<8x64xf32, #tpu.memory_space<vmem>>, vector<8x64xf32>
      tpu.vector_store %arg10[%swap3A_43, %swap3A_44], %broadcast_in_dim3A_42 {strides = array<i32>} : memref<8x64xf32, #tpu.memory_space<vmem>>, vector<8x64xf32>,
    } else {
    }
    %reduce_sum3A = arith.constant dense<0.000000e+00> : vector<64xf32>
    %reduce_sum3A_14 = vector.multi_reduction <add>, %add3A_9, %reduce_sum3A [0] : vector<1024x64xf32> to vector<64xf32>
    %broadcast_in_dim3A = vector.shape_cast %reduce_sum3A_14 : vector<64xf32> to vector<1x64xf32>
    %mul3A = arith.mulf %add3A_9, %add3A_9 : vector<1024x64xf32>
    %reduce_sum3A_15 = arith.constant dense<0.000000e+00> : vector<64xf32>
    %reduce_sum3A_16 = vector.multi_reduction <add>, %mul3A, %reduce_sum3A_15 [0] : vector<1024x64xf32> to vector<64xf32>
    %broadcast_in_dim3A_17 = vector.shape_cast %reduce_sum3A_16 : vector<64xf32> to vector<1x64xf32>
    %get3A_18 = arith.constant 0 : index
    %get3A_19 = arith.constant 0 : index
    %get3A_20 = vector.load %arg9[%get3A_18, %get3A_19] : memref<8x64xf32, #tpu.memory_space<vmem>>, vector<8x64xf32>
    %broadcast_in_dim3A_21 = vector.shape_cast %broadcast_in_dim3A : vector<1x64xf32> to vector<1x64xf32>
    %broadcast_in_dim3A_22 = vector.broadcast %broadcast_in_dim3A_21 : vector<1x64xf32> to vector<8x64xf32>
    %add3A_23 = arith.addf %get3A_20, %broadcast_in_dim3A_22 : vector<8x64xf32>
    %swap3A_24 = arith.constant 0 : index
    %swap3A_25 = arith.constant 0 : index
    %swap3A_26 = vector.load %arg9[%swap3A_24, %swap3A_25] : memref<8x64xf32, #tpu.memory_space<vmem>>, vector<8x64xf32>
    tpu.vector_store %arg9[%swap3A_24, %swap3A_25], %add3A_23 {strides = array<i32>} : memref<8x64xf32, #tpu.memory_space<vmem>>, vector<8x64xf32>,
    %get3A_27 = arith.constant 0 : index
    %get3A_28 = arith.constant 0 : index
    %get3A_29 = vector.load %arg10[%get3A_27, %get3A_28] : memref<8x64xf32, #tpu.memory_space<vmem>>, vector<8x64xf32>
    %broadcast_in_dim3A_30 = vector.shape_cast %broadcast_in_dim3A_17 : vector<1x64xf32> to vector<1x64xf32>
    %broadcast_in_dim3A_31 = vector.broadcast %broadcast_in_dim3A_30 : vector<1x64xf32> to vector<8x64xf32>
    %add3A_32 = arith.addf %get3A_29, %broadcast_in_dim3A_31 : vector<8x64xf32>
    %swap3A_33 = arith.constant 0 : index
    %swap3A_34 = arith.constant 0 : index
    %swap3A_35 = vector.load %arg10[%swap3A_33, %swap3A_34] : memref<8x64xf32, #tpu.memory_space<vmem>>, vector<8x64xf32>
    tpu.vector_store %arg10[%swap3A_33, %swap3A_34], %add3A_32 {strides = array<i32>} : memref<8x64xf32, #tpu.memory_space<vmem>>, vector<8x64xf32>,
    return
  }
  func.func @transform_0(%arg0: i32) -> (i32, i32) {
    %c0_i32 = arith.constant 0 : i32
    %c0_i32_0 = arith.constant 0 : i32
    return %arg0, %c0_i32 : i32, i32
  }
  func.func @transform_1(%arg0: i32) -> (i32, i32) {
    %c0_i32 = arith.constant 0 : i32
    %c0_i32_0 = arith.constant 0 : i32
    %c0_i32_1 = arith.constant 0 : i32
    return %c0_i32, %c0_i32_0 : i32, i32
  }
  func.func @transform_2(%arg0: i32) -> (i32, i32) {
    %c0_i32 = arith.constant 0 : i32
    %c0_i32_0 = arith.constant 0 : i32
    %c0_i32_1 = arith.constant 0 : i32
    return %c0_i32, %c0_i32_0 : i32, i32
  }
  func.func @transform_3(%arg0: i32) -> (i32, i32) {
    %c0_i32 = arith.constant 0 : i32
    %c0_i32_0 = arith.constant 0 : i32
    %c0_i32_1 = arith.constant 0 : i32
    return %c0_i32, %c0_i32_0 : i32, i32
  }
  func.func @transform_4(%arg0: i32) -> (i32, i32) {
    %c0_i32 = arith.constant 0 : i32
    %c0_i32_0 = arith.constant 0 : i32
    %c0_i32_1 = arith.constant 0 : i32
    return %c0_i32, %c0_i32_0 : i32, i32
  }
  func.func @transform_5(%arg0: i32) -> (i32, i32) {
    %c0_i32 = arith.constant 0 : i32
    %c0_i32_0 = arith.constant 0 : i32
    %c0_i32_1 = arith.constant 0 : i32
    return %c0_i32, %c0_i32_0 : i32, i32
  }
  func.func @transform_6(%arg0: i32) -> (i32, i32) {
    %c0_i32 = arith.constant 0 : i32
    %c0_i32_0 = arith.constant 0 : i32
    %c0_i32_1 = arith.constant 0 : i32
    return %c0_i32, %c0_i32_0 : i32, i32
  }
  func.func @transform_7(%arg0: i32) -> (i32, i32) {
    %c0_i32 = arith.constant 0 : i32
    %c0_i32_0 = arith.constant 0 : i32
    return %arg0, %c0_i32 : i32, i32
  }
  func.func @transform_8(%arg0: i32) -> (i32, i32) {
    %c0_i32 = arith.constant 0 : i32
    %c0_i32_0 = arith.constant 0 : i32
    %c0_i32_1 = arith.constant 0 : i32
    return %c0_i32, %c0_i32_0 : i32, i32
  }
  func.func @transform_9(%arg0: i32) -> (i32, i32) {
    %c0_i32 = arith.constant 0 : i32
    %c0_i32_0 = arith.constant 0 : i32
    %c0_i32_1 = arith.constant 0 : i32
    return %c0_i32, %c0_i32_0 : i32, i32
  }
}

module attributes {stable_mosaic.version = 14 : i64} {
  func.func @_mm_kernel(%arg0: i32, %arg1: memref<1024x64xf32, #tpu.memory_space<vmem>>, %arg2: memref<64x64xf32, #tpu.memory_space<vmem>>, %arg3: memref<1x64xf32, #tpu.memory_space<vmem>>, %arg4: memref<1x64xf32, #tpu.memory_space<vmem>>, %arg5: memref<1x64xf32, #tpu.memory_space<vmem>>, %arg6: memref<1x64xf32, #tpu.memory_space<vmem>>, %arg7: memref<1x64xf32, #tpu.memory_space<vmem>>, %arg8: memref<1024x64xf32, #tpu.memory_space<vmem>>, %arg9: memref<8x64xf32, #tpu.memory_space<vmem>>, %arg10: memref<8x64xf32, #tpu.memory_space<vmem>>) attributes {dimension_semantics = [#tpu.dimension_semantics<arbitrary>], iteration_bounds = array<i64: 32>, scalar_prefetch = 0 : i64, scratch_operands = 0 : i64, tpu.core_type = #tpu.core_type<tc>, window_params = [{transform_indices = @transform_0, window_bounds = array<i64: 1024, 64>}, {pipeline_mode = #tpu.pipeline_mode<synchronous>, transform_indices = @transform_1, window_bounds = array<i64: 64, 64>}, {pipeline_mode = #tpu.pipeline_mode<synchronous>, transform_indices = @transform_2, window_bounds = array<i64: 1, 64>}, {pipeline_mode = #tpu.pipeline_mode<synchronous>, transform_indices = @transform_3, window_bounds = array<i64: 1, 64>}, {pipeline_mode = #tpu.pipeline_mode<synchronous>, transform_indices = @transform_4, window_bounds = array<i64: 1, 64>}, {pipeline_mode = #tpu.pipeline_mode<synchronous>, transform_indices = @transform_5, window_bounds = array<i64: 1, 64>}, {pipeline_mode = #tpu.pipeline_mode<synchronous>, transform_indices = @transform_6, window_bounds = array<i64: 1, 64>}, {transform_indices = @transform_7, window_bounds = array<i64: 1024, 64>}, {pipeline_mode = #tpu.pipeline_mode<synchronous>, transform_indices = @transform_8, window_bounds = array<i64: 8, 64>}, {pipeline_mode = #tpu.pipeline_mode<synchronous>, transform_indices = @transform_9, window_bounds = array<i64: 8, 64>}]} {
    %get3A = arith.constant 0 : index
    %get3A_0 = arith.constant 0 : index
    %get3A_1 = vector.load %arg1[%get3A, %get3A_0] : memref<1024x64xf32, #tpu.memory_space<vmem>>, vector<1024x64xf32>
    %get3A_2 = arith.constant 0 : index
    %get3A_3 = arith.constant 0 : index
    %get3A_4 = vector.load %arg4[%get3A_2, %get3A_3] : memref<1x64xf32, #tpu.memory_space<vmem>>, vector<1x64xf32>
    %sub3A = vector.broadcast %get3A_4 : vector<1x64xf32> to vector<1024x64xf32>
    %sub3A_5 = arith.subf %get3A_1, %sub3A : vector<1024x64xf32>
    %get3A_6 = arith.constant 0 : index
    %get3A_7 = arith.constant 0 : index
    %get3A_8 = vector.load %arg5[%get3A_6, %get3A_7] : memref<1x64xf32, #tpu.memory_space<vmem>>, vector<1x64xf32>
    %mul3A = vector.broadcast %get3A_8 : vector<1x64xf32> to vector<1024x64xf32>
    %mul3A_9 = arith.mulf %sub3A_5, %mul3A : vector<1024x64xf32>
    %get3A_10 = arith.constant 0 : index
    %get3A_11 = arith.constant 0 : index
    %get3A_12 = vector.load %arg6[%get3A_10, %get3A_11] : memref<1x64xf32, #tpu.memory_space<vmem>>, vector<1x64xf32>
    %mul3A_13 = vector.broadcast %get3A_12 : vector<1x64xf32> to vector<1024x64xf32>
    %mul3A_14 = arith.mulf %mul3A_9, %mul3A_13 : vector<1024x64xf32>
    %get3A_15 = arith.constant 0 : index
    %get3A_16 = arith.constant 0 : index
    %get3A_17 = vector.load %arg7[%get3A_15, %get3A_16] : memref<1x64xf32, #tpu.memory_space<vmem>>, vector<1x64xf32>
    %add3A = vector.broadcast %get3A_17 : vector<1x64xf32> to vector<1024x64xf32>
    %add3A_18 = arith.addf %mul3A_14, %add3A : vector<1024x64xf32>
    %max3A = arith.constant 0.000000e+00 : f32
    %max3A_19 = vector.broadcast %max3A : f32 to vector<1024x64xf32>
    %max3A_20 = arith.maximumf %add3A_18, %max3A_19 : vector<1024x64xf32>
    %get3A_21 = arith.constant 0 : index
    %get3A_22 = arith.constant 0 : index
    %get3A_23 = vector.load %arg2[%get3A_21, %get3A_22] : memref<64x64xf32, #tpu.memory_space<vmem>>, vector<64x64xf32>
    %dot_general3A = arith.constant dense<0.000000e+00> : vector<1024x64xf32>
    %dot_general3A_24 = tpu.matmul %max3A_20, %get3A_23, %dot_general3A {dimension_numbers = #tpu.dot_dimension_numbers<[1], [0], [0], [1], [0, 0, 1, 1], [], []>, transpose_lhs_hint = false} : vector<1024x64xf32>, vector<64x64xf32>, vector<1024x64xf32> -> vector<1024x64xf32>
    %get3A_25 = arith.constant 0 : index
    %get3A_26 = arith.constant 0 : index
    %get3A_27 = vector.load %arg3[%get3A_25, %get3A_26] : memref<1x64xf32, #tpu.memory_space<vmem>>, vector<1x64xf32>
    %add3A_28 = vector.broadcast %get3A_27 : vector<1x64xf32> to vector<1024x64xf32>
    %add3A_29 = arith.addf %dot_general3A_24, %add3A_28 : vector<1024x64xf32>
    %swap3A = arith.constant 0 : index
    %swap3A_30 = arith.constant 0 : index
    %swap3A_31 = vector.load %arg8[%swap3A, %swap3A_30] : memref<1024x64xf32, #tpu.memory_space<vmem>>, vector<1024x64xf32>
    tpu.vector_store %arg8[%swap3A, %swap3A_30], %add3A_29 {strides = array<i32>} : memref<1024x64xf32, #tpu.memory_space<vmem>>, vector<1024x64xf32>,
    %eq3A = arith.constant 0 : i32
    %eq3A_32 = arith.cmpi eq, %arg0, %eq3A : i32
    %convert_element_type3A = arith.extui %eq3A_32 : i1 to i32
    %cond3A = arith.constant 0 : i32
    %cond3A_33 = arith.cmpi ne, %convert_element_type3A, %cond3A : i32
    scf.if %cond3A_33 {
      %broadcast_in_dim3A_57 = arith.constant 0.000000e+00 : f32
      %broadcast_in_dim3A_58 = vector.broadcast %broadcast_in_dim3A_57 : f32 to vector<8x64xf32>
      %swap3A_59 = arith.constant 0 : index
      %swap3A_60 = arith.constant 0 : index
      %swap3A_61 = vector.load %arg9[%swap3A_59, %swap3A_60] : memref<8x64xf32, #tpu.memory_space<vmem>>, vector<8x64xf32>
      tpu.vector_store %arg9[%swap3A_59, %swap3A_60], %broadcast_in_dim3A_58 {strides = array<i32>} : memref<8x64xf32, #tpu.memory_space<vmem>>, vector<8x64xf32>,
      %broadcast_in_dim3A_62 = arith.constant 0.000000e+00 : f32
      %broadcast_in_dim3A_63 = vector.broadcast %broadcast_in_dim3A_62 : f32 to vector<8x64xf32>
      %swap3A_64 = arith.constant 0 : index
      %swap3A_65 = arith.constant 0 : index
      %swap3A_66 = vector.load %arg10[%swap3A_64, %swap3A_65] : memref<8x64xf32, #tpu.memory_space<vmem>>, vector<8x64xf32>
      tpu.vector_store %arg10[%swap3A_64, %swap3A_65], %broadcast_in_dim3A_63 {strides = array<i32>} : memref<8x64xf32, #tpu.memory_space<vmem>>, vector<8x64xf32>,
    } else {
    }
    %reduce_sum3A = arith.constant dense<0.000000e+00> : vector<64xf32>
    %reduce_sum3A_34 = vector.multi_reduction <add>, %add3A_29, %reduce_sum3A [0] : vector<1024x64xf32> to vector<64xf32>
    %broadcast_in_dim3A = vector.shape_cast %reduce_sum3A_34 : vector<64xf32> to vector<1x64xf32>
    %mul3A_35 = arith.mulf %add3A_29, %add3A_29 : vector<1024x64xf32>
    %reduce_sum3A_36 = arith.constant dense<0.000000e+00> : vector<64xf32>
    %reduce_sum3A_37 = vector.multi_reduction <add>, %mul3A_35, %reduce_sum3A_36 [0] : vector<1024x64xf32> to vector<64xf32>
    %broadcast_in_dim3A_38 = vector.shape_cast %reduce_sum3A_37 : vector<64xf32> to vector<1x64xf32>
    %get3A_39 = arith.constant 0 : index
    %get3A_40 = arith.constant 0 : index
    %get3A_41 = vector.load %arg9[%get3A_39, %get3A_40] : memref<8x64xf32, #tpu.memory_space<vmem>>, vector<8x64xf32>
    %broadcast_in_dim3A_42 = vector.shape_cast %broadcast_in_dim3A : vector<1x64xf32> to vector<1x64xf32>
    %broadcast_in_dim3A_43 = vector.broadcast %broadcast_in_dim3A_42 : vector<1x64xf32> to vector<8x64xf32>
    %add3A_44 = arith.addf %get3A_41, %broadcast_in_dim3A_43 : vector<8x64xf32>
    %swap3A_45 = arith.constant 0 : index
    %swap3A_46 = arith.constant 0 : index
    %swap3A_47 = vector.load %arg9[%swap3A_45, %swap3A_46] : memref<8x64xf32, #tpu.memory_space<vmem>>, vector<8x64xf32>
    tpu.vector_store %arg9[%swap3A_45, %swap3A_46], %add3A_44 {strides = array<i32>} : memref<8x64xf32, #tpu.memory_space<vmem>>, vector<8x64xf32>,
    %get3A_48 = arith.constant 0 : index
    %get3A_49 = arith.constant 0 : index
    %get3A_50 = vector.load %arg10[%get3A_48, %get3A_49] : memref<8x64xf32, #tpu.memory_space<vmem>>, vector<8x64xf32>
    %broadcast_in_dim3A_51 = vector.shape_cast %broadcast_in_dim3A_38 : vector<1x64xf32> to vector<1x64xf32>
    %broadcast_in_dim3A_52 = vector.broadcast %broadcast_in_dim3A_51 : vector<1x64xf32> to vector<8x64xf32>
    %add3A_53 = arith.addf %get3A_50, %broadcast_in_dim3A_52 : vector<8x64xf32>
    %swap3A_54 = arith.constant 0 : index
    %swap3A_55 = arith.constant 0 : index
    %swap3A_56 = vector.load %arg10[%swap3A_54, %swap3A_55] : memref<8x64xf32, #tpu.memory_space<vmem>>, vector<8x64xf32>
    tpu.vector_store %arg10[%swap3A_54, %swap3A_55], %add3A_53 {strides = array<i32>} : memref<8x64xf32, #tpu.memory_space<vmem>>, vector<8x64xf32>,
    return
  }
  func.func @transform_0(%arg0: i32) -> (i32, i32) {
    %c0_i32 = arith.constant 0 : i32
    %c0_i32_0 = arith.constant 0 : i32
    return %arg0, %c0_i32 : i32, i32
  }
  func.func @transform_1(%arg0: i32) -> (i32, i32) {
    %c0_i32 = arith.constant 0 : i32
    %c0_i32_0 = arith.constant 0 : i32
    %c0_i32_1 = arith.constant 0 : i32
    return %c0_i32, %c0_i32_0 : i32, i32
  }
  func.func @transform_2(%arg0: i32) -> (i32, i32) {
    %c0_i32 = arith.constant 0 : i32
    %c0_i32_0 = arith.constant 0 : i32
    %c0_i32_1 = arith.constant 0 : i32
    return %c0_i32, %c0_i32_0 : i32, i32
  }
  func.func @transform_3(%arg0: i32) -> (i32, i32) {
    %c0_i32 = arith.constant 0 : i32
    %c0_i32_0 = arith.constant 0 : i32
    %c0_i32_1 = arith.constant 0 : i32
    return %c0_i32, %c0_i32_0 : i32, i32
  }
  func.func @transform_4(%arg0: i32) -> (i32, i32) {
    %c0_i32 = arith.constant 0 : i32
    %c0_i32_0 = arith.constant 0 : i32
    %c0_i32_1 = arith.constant 0 : i32
    return %c0_i32, %c0_i32_0 : i32, i32
  }
  func.func @transform_5(%arg0: i32) -> (i32, i32) {
    %c0_i32 = arith.constant 0 : i32
    %c0_i32_0 = arith.constant 0 : i32
    %c0_i32_1 = arith.constant 0 : i32
    return %c0_i32, %c0_i32_0 : i32, i32
  }
  func.func @transform_6(%arg0: i32) -> (i32, i32) {
    %c0_i32 = arith.constant 0 : i32
    %c0_i32_0 = arith.constant 0 : i32
    %c0_i32_1 = arith.constant 0 : i32
    return %c0_i32, %c0_i32_0 : i32, i32
  }
  func.func @transform_7(%arg0: i32) -> (i32, i32) {
    %c0_i32 = arith.constant 0 : i32
    %c0_i32_0 = arith.constant 0 : i32
    return %arg0, %c0_i32 : i32, i32
  }
  func.func @transform_8(%arg0: i32) -> (i32, i32) {
    %c0_i32 = arith.constant 0 : i32
    %c0_i32_0 = arith.constant 0 : i32
    %c0_i32_1 = arith.constant 0 : i32
    return %c0_i32, %c0_i32_0 : i32, i32
  }
  func.func @transform_9(%arg0: i32) -> (i32, i32) {
    %c0_i32 = arith.constant 0 : i32
    %c0_i32_0 = arith.constant 0 : i32
    %c0_i32_1 = arith.constant 0 : i32
    return %c0_i32, %c0_i32_0 : i32, i32
  }
}

module attributes {stable_mosaic.version = 14 : i64} {
  func.func @_mm_kernel(%arg0: i32, %arg1: memref<1024x64xf32, #tpu.memory_space<vmem>>, %arg2: memref<64x128xf32, #tpu.memory_space<vmem>>, %arg3: memref<1x128xf32, #tpu.memory_space<vmem>>, %arg4: memref<1x64xf32, #tpu.memory_space<vmem>>, %arg5: memref<1x64xf32, #tpu.memory_space<vmem>>, %arg6: memref<1x64xf32, #tpu.memory_space<vmem>>, %arg7: memref<1x64xf32, #tpu.memory_space<vmem>>, %arg8: memref<1024x128xf32, #tpu.memory_space<vmem>>, %arg9: memref<8x128xf32, #tpu.memory_space<vmem>>, %arg10: memref<8x128xf32, #tpu.memory_space<vmem>>) attributes {dimension_semantics = [#tpu.dimension_semantics<arbitrary>], iteration_bounds = array<i64: 32>, scalar_prefetch = 0 : i64, scratch_operands = 0 : i64, tpu.core_type = #tpu.core_type<tc>, window_params = [{transform_indices = @transform_0, window_bounds = array<i64: 1024, 64>}, {pipeline_mode = #tpu.pipeline_mode<synchronous>, transform_indices = @transform_1, window_bounds = array<i64: 64, 128>}, {pipeline_mode = #tpu.pipeline_mode<synchronous>, transform_indices = @transform_2, window_bounds = array<i64: 1, 128>}, {pipeline_mode = #tpu.pipeline_mode<synchronous>, transform_indices = @transform_3, window_bounds = array<i64: 1, 64>}, {pipeline_mode = #tpu.pipeline_mode<synchronous>, transform_indices = @transform_4, window_bounds = array<i64: 1, 64>}, {pipeline_mode = #tpu.pipeline_mode<synchronous>, transform_indices = @transform_5, window_bounds = array<i64: 1, 64>}, {pipeline_mode = #tpu.pipeline_mode<synchronous>, transform_indices = @transform_6, window_bounds = array<i64: 1, 64>}, {transform_indices = @transform_7, window_bounds = array<i64: 1024, 128>}, {pipeline_mode = #tpu.pipeline_mode<synchronous>, transform_indices = @transform_8, window_bounds = array<i64: 8, 128>}, {pipeline_mode = #tpu.pipeline_mode<synchronous>, transform_indices = @transform_9, window_bounds = array<i64: 8, 128>}]} {
    %get3A = arith.constant 0 : index
    %get3A_0 = arith.constant 0 : index
    %get3A_1 = vector.load %arg1[%get3A, %get3A_0] : memref<1024x64xf32, #tpu.memory_space<vmem>>, vector<1024x64xf32>
    %get3A_2 = arith.constant 0 : index
    %get3A_3 = arith.constant 0 : index
    %get3A_4 = vector.load %arg4[%get3A_2, %get3A_3] : memref<1x64xf32, #tpu.memory_space<vmem>>, vector<1x64xf32>
    %sub3A = vector.broadcast %get3A_4 : vector<1x64xf32> to vector<1024x64xf32>
    %sub3A_5 = arith.subf %get3A_1, %sub3A : vector<1024x64xf32>
    %get3A_6 = arith.constant 0 : index
    %get3A_7 = arith.constant 0 : index
    %get3A_8 = vector.load %arg5[%get3A_6, %get3A_7] : memref<1x64xf32, #tpu.memory_space<vmem>>, vector<1x64xf32>
    %mul3A = vector.broadcast %get3A_8 : vector<1x64xf32> to vector<1024x64xf32>
    %mul3A_9 = arith.mulf %sub3A_5, %mul3A : vector<1024x64xf32>
    %get3A_10 = arith.constant 0 : index
    %get3A_11 = arith.constant 0 : index
    %get3A_12 = vector.load %arg6[%get3A_10, %get3A_11] : memref<1x64xf32, #tpu.memory_space<vmem>>, vector<1x64xf32>
    %mul3A_13 = vector.broadcast %get3A_12 : vector<1x64xf32> to vector<1024x64xf32>
    %mul3A_14 = arith.mulf %mul3A_9, %mul3A_13 : vector<1024x64xf32>
    %get3A_15 = arith.constant 0 : index
    %get3A_16 = arith.constant 0 : index
    %get3A_17 = vector.load %arg7[%get3A_15, %get3A_16] : memref<1x64xf32, #tpu.memory_space<vmem>>, vector<1x64xf32>
    %add3A = vector.broadcast %get3A_17 : vector<1x64xf32> to vector<1024x64xf32>
    %add3A_18 = arith.addf %mul3A_14, %add3A : vector<1024x64xf32>
    %max3A = arith.constant 0.000000e+00 : f32
    %max3A_19 = vector.broadcast %max3A : f32 to vector<1024x64xf32>
    %max3A_20 = arith.maximumf %add3A_18, %max3A_19 : vector<1024x64xf32>
    %get3A_21 = arith.constant 0 : index
    %get3A_22 = arith.constant 0 : index
    %get3A_23 = vector.load %arg2[%get3A_21, %get3A_22] : memref<64x128xf32, #tpu.memory_space<vmem>>, vector<64x128xf32>
    %dot_general3A = arith.constant dense<0.000000e+00> : vector<1024x128xf32>
    %dot_general3A_24 = tpu.matmul %max3A_20, %get3A_23, %dot_general3A {dimension_numbers = #tpu.dot_dimension_numbers<[1], [0], [0], [1], [0, 0, 1, 1], [], []>, transpose_lhs_hint = false} : vector<1024x64xf32>, vector<64x128xf32>, vector<1024x128xf32> -> vector<1024x128xf32>
    %get3A_25 = arith.constant 0 : index
    %get3A_26 = arith.constant 0 : index
    %get3A_27 = vector.load %arg3[%get3A_25, %get3A_26] : memref<1x128xf32, #tpu.memory_space<vmem>>, vector<1x128xf32>
    %add3A_28 = vector.broadcast %get3A_27 : vector<1x128xf32> to vector<1024x128xf32>
    %add3A_29 = arith.addf %dot_general3A_24, %add3A_28 : vector<1024x128xf32>
    %swap3A = arith.constant 0 : index
    %swap3A_30 = arith.constant 0 : index
    %swap3A_31 = vector.load %arg8[%swap3A, %swap3A_30] : memref<1024x128xf32, #tpu.memory_space<vmem>>, vector<1024x128xf32>
    tpu.vector_store %arg8[%swap3A, %swap3A_30], %add3A_29 {strides = array<i32>} : memref<1024x128xf32, #tpu.memory_space<vmem>>, vector<1024x128xf32>,
    %eq3A = arith.constant 0 : i32
    %eq3A_32 = arith.cmpi eq, %arg0, %eq3A : i32
    %convert_element_type3A = arith.extui %eq3A_32 : i1 to i32
    %cond3A = arith.constant 0 : i32
    %cond3A_33 = arith.cmpi ne, %convert_element_type3A, %cond3A : i32
    scf.if %cond3A_33 {
      %broadcast_in_dim3A_57 = arith.constant 0.000000e+00 : f32
      %broadcast_in_dim3A_58 = vector.broadcast %broadcast_in_dim3A_57 : f32 to vector<8x128xf32>
      %swap3A_59 = arith.constant 0 : index
      %swap3A_60 = arith.constant 0 : index
      %swap3A_61 = vector.load %arg9[%swap3A_59, %swap3A_60] : memref<8x128xf32, #tpu.memory_space<vmem>>, vector<8x128xf32>
      tpu.vector_store %arg9[%swap3A_59, %swap3A_60], %broadcast_in_dim3A_58 {strides = array<i32>} : memref<8x128xf32, #tpu.memory_space<vmem>>, vector<8x128xf32>,
      %broadcast_in_dim3A_62 = arith.constant 0.000000e+00 : f32
      %broadcast_in_dim3A_63 = vector.broadcast %broadcast_in_dim3A_62 : f32 to vector<8x128xf32>
      %swap3A_64 = arith.constant 0 : index
      %swap3A_65 = arith.constant 0 : index
      %swap3A_66 = vector.load %arg10[%swap3A_64, %swap3A_65] : memref<8x128xf32, #tpu.memory_space<vmem>>, vector<8x128xf32>
      tpu.vector_store %arg10[%swap3A_64, %swap3A_65], %broadcast_in_dim3A_63 {strides = array<i32>} : memref<8x128xf32, #tpu.memory_space<vmem>>, vector<8x128xf32>,
    } else {
    }
    %reduce_sum3A = arith.constant dense<0.000000e+00> : vector<128xf32>
    %reduce_sum3A_34 = vector.multi_reduction <add>, %add3A_29, %reduce_sum3A [0] : vector<1024x128xf32> to vector<128xf32>
    %broadcast_in_dim3A = vector.shape_cast %reduce_sum3A_34 : vector<128xf32> to vector<1x128xf32>
    %mul3A_35 = arith.mulf %add3A_29, %add3A_29 : vector<1024x128xf32>
    %reduce_sum3A_36 = arith.constant dense<0.000000e+00> : vector<128xf32>
    %reduce_sum3A_37 = vector.multi_reduction <add>, %mul3A_35, %reduce_sum3A_36 [0] : vector<1024x128xf32> to vector<128xf32>
    %broadcast_in_dim3A_38 = vector.shape_cast %reduce_sum3A_37 : vector<128xf32> to vector<1x128xf32>
    %get3A_39 = arith.constant 0 : index
    %get3A_40 = arith.constant 0 : index
    %get3A_41 = vector.load %arg9[%get3A_39, %get3A_40] : memref<8x128xf32, #tpu.memory_space<vmem>>, vector<8x128xf32>
    %broadcast_in_dim3A_42 = vector.shape_cast %broadcast_in_dim3A : vector<1x128xf32> to vector<1x128xf32>
    %broadcast_in_dim3A_43 = vector.broadcast %broadcast_in_dim3A_42 : vector<1x128xf32> to vector<8x128xf32>
    %add3A_44 = arith.addf %get3A_41, %broadcast_in_dim3A_43 : vector<8x128xf32>
    %swap3A_45 = arith.constant 0 : index
    %swap3A_46 = arith.constant 0 : index
    %swap3A_47 = vector.load %arg9[%swap3A_45, %swap3A_46] : memref<8x128xf32, #tpu.memory_space<vmem>>, vector<8x128xf32>
    tpu.vector_store %arg9[%swap3A_45, %swap3A_46], %add3A_44 {strides = array<i32>} : memref<8x128xf32, #tpu.memory_space<vmem>>, vector<8x128xf32>,
    %get3A_48 = arith.constant 0 : index
    %get3A_49 = arith.constant 0 : index
    %get3A_50 = vector.load %arg10[%get3A_48, %get3A_49] : memref<8x128xf32, #tpu.memory_space<vmem>>, vector<8x128xf32>
    %broadcast_in_dim3A_51 = vector.shape_cast %broadcast_in_dim3A_38 : vector<1x128xf32> to vector<1x128xf32>
    %broadcast_in_dim3A_52 = vector.broadcast %broadcast_in_dim3A_51 : vector<1x128xf32> to vector<8x128xf32>
    %add3A_53 = arith.addf %get3A_50, %broadcast_in_dim3A_52 : vector<8x128xf32>
    %swap3A_54 = arith.constant 0 : index
    %swap3A_55 = arith.constant 0 : index
    %swap3A_56 = vector.load %arg10[%swap3A_54, %swap3A_55] : memref<8x128xf32, #tpu.memory_space<vmem>>, vector<8x128xf32>
    tpu.vector_store %arg10[%swap3A_54, %swap3A_55], %add3A_53 {strides = array<i32>} : memref<8x128xf32, #tpu.memory_space<vmem>>, vector<8x128xf32>,
    return
  }
  func.func @transform_0(%arg0: i32) -> (i32, i32) {
    %c0_i32 = arith.constant 0 : i32
    %c0_i32_0 = arith.constant 0 : i32
    return %arg0, %c0_i32 : i32, i32
  }
  func.func @transform_1(%arg0: i32) -> (i32, i32) {
    %c0_i32 = arith.constant 0 : i32
    %c0_i32_0 = arith.constant 0 : i32
    %c0_i32_1 = arith.constant 0 : i32
    return %c0_i32, %c0_i32_0 : i32, i32
  }
  func.func @transform_2(%arg0: i32) -> (i32, i32) {
    %c0_i32 = arith.constant 0 : i32
    %c0_i32_0 = arith.constant 0 : i32
    %c0_i32_1 = arith.constant 0 : i32
    return %c0_i32, %c0_i32_0 : i32, i32
  }
  func.func @transform_3(%arg0: i32) -> (i32, i32) {
    %c0_i32 = arith.constant 0 : i32
    %c0_i32_0 = arith.constant 0 : i32
    %c0_i32_1 = arith.constant 0 : i32
    return %c0_i32, %c0_i32_0 : i32, i32
  }
  func.func @transform_4(%arg0: i32) -> (i32, i32) {
    %c0_i32 = arith.constant 0 : i32
    %c0_i32_0 = arith.constant 0 : i32
    %c0_i32_1 = arith.constant 0 : i32
    return %c0_i32, %c0_i32_0 : i32, i32
  }
  func.func @transform_5(%arg0: i32) -> (i32, i32) {
    %c0_i32 = arith.constant 0 : i32
    %c0_i32_0 = arith.constant 0 : i32
    %c0_i32_1 = arith.constant 0 : i32
    return %c0_i32, %c0_i32_0 : i32, i32
  }
  func.func @transform_6(%arg0: i32) -> (i32, i32) {
    %c0_i32 = arith.constant 0 : i32
    %c0_i32_0 = arith.constant 0 : i32
    %c0_i32_1 = arith.constant 0 : i32
    return %c0_i32, %c0_i32_0 : i32, i32
  }
  func.func @transform_7(%arg0: i32) -> (i32, i32) {
    %c0_i32 = arith.constant 0 : i32
    %c0_i32_0 = arith.constant 0 : i32
    return %arg0, %c0_i32 : i32, i32
  }
  func.func @transform_8(%arg0: i32) -> (i32, i32) {
    %c0_i32 = arith.constant 0 : i32
    %c0_i32_0 = arith.constant 0 : i32
    %c0_i32_1 = arith.constant 0 : i32
    return %c0_i32, %c0_i32_0 : i32, i32
  }
  func.func @transform_9(%arg0: i32) -> (i32, i32) {
    %c0_i32 = arith.constant 0 : i32
    %c0_i32_0 = arith.constant 0 : i32
    %c0_i32_1 = arith.constant 0 : i32
    return %c0_i32, %c0_i32_0 : i32, i32
  }
}

module attributes {stable_mosaic.version = 14 : i64} {
  func.func @_mm_kernel(%arg0: i32, %arg1: memref<1024x323xf32, #tpu.memory_space<vmem>>, %arg2: memref<323x128xf32, #tpu.memory_space<vmem>>, %arg3: memref<1x128xf32, #tpu.memory_space<vmem>>, %arg4: memref<1x323xf32, #tpu.memory_space<vmem>>, %arg5: memref<1x323xf32, #tpu.memory_space<vmem>>, %arg6: memref<1x323xf32, #tpu.memory_space<vmem>>, %arg7: memref<1x323xf32, #tpu.memory_space<vmem>>, %arg8: memref<1024x128xf32, #tpu.memory_space<vmem>>, %arg9: memref<8x128xf32, #tpu.memory_space<vmem>>, %arg10: memref<8x128xf32, #tpu.memory_space<vmem>>) attributes {dimension_semantics = [#tpu.dimension_semantics<arbitrary>], iteration_bounds = array<i64: 64>, scalar_prefetch = 0 : i64, scratch_operands = 0 : i64, tpu.core_type = #tpu.core_type<tc>, window_params = [{transform_indices = @transform_0, window_bounds = array<i64: 1024, 323>}, {pipeline_mode = #tpu.pipeline_mode<synchronous>, transform_indices = @transform_1, window_bounds = array<i64: 323, 128>}, {pipeline_mode = #tpu.pipeline_mode<synchronous>, transform_indices = @transform_2, window_bounds = array<i64: 1, 128>}, {pipeline_mode = #tpu.pipeline_mode<synchronous>, transform_indices = @transform_3, window_bounds = array<i64: 1, 323>}, {pipeline_mode = #tpu.pipeline_mode<synchronous>, transform_indices = @transform_4, window_bounds = array<i64: 1, 323>}, {pipeline_mode = #tpu.pipeline_mode<synchronous>, transform_indices = @transform_5, window_bounds = array<i64: 1, 323>}, {pipeline_mode = #tpu.pipeline_mode<synchronous>, transform_indices = @transform_6, window_bounds = array<i64: 1, 323>}, {transform_indices = @transform_7, window_bounds = array<i64: 1024, 128>}, {pipeline_mode = #tpu.pipeline_mode<synchronous>, transform_indices = @transform_8, window_bounds = array<i64: 8, 128>}, {pipeline_mode = #tpu.pipeline_mode<synchronous>, transform_indices = @transform_9, window_bounds = array<i64: 8, 128>}]} {
    %get3A = arith.constant 0 : index
    %get3A_0 = arith.constant 0 : index
    %get3A_1 = vector.load %arg1[%get3A, %get3A_0] : memref<1024x323xf32, #tpu.memory_space<vmem>>, vector<1024x323xf32>
    %get3A_2 = arith.constant 0 : index
    %get3A_3 = arith.constant 0 : index
    %get3A_4 = vector.load %arg2[%get3A_2, %get3A_3] : memref<323x128xf32, #tpu.memory_space<vmem>>, vector<323x128xf32>
    %dot_general3A = arith.constant dense<0.000000e+00> : vector<1024x128xf32>
    %dot_general3A_5 = tpu.matmul %get3A_1, %get3A_4, %dot_general3A {dimension_numbers = #tpu.dot_dimension_numbers<[1], [0], [0], [1], [0, 0, 1, 1], [], []>, transpose_lhs_hint = false} : vector<1024x323xf32>, vector<323x128xf32>, vector<1024x128xf32> -> vector<1024x128xf32>
    %get3A_6 = arith.constant 0 : index
    %get3A_7 = arith.constant 0 : index
    %get3A_8 = vector.load %arg3[%get3A_6, %get3A_7] : memref<1x128xf32, #tpu.memory_space<vmem>>, vector<1x128xf32>
    %add3A = vector.broadcast %get3A_8 : vector<1x128xf32> to vector<1024x128xf32>
    %add3A_9 = arith.addf %dot_general3A_5, %add3A : vector<1024x128xf32>
    %swap3A = arith.constant 0 : index
    %swap3A_10 = arith.constant 0 : index
    %swap3A_11 = vector.load %arg8[%swap3A, %swap3A_10] : memref<1024x128xf32, #tpu.memory_space<vmem>>, vector<1024x128xf32>
    tpu.vector_store %arg8[%swap3A, %swap3A_10], %add3A_9 {strides = array<i32>} : memref<1024x128xf32, #tpu.memory_space<vmem>>, vector<1024x128xf32>,
    %eq3A = arith.constant 0 : i32
    %eq3A_12 = arith.cmpi eq, %arg0, %eq3A : i32
    %convert_element_type3A = arith.extui %eq3A_12 : i1 to i32
    %cond3A = arith.constant 0 : i32
    %cond3A_13 = arith.cmpi ne, %convert_element_type3A, %cond3A : i32
    scf.if %cond3A_13 {
      %broadcast_in_dim3A_36 = arith.constant 0.000000e+00 : f32
      %broadcast_in_dim3A_37 = vector.broadcast %broadcast_in_dim3A_36 : f32 to vector<8x128xf32>
      %swap3A_38 = arith.constant 0 : index
      %swap3A_39 = arith.constant 0 : index
      %swap3A_40 = vector.load %arg9[%swap3A_38, %swap3A_39] : memref<8x128xf32, #tpu.memory_space<vmem>>, vector<8x128xf32>
      tpu.vector_store %arg9[%swap3A_38, %swap3A_39], %broadcast_in_dim3A_37 {strides = array<i32>} : memref<8x128xf32, #tpu.memory_space<vmem>>, vector<8x128xf32>,
      %broadcast_in_dim3A_41 = arith.constant 0.000000e+00 : f32
      %broadcast_in_dim3A_42 = vector.broadcast %broadcast_in_dim3A_41 : f32 to vector<8x128xf32>
      %swap3A_43 = arith.constant 0 : index
      %swap3A_44 = arith.constant 0 : index
      %swap3A_45 = vector.load %arg10[%swap3A_43, %swap3A_44] : memref<8x128xf32, #tpu.memory_space<vmem>>, vector<8x128xf32>
      tpu.vector_store %arg10[%swap3A_43, %swap3A_44], %broadcast_in_dim3A_42 {strides = array<i32>} : memref<8x128xf32, #tpu.memory_space<vmem>>, vector<8x128xf32>,
    } else {
    }
    %reduce_sum3A = arith.constant dense<0.000000e+00> : vector<128xf32>
    %reduce_sum3A_14 = vector.multi_reduction <add>, %add3A_9, %reduce_sum3A [0] : vector<1024x128xf32> to vector<128xf32>
    %broadcast_in_dim3A = vector.shape_cast %reduce_sum3A_14 : vector<128xf32> to vector<1x128xf32>
    %mul3A = arith.mulf %add3A_9, %add3A_9 : vector<1024x128xf32>
    %reduce_sum3A_15 = arith.constant dense<0.000000e+00> : vector<128xf32>
    %reduce_sum3A_16 = vector.multi_reduction <add>, %mul3A, %reduce_sum3A_15 [0] : vector<1024x128xf32> to vector<128xf32>
    %broadcast_in_dim3A_17 = vector.shape_cast %reduce_sum3A_16 : vector<128xf32> to vector<1x128xf32>
    %get3A_18 = arith.constant 0 : index
    %get3A_19 = arith.constant 0 : index
    %get3A_20 = vector.load %arg9[%get3A_18, %get3A_19] : memref<8x128xf32, #tpu.memory_space<vmem>>, vector<8x128xf32>
    %broadcast_in_dim3A_21 = vector.shape_cast %broadcast_in_dim3A : vector<1x128xf32> to vector<1x128xf32>
    %broadcast_in_dim3A_22 = vector.broadcast %broadcast_in_dim3A_21 : vector<1x128xf32> to vector<8x128xf32>
    %add3A_23 = arith.addf %get3A_20, %broadcast_in_dim3A_22 : vector<8x128xf32>
    %swap3A_24 = arith.constant 0 : index
    %swap3A_25 = arith.constant 0 : index
    %swap3A_26 = vector.load %arg9[%swap3A_24, %swap3A_25] : memref<8x128xf32, #tpu.memory_space<vmem>>, vector<8x128xf32>
    tpu.vector_store %arg9[%swap3A_24, %swap3A_25], %add3A_23 {strides = array<i32>} : memref<8x128xf32, #tpu.memory_space<vmem>>, vector<8x128xf32>,
    %get3A_27 = arith.constant 0 : index
    %get3A_28 = arith.constant 0 : index
    %get3A_29 = vector.load %arg10[%get3A_27, %get3A_28] : memref<8x128xf32, #tpu.memory_space<vmem>>, vector<8x128xf32>
    %broadcast_in_dim3A_30 = vector.shape_cast %broadcast_in_dim3A_17 : vector<1x128xf32> to vector<1x128xf32>
    %broadcast_in_dim3A_31 = vector.broadcast %broadcast_in_dim3A_30 : vector<1x128xf32> to vector<8x128xf32>
    %add3A_32 = arith.addf %get3A_29, %broadcast_in_dim3A_31 : vector<8x128xf32>
    %swap3A_33 = arith.constant 0 : index
    %swap3A_34 = arith.constant 0 : index
    %swap3A_35 = vector.load %arg10[%swap3A_33, %swap3A_34] : memref<8x128xf32, #tpu.memory_space<vmem>>, vector<8x128xf32>
    tpu.vector_store %arg10[%swap3A_33, %swap3A_34], %add3A_32 {strides = array<i32>} : memref<8x128xf32, #tpu.memory_space<vmem>>, vector<8x128xf32>,
    return
  }
  func.func @transform_0(%arg0: i32) -> (i32, i32) {
    %c0_i32 = arith.constant 0 : i32
    %c0_i32_0 = arith.constant 0 : i32
    return %arg0, %c0_i32 : i32, i32
  }
  func.func @transform_1(%arg0: i32) -> (i32, i32) {
    %c0_i32 = arith.constant 0 : i32
    %c0_i32_0 = arith.constant 0 : i32
    %c0_i32_1 = arith.constant 0 : i32
    return %c0_i32, %c0_i32_0 : i32, i32
  }
  func.func @transform_2(%arg0: i32) -> (i32, i32) {
    %c0_i32 = arith.constant 0 : i32
    %c0_i32_0 = arith.constant 0 : i32
    %c0_i32_1 = arith.constant 0 : i32
    return %c0_i32, %c0_i32_0 : i32, i32
  }
  func.func @transform_3(%arg0: i32) -> (i32, i32) {
    %c0_i32 = arith.constant 0 : i32
    %c0_i32_0 = arith.constant 0 : i32
    %c0_i32_1 = arith.constant 0 : i32
    return %c0_i32, %c0_i32_0 : i32, i32
  }
  func.func @transform_4(%arg0: i32) -> (i32, i32) {
    %c0_i32 = arith.constant 0 : i32
    %c0_i32_0 = arith.constant 0 : i32
    %c0_i32_1 = arith.constant 0 : i32
    return %c0_i32, %c0_i32_0 : i32, i32
  }
  func.func @transform_5(%arg0: i32) -> (i32, i32) {
    %c0_i32 = arith.constant 0 : i32
    %c0_i32_0 = arith.constant 0 : i32
    %c0_i32_1 = arith.constant 0 : i32
    return %c0_i32, %c0_i32_0 : i32, i32
  }
  func.func @transform_6(%arg0: i32) -> (i32, i32) {
    %c0_i32 = arith.constant 0 : i32
    %c0_i32_0 = arith.constant 0 : i32
    %c0_i32_1 = arith.constant 0 : i32
    return %c0_i32, %c0_i32_0 : i32, i32
  }
  func.func @transform_7(%arg0: i32) -> (i32, i32) {
    %c0_i32 = arith.constant 0 : i32
    %c0_i32_0 = arith.constant 0 : i32
    return %arg0, %c0_i32 : i32, i32
  }
  func.func @transform_8(%arg0: i32) -> (i32, i32) {
    %c0_i32 = arith.constant 0 : i32
    %c0_i32_0 = arith.constant 0 : i32
    %c0_i32_1 = arith.constant 0 : i32
    return %c0_i32, %c0_i32_0 : i32, i32
  }
  func.func @transform_9(%arg0: i32) -> (i32, i32) {
    %c0_i32 = arith.constant 0 : i32
    %c0_i32_0 = arith.constant 0 : i32
    %c0_i32_1 = arith.constant 0 : i32
    return %c0_i32, %c0_i32_0 : i32, i32
  }
}

module attributes {stable_mosaic.version = 14 : i64} {
  func.func @_mm_kernel(%arg0: i32, %arg1: memref<1024x128xf32, #tpu.memory_space<vmem>>, %arg2: memref<128x128xf32, #tpu.memory_space<vmem>>, %arg3: memref<1x128xf32, #tpu.memory_space<vmem>>, %arg4: memref<1x128xf32, #tpu.memory_space<vmem>>, %arg5: memref<1x128xf32, #tpu.memory_space<vmem>>, %arg6: memref<1x128xf32, #tpu.memory_space<vmem>>, %arg7: memref<1x128xf32, #tpu.memory_space<vmem>>, %arg8: memref<1024x128xf32, #tpu.memory_space<vmem>>, %arg9: memref<8x128xf32, #tpu.memory_space<vmem>>, %arg10: memref<8x128xf32, #tpu.memory_space<vmem>>) attributes {dimension_semantics = [#tpu.dimension_semantics<arbitrary>], iteration_bounds = array<i64: 64>, scalar_prefetch = 0 : i64, scratch_operands = 0 : i64, tpu.core_type = #tpu.core_type<tc>, window_params = [{transform_indices = @transform_0, window_bounds = array<i64: 1024, 128>}, {pipeline_mode = #tpu.pipeline_mode<synchronous>, transform_indices = @transform_1, window_bounds = array<i64: 128, 128>}, {pipeline_mode = #tpu.pipeline_mode<synchronous>, transform_indices = @transform_2, window_bounds = array<i64: 1, 128>}, {pipeline_mode = #tpu.pipeline_mode<synchronous>, transform_indices = @transform_3, window_bounds = array<i64: 1, 128>}, {pipeline_mode = #tpu.pipeline_mode<synchronous>, transform_indices = @transform_4, window_bounds = array<i64: 1, 128>}, {pipeline_mode = #tpu.pipeline_mode<synchronous>, transform_indices = @transform_5, window_bounds = array<i64: 1, 128>}, {pipeline_mode = #tpu.pipeline_mode<synchronous>, transform_indices = @transform_6, window_bounds = array<i64: 1, 128>}, {transform_indices = @transform_7, window_bounds = array<i64: 1024, 128>}, {pipeline_mode = #tpu.pipeline_mode<synchronous>, transform_indices = @transform_8, window_bounds = array<i64: 8, 128>}, {pipeline_mode = #tpu.pipeline_mode<synchronous>, transform_indices = @transform_9, window_bounds = array<i64: 8, 128>}]} {
    %get3A = arith.constant 0 : index
    %get3A_0 = arith.constant 0 : index
    %get3A_1 = vector.load %arg1[%get3A, %get3A_0] : memref<1024x128xf32, #tpu.memory_space<vmem>>, vector<1024x128xf32>
    %get3A_2 = arith.constant 0 : index
    %get3A_3 = arith.constant 0 : index
    %get3A_4 = vector.load %arg4[%get3A_2, %get3A_3] : memref<1x128xf32, #tpu.memory_space<vmem>>, vector<1x128xf32>
    %sub3A = vector.broadcast %get3A_4 : vector<1x128xf32> to vector<1024x128xf32>
    %sub3A_5 = arith.subf %get3A_1, %sub3A : vector<1024x128xf32>
    %get3A_6 = arith.constant 0 : index
    %get3A_7 = arith.constant 0 : index
    %get3A_8 = vector.load %arg5[%get3A_6, %get3A_7] : memref<1x128xf32, #tpu.memory_space<vmem>>, vector<1x128xf32>
    %mul3A = vector.broadcast %get3A_8 : vector<1x128xf32> to vector<1024x128xf32>
    %mul3A_9 = arith.mulf %sub3A_5, %mul3A : vector<1024x128xf32>
    %get3A_10 = arith.constant 0 : index
    %get3A_11 = arith.constant 0 : index
    %get3A_12 = vector.load %arg6[%get3A_10, %get3A_11] : memref<1x128xf32, #tpu.memory_space<vmem>>, vector<1x128xf32>
    %mul3A_13 = vector.broadcast %get3A_12 : vector<1x128xf32> to vector<1024x128xf32>
    %mul3A_14 = arith.mulf %mul3A_9, %mul3A_13 : vector<1024x128xf32>
    %get3A_15 = arith.constant 0 : index
    %get3A_16 = arith.constant 0 : index
    %get3A_17 = vector.load %arg7[%get3A_15, %get3A_16] : memref<1x128xf32, #tpu.memory_space<vmem>>, vector<1x128xf32>
    %add3A = vector.broadcast %get3A_17 : vector<1x128xf32> to vector<1024x128xf32>
    %add3A_18 = arith.addf %mul3A_14, %add3A : vector<1024x128xf32>
    %max3A = arith.constant 0.000000e+00 : f32
    %max3A_19 = vector.broadcast %max3A : f32 to vector<1024x128xf32>
    %max3A_20 = arith.maximumf %add3A_18, %max3A_19 : vector<1024x128xf32>
    %get3A_21 = arith.constant 0 : index
    %get3A_22 = arith.constant 0 : index
    %get3A_23 = vector.load %arg2[%get3A_21, %get3A_22] : memref<128x128xf32, #tpu.memory_space<vmem>>, vector<128x128xf32>
    %dot_general3A = arith.constant dense<0.000000e+00> : vector<1024x128xf32>
    %dot_general3A_24 = tpu.matmul %max3A_20, %get3A_23, %dot_general3A {dimension_numbers = #tpu.dot_dimension_numbers<[1], [0], [0], [1], [0, 0, 1, 1], [], []>, transpose_lhs_hint = false} : vector<1024x128xf32>, vector<128x128xf32>, vector<1024x128xf32> -> vector<1024x128xf32>
    %get3A_25 = arith.constant 0 : index
    %get3A_26 = arith.constant 0 : index
    %get3A_27 = vector.load %arg3[%get3A_25, %get3A_26] : memref<1x128xf32, #tpu.memory_space<vmem>>, vector<1x128xf32>
    %add3A_28 = vector.broadcast %get3A_27 : vector<1x128xf32> to vector<1024x128xf32>
    %add3A_29 = arith.addf %dot_general3A_24, %add3A_28 : vector<1024x128xf32>
    %swap3A = arith.constant 0 : index
    %swap3A_30 = arith.constant 0 : index
    %swap3A_31 = vector.load %arg8[%swap3A, %swap3A_30] : memref<1024x128xf32, #tpu.memory_space<vmem>>, vector<1024x128xf32>
    tpu.vector_store %arg8[%swap3A, %swap3A_30], %add3A_29 {strides = array<i32>} : memref<1024x128xf32, #tpu.memory_space<vmem>>, vector<1024x128xf32>,
    %eq3A = arith.constant 0 : i32
    %eq3A_32 = arith.cmpi eq, %arg0, %eq3A : i32
    %convert_element_type3A = arith.extui %eq3A_32 : i1 to i32
    %cond3A = arith.constant 0 : i32
    %cond3A_33 = arith.cmpi ne, %convert_element_type3A, %cond3A : i32
    scf.if %cond3A_33 {
      %broadcast_in_dim3A_57 = arith.constant 0.000000e+00 : f32
      %broadcast_in_dim3A_58 = vector.broadcast %broadcast_in_dim3A_57 : f32 to vector<8x128xf32>
      %swap3A_59 = arith.constant 0 : index
      %swap3A_60 = arith.constant 0 : index
      %swap3A_61 = vector.load %arg9[%swap3A_59, %swap3A_60] : memref<8x128xf32, #tpu.memory_space<vmem>>, vector<8x128xf32>
      tpu.vector_store %arg9[%swap3A_59, %swap3A_60], %broadcast_in_dim3A_58 {strides = array<i32>} : memref<8x128xf32, #tpu.memory_space<vmem>>, vector<8x128xf32>,
      %broadcast_in_dim3A_62 = arith.constant 0.000000e+00 : f32
      %broadcast_in_dim3A_63 = vector.broadcast %broadcast_in_dim3A_62 : f32 to vector<8x128xf32>
      %swap3A_64 = arith.constant 0 : index
      %swap3A_65 = arith.constant 0 : index
      %swap3A_66 = vector.load %arg10[%swap3A_64, %swap3A_65] : memref<8x128xf32, #tpu.memory_space<vmem>>, vector<8x128xf32>
      tpu.vector_store %arg10[%swap3A_64, %swap3A_65], %broadcast_in_dim3A_63 {strides = array<i32>} : memref<8x128xf32, #tpu.memory_space<vmem>>, vector<8x128xf32>,
    } else {
    }
    %reduce_sum3A = arith.constant dense<0.000000e+00> : vector<128xf32>
    %reduce_sum3A_34 = vector.multi_reduction <add>, %add3A_29, %reduce_sum3A [0] : vector<1024x128xf32> to vector<128xf32>
    %broadcast_in_dim3A = vector.shape_cast %reduce_sum3A_34 : vector<128xf32> to vector<1x128xf32>
    %mul3A_35 = arith.mulf %add3A_29, %add3A_29 : vector<1024x128xf32>
    %reduce_sum3A_36 = arith.constant dense<0.000000e+00> : vector<128xf32>
    %reduce_sum3A_37 = vector.multi_reduction <add>, %mul3A_35, %reduce_sum3A_36 [0] : vector<1024x128xf32> to vector<128xf32>
    %broadcast_in_dim3A_38 = vector.shape_cast %reduce_sum3A_37 : vector<128xf32> to vector<1x128xf32>
    %get3A_39 = arith.constant 0 : index
    %get3A_40 = arith.constant 0 : index
    %get3A_41 = vector.load %arg9[%get3A_39, %get3A_40] : memref<8x128xf32, #tpu.memory_space<vmem>>, vector<8x128xf32>
    %broadcast_in_dim3A_42 = vector.shape_cast %broadcast_in_dim3A : vector<1x128xf32> to vector<1x128xf32>
    %broadcast_in_dim3A_43 = vector.broadcast %broadcast_in_dim3A_42 : vector<1x128xf32> to vector<8x128xf32>
    %add3A_44 = arith.addf %get3A_41, %broadcast_in_dim3A_43 : vector<8x128xf32>
    %swap3A_45 = arith.constant 0 : index
    %swap3A_46 = arith.constant 0 : index
    %swap3A_47 = vector.load %arg9[%swap3A_45, %swap3A_46] : memref<8x128xf32, #tpu.memory_space<vmem>>, vector<8x128xf32>
    tpu.vector_store %arg9[%swap3A_45, %swap3A_46], %add3A_44 {strides = array<i32>} : memref<8x128xf32, #tpu.memory_space<vmem>>, vector<8x128xf32>,
    %get3A_48 = arith.constant 0 : index
    %get3A_49 = arith.constant 0 : index
    %get3A_50 = vector.load %arg10[%get3A_48, %get3A_49] : memref<8x128xf32, #tpu.memory_space<vmem>>, vector<8x128xf32>
    %broadcast_in_dim3A_51 = vector.shape_cast %broadcast_in_dim3A_38 : vector<1x128xf32> to vector<1x128xf32>
    %broadcast_in_dim3A_52 = vector.broadcast %broadcast_in_dim3A_51 : vector<1x128xf32> to vector<8x128xf32>
    %add3A_53 = arith.addf %get3A_50, %broadcast_in_dim3A_52 : vector<8x128xf32>
    %swap3A_54 = arith.constant 0 : index
    %swap3A_55 = arith.constant 0 : index
    %swap3A_56 = vector.load %arg10[%swap3A_54, %swap3A_55] : memref<8x128xf32, #tpu.memory_space<vmem>>, vector<8x128xf32>
    tpu.vector_store %arg10[%swap3A_54, %swap3A_55], %add3A_53 {strides = array<i32>} : memref<8x128xf32, #tpu.memory_space<vmem>>, vector<8x128xf32>,
    return
  }
  func.func @transform_0(%arg0: i32) -> (i32, i32) {
    %c0_i32 = arith.constant 0 : i32
    %c0_i32_0 = arith.constant 0 : i32
    return %arg0, %c0_i32 : i32, i32
  }
  func.func @transform_1(%arg0: i32) -> (i32, i32) {
    %c0_i32 = arith.constant 0 : i32
    %c0_i32_0 = arith.constant 0 : i32
    %c0_i32_1 = arith.constant 0 : i32
    return %c0_i32, %c0_i32_0 : i32, i32
  }
  func.func @transform_2(%arg0: i32) -> (i32, i32) {
    %c0_i32 = arith.constant 0 : i32
    %c0_i32_0 = arith.constant 0 : i32
    %c0_i32_1 = arith.constant 0 : i32
    return %c0_i32, %c0_i32_0 : i32, i32
  }
  func.func @transform_3(%arg0: i32) -> (i32, i32) {
    %c0_i32 = arith.constant 0 : i32
    %c0_i32_0 = arith.constant 0 : i32
    %c0_i32_1 = arith.constant 0 : i32
    return %c0_i32, %c0_i32_0 : i32, i32
  }
  func.func @transform_4(%arg0: i32) -> (i32, i32) {
    %c0_i32 = arith.constant 0 : i32
    %c0_i32_0 = arith.constant 0 : i32
    %c0_i32_1 = arith.constant 0 : i32
    return %c0_i32, %c0_i32_0 : i32, i32
  }
  func.func @transform_5(%arg0: i32) -> (i32, i32) {
    %c0_i32 = arith.constant 0 : i32
    %c0_i32_0 = arith.constant 0 : i32
    %c0_i32_1 = arith.constant 0 : i32
    return %c0_i32, %c0_i32_0 : i32, i32
  }
  func.func @transform_6(%arg0: i32) -> (i32, i32) {
    %c0_i32 = arith.constant 0 : i32
    %c0_i32_0 = arith.constant 0 : i32
    %c0_i32_1 = arith.constant 0 : i32
    return %c0_i32, %c0_i32_0 : i32, i32
  }
  func.func @transform_7(%arg0: i32) -> (i32, i32) {
    %c0_i32 = arith.constant 0 : i32
    %c0_i32_0 = arith.constant 0 : i32
    return %arg0, %c0_i32 : i32, i32
  }
  func.func @transform_8(%arg0: i32) -> (i32, i32) {
    %c0_i32 = arith.constant 0 : i32
    %c0_i32_0 = arith.constant 0 : i32
    %c0_i32_1 = arith.constant 0 : i32
    return %c0_i32, %c0_i32_0 : i32, i32
  }
  func.func @transform_9(%arg0: i32) -> (i32, i32) {
    %c0_i32 = arith.constant 0 : i32
    %c0_i32_0 = arith.constant 0 : i32
    %c0_i32_1 = arith.constant 0 : i32
    return %c0_i32, %c0_i32_0 : i32, i32
  }
}

module attributes {stable_mosaic.version = 14 : i64} {
  func.func @_mm_kernel(%arg0: i32, %arg1: memref<1024x128xf32, #tpu.memory_space<vmem>>, %arg2: memref<128x256xf32, #tpu.memory_space<vmem>>, %arg3: memref<1x256xf32, #tpu.memory_space<vmem>>, %arg4: memref<1x128xf32, #tpu.memory_space<vmem>>, %arg5: memref<1x128xf32, #tpu.memory_space<vmem>>, %arg6: memref<1x128xf32, #tpu.memory_space<vmem>>, %arg7: memref<1x128xf32, #tpu.memory_space<vmem>>, %arg8: memref<1024x256xf32, #tpu.memory_space<vmem>>, %arg9: memref<8x256xf32, #tpu.memory_space<vmem>>, %arg10: memref<8x256xf32, #tpu.memory_space<vmem>>) attributes {dimension_semantics = [#tpu.dimension_semantics<arbitrary>], iteration_bounds = array<i64: 64>, scalar_prefetch = 0 : i64, scratch_operands = 0 : i64, tpu.core_type = #tpu.core_type<tc>, window_params = [{transform_indices = @transform_0, window_bounds = array<i64: 1024, 128>}, {pipeline_mode = #tpu.pipeline_mode<synchronous>, transform_indices = @transform_1, window_bounds = array<i64: 128, 256>}, {pipeline_mode = #tpu.pipeline_mode<synchronous>, transform_indices = @transform_2, window_bounds = array<i64: 1, 256>}, {pipeline_mode = #tpu.pipeline_mode<synchronous>, transform_indices = @transform_3, window_bounds = array<i64: 1, 128>}, {pipeline_mode = #tpu.pipeline_mode<synchronous>, transform_indices = @transform_4, window_bounds = array<i64: 1, 128>}, {pipeline_mode = #tpu.pipeline_mode<synchronous>, transform_indices = @transform_5, window_bounds = array<i64: 1, 128>}, {pipeline_mode = #tpu.pipeline_mode<synchronous>, transform_indices = @transform_6, window_bounds = array<i64: 1, 128>}, {transform_indices = @transform_7, window_bounds = array<i64: 1024, 256>}, {pipeline_mode = #tpu.pipeline_mode<synchronous>, transform_indices = @transform_8, window_bounds = array<i64: 8, 256>}, {pipeline_mode = #tpu.pipeline_mode<synchronous>, transform_indices = @transform_9, window_bounds = array<i64: 8, 256>}]} {
    %get3A = arith.constant 0 : index
    %get3A_0 = arith.constant 0 : index
    %get3A_1 = vector.load %arg1[%get3A, %get3A_0] : memref<1024x128xf32, #tpu.memory_space<vmem>>, vector<1024x128xf32>
    %get3A_2 = arith.constant 0 : index
    %get3A_3 = arith.constant 0 : index
    %get3A_4 = vector.load %arg4[%get3A_2, %get3A_3] : memref<1x128xf32, #tpu.memory_space<vmem>>, vector<1x128xf32>
    %sub3A = vector.broadcast %get3A_4 : vector<1x128xf32> to vector<1024x128xf32>
    %sub3A_5 = arith.subf %get3A_1, %sub3A : vector<1024x128xf32>
    %get3A_6 = arith.constant 0 : index
    %get3A_7 = arith.constant 0 : index
    %get3A_8 = vector.load %arg5[%get3A_6, %get3A_7] : memref<1x128xf32, #tpu.memory_space<vmem>>, vector<1x128xf32>
    %mul3A = vector.broadcast %get3A_8 : vector<1x128xf32> to vector<1024x128xf32>
    %mul3A_9 = arith.mulf %sub3A_5, %mul3A : vector<1024x128xf32>
    %get3A_10 = arith.constant 0 : index
    %get3A_11 = arith.constant 0 : index
    %get3A_12 = vector.load %arg6[%get3A_10, %get3A_11] : memref<1x128xf32, #tpu.memory_space<vmem>>, vector<1x128xf32>
    %mul3A_13 = vector.broadcast %get3A_12 : vector<1x128xf32> to vector<1024x128xf32>
    %mul3A_14 = arith.mulf %mul3A_9, %mul3A_13 : vector<1024x128xf32>
    %get3A_15 = arith.constant 0 : index
    %get3A_16 = arith.constant 0 : index
    %get3A_17 = vector.load %arg7[%get3A_15, %get3A_16] : memref<1x128xf32, #tpu.memory_space<vmem>>, vector<1x128xf32>
    %add3A = vector.broadcast %get3A_17 : vector<1x128xf32> to vector<1024x128xf32>
    %add3A_18 = arith.addf %mul3A_14, %add3A : vector<1024x128xf32>
    %max3A = arith.constant 0.000000e+00 : f32
    %max3A_19 = vector.broadcast %max3A : f32 to vector<1024x128xf32>
    %max3A_20 = arith.maximumf %add3A_18, %max3A_19 : vector<1024x128xf32>
    %get3A_21 = arith.constant 0 : index
    %get3A_22 = arith.constant 0 : index
    %get3A_23 = vector.load %arg2[%get3A_21, %get3A_22] : memref<128x256xf32, #tpu.memory_space<vmem>>, vector<128x256xf32>
    %dot_general3A = arith.constant dense<0.000000e+00> : vector<1024x256xf32>
    %dot_general3A_24 = tpu.matmul %max3A_20, %get3A_23, %dot_general3A {dimension_numbers = #tpu.dot_dimension_numbers<[1], [0], [0], [1], [0, 0, 1, 1], [], []>, transpose_lhs_hint = false} : vector<1024x128xf32>, vector<128x256xf32>, vector<1024x256xf32> -> vector<1024x256xf32>
    %get3A_25 = arith.constant 0 : index
    %get3A_26 = arith.constant 0 : index
    %get3A_27 = vector.load %arg3[%get3A_25, %get3A_26] : memref<1x256xf32, #tpu.memory_space<vmem>>, vector<1x256xf32>
    %add3A_28 = vector.broadcast %get3A_27 : vector<1x256xf32> to vector<1024x256xf32>
    %add3A_29 = arith.addf %dot_general3A_24, %add3A_28 : vector<1024x256xf32>
    %swap3A = arith.constant 0 : index
    %swap3A_30 = arith.constant 0 : index
    %swap3A_31 = vector.load %arg8[%swap3A, %swap3A_30] : memref<1024x256xf32, #tpu.memory_space<vmem>>, vector<1024x256xf32>
    tpu.vector_store %arg8[%swap3A, %swap3A_30], %add3A_29 {strides = array<i32>} : memref<1024x256xf32, #tpu.memory_space<vmem>>, vector<1024x256xf32>,
    %eq3A = arith.constant 0 : i32
    %eq3A_32 = arith.cmpi eq, %arg0, %eq3A : i32
    %convert_element_type3A = arith.extui %eq3A_32 : i1 to i32
    %cond3A = arith.constant 0 : i32
    %cond3A_33 = arith.cmpi ne, %convert_element_type3A, %cond3A : i32
    scf.if %cond3A_33 {
      %broadcast_in_dim3A_57 = arith.constant 0.000000e+00 : f32
      %broadcast_in_dim3A_58 = vector.broadcast %broadcast_in_dim3A_57 : f32 to vector<8x256xf32>
      %swap3A_59 = arith.constant 0 : index
      %swap3A_60 = arith.constant 0 : index
      %swap3A_61 = vector.load %arg9[%swap3A_59, %swap3A_60] : memref<8x256xf32, #tpu.memory_space<vmem>>, vector<8x256xf32>
      tpu.vector_store %arg9[%swap3A_59, %swap3A_60], %broadcast_in_dim3A_58 {strides = array<i32>} : memref<8x256xf32, #tpu.memory_space<vmem>>, vector<8x256xf32>,
      %broadcast_in_dim3A_62 = arith.constant 0.000000e+00 : f32
      %broadcast_in_dim3A_63 = vector.broadcast %broadcast_in_dim3A_62 : f32 to vector<8x256xf32>
      %swap3A_64 = arith.constant 0 : index
      %swap3A_65 = arith.constant 0 : index
      %swap3A_66 = vector.load %arg10[%swap3A_64, %swap3A_65] : memref<8x256xf32, #tpu.memory_space<vmem>>, vector<8x256xf32>
      tpu.vector_store %arg10[%swap3A_64, %swap3A_65], %broadcast_in_dim3A_63 {strides = array<i32>} : memref<8x256xf32, #tpu.memory_space<vmem>>, vector<8x256xf32>,
    } else {
    }
    %reduce_sum3A = arith.constant dense<0.000000e+00> : vector<256xf32>
    %reduce_sum3A_34 = vector.multi_reduction <add>, %add3A_29, %reduce_sum3A [0] : vector<1024x256xf32> to vector<256xf32>
    %broadcast_in_dim3A = vector.shape_cast %reduce_sum3A_34 : vector<256xf32> to vector<1x256xf32>
    %mul3A_35 = arith.mulf %add3A_29, %add3A_29 : vector<1024x256xf32>
    %reduce_sum3A_36 = arith.constant dense<0.000000e+00> : vector<256xf32>
    %reduce_sum3A_37 = vector.multi_reduction <add>, %mul3A_35, %reduce_sum3A_36 [0] : vector<1024x256xf32> to vector<256xf32>
    %broadcast_in_dim3A_38 = vector.shape_cast %reduce_sum3A_37 : vector<256xf32> to vector<1x256xf32>
    %get3A_39 = arith.constant 0 : index
    %get3A_40 = arith.constant 0 : index
    %get3A_41 = vector.load %arg9[%get3A_39, %get3A_40] : memref<8x256xf32, #tpu.memory_space<vmem>>, vector<8x256xf32>
    %broadcast_in_dim3A_42 = vector.shape_cast %broadcast_in_dim3A : vector<1x256xf32> to vector<1x256xf32>
    %broadcast_in_dim3A_43 = vector.broadcast %broadcast_in_dim3A_42 : vector<1x256xf32> to vector<8x256xf32>
    %add3A_44 = arith.addf %get3A_41, %broadcast_in_dim3A_43 : vector<8x256xf32>
    %swap3A_45 = arith.constant 0 : index
    %swap3A_46 = arith.constant 0 : index
    %swap3A_47 = vector.load %arg9[%swap3A_45, %swap3A_46] : memref<8x256xf32, #tpu.memory_space<vmem>>, vector<8x256xf32>
    tpu.vector_store %arg9[%swap3A_45, %swap3A_46], %add3A_44 {strides = array<i32>} : memref<8x256xf32, #tpu.memory_space<vmem>>, vector<8x256xf32>,
    %get3A_48 = arith.constant 0 : index
    %get3A_49 = arith.constant 0 : index
    %get3A_50 = vector.load %arg10[%get3A_48, %get3A_49] : memref<8x256xf32, #tpu.memory_space<vmem>>, vector<8x256xf32>
    %broadcast_in_dim3A_51 = vector.shape_cast %broadcast_in_dim3A_38 : vector<1x256xf32> to vector<1x256xf32>
    %broadcast_in_dim3A_52 = vector.broadcast %broadcast_in_dim3A_51 : vector<1x256xf32> to vector<8x256xf32>
    %add3A_53 = arith.addf %get3A_50, %broadcast_in_dim3A_52 : vector<8x256xf32>
    %swap3A_54 = arith.constant 0 : index
    %swap3A_55 = arith.constant 0 : index
    %swap3A_56 = vector.load %arg10[%swap3A_54, %swap3A_55] : memref<8x256xf32, #tpu.memory_space<vmem>>, vector<8x256xf32>
    tpu.vector_store %arg10[%swap3A_54, %swap3A_55], %add3A_53 {strides = array<i32>} : memref<8x256xf32, #tpu.memory_space<vmem>>, vector<8x256xf32>,
    return
  }
  func.func @transform_0(%arg0: i32) -> (i32, i32) {
    %c0_i32 = arith.constant 0 : i32
    %c0_i32_0 = arith.constant 0 : i32
    return %arg0, %c0_i32 : i32, i32
  }
  func.func @transform_1(%arg0: i32) -> (i32, i32) {
    %c0_i32 = arith.constant 0 : i32
    %c0_i32_0 = arith.constant 0 : i32
    %c0_i32_1 = arith.constant 0 : i32
    return %c0_i32, %c0_i32_0 : i32, i32
  }
  func.func @transform_2(%arg0: i32) -> (i32, i32) {
    %c0_i32 = arith.constant 0 : i32
    %c0_i32_0 = arith.constant 0 : i32
    %c0_i32_1 = arith.constant 0 : i32
    return %c0_i32, %c0_i32_0 : i32, i32
  }
  func.func @transform_3(%arg0: i32) -> (i32, i32) {
    %c0_i32 = arith.constant 0 : i32
    %c0_i32_0 = arith.constant 0 : i32
    %c0_i32_1 = arith.constant 0 : i32
    return %c0_i32, %c0_i32_0 : i32, i32
  }
  func.func @transform_4(%arg0: i32) -> (i32, i32) {
    %c0_i32 = arith.constant 0 : i32
    %c0_i32_0 = arith.constant 0 : i32
    %c0_i32_1 = arith.constant 0 : i32
    return %c0_i32, %c0_i32_0 : i32, i32
  }
  func.func @transform_5(%arg0: i32) -> (i32, i32) {
    %c0_i32 = arith.constant 0 : i32
    %c0_i32_0 = arith.constant 0 : i32
    %c0_i32_1 = arith.constant 0 : i32
    return %c0_i32, %c0_i32_0 : i32, i32
  }
  func.func @transform_6(%arg0: i32) -> (i32, i32) {
    %c0_i32 = arith.constant 0 : i32
    %c0_i32_0 = arith.constant 0 : i32
    %c0_i32_1 = arith.constant 0 : i32
    return %c0_i32, %c0_i32_0 : i32, i32
  }
  func.func @transform_7(%arg0: i32) -> (i32, i32) {
    %c0_i32 = arith.constant 0 : i32
    %c0_i32_0 = arith.constant 0 : i32
    return %arg0, %c0_i32 : i32, i32
  }
  func.func @transform_8(%arg0: i32) -> (i32, i32) {
    %c0_i32 = arith.constant 0 : i32
    %c0_i32_0 = arith.constant 0 : i32
    %c0_i32_1 = arith.constant 0 : i32
    return %c0_i32, %c0_i32_0 : i32, i32
  }
  func.func @transform_9(%arg0: i32) -> (i32, i32) {
    %c0_i32 = arith.constant 0 : i32
    %c0_i32_0 = arith.constant 0 : i32
    %c0_i32_1 = arith.constant 0 : i32
    return %c0_i32, %c0_i32_0 : i32, i32
  }
}

module attributes {stable_mosaic.version = 14 : i64} {
  func.func @_mm_kernel(%arg0: i32, %arg1: memref<1024x323xf32, #tpu.memory_space<vmem>>, %arg2: memref<323x128xf32, #tpu.memory_space<vmem>>, %arg3: memref<1x128xf32, #tpu.memory_space<vmem>>, %arg4: memref<1x323xf32, #tpu.memory_space<vmem>>, %arg5: memref<1x323xf32, #tpu.memory_space<vmem>>, %arg6: memref<1x323xf32, #tpu.memory_space<vmem>>, %arg7: memref<1x323xf32, #tpu.memory_space<vmem>>, %arg8: memref<1024x128xf32, #tpu.memory_space<vmem>>, %arg9: memref<8x128xf32, #tpu.memory_space<vmem>>, %arg10: memref<8x128xf32, #tpu.memory_space<vmem>>) attributes {dimension_semantics = [#tpu.dimension_semantics<arbitrary>], iteration_bounds = array<i64: 128>, scalar_prefetch = 0 : i64, scratch_operands = 0 : i64, tpu.core_type = #tpu.core_type<tc>, window_params = [{transform_indices = @transform_0, window_bounds = array<i64: 1024, 323>}, {pipeline_mode = #tpu.pipeline_mode<synchronous>, transform_indices = @transform_1, window_bounds = array<i64: 323, 128>}, {pipeline_mode = #tpu.pipeline_mode<synchronous>, transform_indices = @transform_2, window_bounds = array<i64: 1, 128>}, {pipeline_mode = #tpu.pipeline_mode<synchronous>, transform_indices = @transform_3, window_bounds = array<i64: 1, 323>}, {pipeline_mode = #tpu.pipeline_mode<synchronous>, transform_indices = @transform_4, window_bounds = array<i64: 1, 323>}, {pipeline_mode = #tpu.pipeline_mode<synchronous>, transform_indices = @transform_5, window_bounds = array<i64: 1, 323>}, {pipeline_mode = #tpu.pipeline_mode<synchronous>, transform_indices = @transform_6, window_bounds = array<i64: 1, 323>}, {transform_indices = @transform_7, window_bounds = array<i64: 1024, 128>}, {pipeline_mode = #tpu.pipeline_mode<synchronous>, transform_indices = @transform_8, window_bounds = array<i64: 8, 128>}, {pipeline_mode = #tpu.pipeline_mode<synchronous>, transform_indices = @transform_9, window_bounds = array<i64: 8, 128>}]} {
    %get3A = arith.constant 0 : index
    %get3A_0 = arith.constant 0 : index
    %get3A_1 = vector.load %arg1[%get3A, %get3A_0] : memref<1024x323xf32, #tpu.memory_space<vmem>>, vector<1024x323xf32>
    %get3A_2 = arith.constant 0 : index
    %get3A_3 = arith.constant 0 : index
    %get3A_4 = vector.load %arg2[%get3A_2, %get3A_3] : memref<323x128xf32, #tpu.memory_space<vmem>>, vector<323x128xf32>
    %dot_general3A = arith.constant dense<0.000000e+00> : vector<1024x128xf32>
    %dot_general3A_5 = tpu.matmul %get3A_1, %get3A_4, %dot_general3A {dimension_numbers = #tpu.dot_dimension_numbers<[1], [0], [0], [1], [0, 0, 1, 1], [], []>, transpose_lhs_hint = false} : vector<1024x323xf32>, vector<323x128xf32>, vector<1024x128xf32> -> vector<1024x128xf32>
    %get3A_6 = arith.constant 0 : index
    %get3A_7 = arith.constant 0 : index
    %get3A_8 = vector.load %arg3[%get3A_6, %get3A_7] : memref<1x128xf32, #tpu.memory_space<vmem>>, vector<1x128xf32>
    %add3A = vector.broadcast %get3A_8 : vector<1x128xf32> to vector<1024x128xf32>
    %add3A_9 = arith.addf %dot_general3A_5, %add3A : vector<1024x128xf32>
    %swap3A = arith.constant 0 : index
    %swap3A_10 = arith.constant 0 : index
    %swap3A_11 = vector.load %arg8[%swap3A, %swap3A_10] : memref<1024x128xf32, #tpu.memory_space<vmem>>, vector<1024x128xf32>
    tpu.vector_store %arg8[%swap3A, %swap3A_10], %add3A_9 {strides = array<i32>} : memref<1024x128xf32, #tpu.memory_space<vmem>>, vector<1024x128xf32>,
    %eq3A = arith.constant 0 : i32
    %eq3A_12 = arith.cmpi eq, %arg0, %eq3A : i32
    %convert_element_type3A = arith.extui %eq3A_12 : i1 to i32
    %cond3A = arith.constant 0 : i32
    %cond3A_13 = arith.cmpi ne, %convert_element_type3A, %cond3A : i32
    scf.if %cond3A_13 {
      %broadcast_in_dim3A_36 = arith.constant 0.000000e+00 : f32
      %broadcast_in_dim3A_37 = vector.broadcast %broadcast_in_dim3A_36 : f32 to vector<8x128xf32>
      %swap3A_38 = arith.constant 0 : index
      %swap3A_39 = arith.constant 0 : index
      %swap3A_40 = vector.load %arg9[%swap3A_38, %swap3A_39] : memref<8x128xf32, #tpu.memory_space<vmem>>, vector<8x128xf32>
      tpu.vector_store %arg9[%swap3A_38, %swap3A_39], %broadcast_in_dim3A_37 {strides = array<i32>} : memref<8x128xf32, #tpu.memory_space<vmem>>, vector<8x128xf32>,
      %broadcast_in_dim3A_41 = arith.constant 0.000000e+00 : f32
      %broadcast_in_dim3A_42 = vector.broadcast %broadcast_in_dim3A_41 : f32 to vector<8x128xf32>
      %swap3A_43 = arith.constant 0 : index
      %swap3A_44 = arith.constant 0 : index
      %swap3A_45 = vector.load %arg10[%swap3A_43, %swap3A_44] : memref<8x128xf32, #tpu.memory_space<vmem>>, vector<8x128xf32>
      tpu.vector_store %arg10[%swap3A_43, %swap3A_44], %broadcast_in_dim3A_42 {strides = array<i32>} : memref<8x128xf32, #tpu.memory_space<vmem>>, vector<8x128xf32>,
    } else {
    }
    %reduce_sum3A = arith.constant dense<0.000000e+00> : vector<128xf32>
    %reduce_sum3A_14 = vector.multi_reduction <add>, %add3A_9, %reduce_sum3A [0] : vector<1024x128xf32> to vector<128xf32>
    %broadcast_in_dim3A = vector.shape_cast %reduce_sum3A_14 : vector<128xf32> to vector<1x128xf32>
    %mul3A = arith.mulf %add3A_9, %add3A_9 : vector<1024x128xf32>
    %reduce_sum3A_15 = arith.constant dense<0.000000e+00> : vector<128xf32>
    %reduce_sum3A_16 = vector.multi_reduction <add>, %mul3A, %reduce_sum3A_15 [0] : vector<1024x128xf32> to vector<128xf32>
    %broadcast_in_dim3A_17 = vector.shape_cast %reduce_sum3A_16 : vector<128xf32> to vector<1x128xf32>
    %get3A_18 = arith.constant 0 : index
    %get3A_19 = arith.constant 0 : index
    %get3A_20 = vector.load %arg9[%get3A_18, %get3A_19] : memref<8x128xf32, #tpu.memory_space<vmem>>, vector<8x128xf32>
    %broadcast_in_dim3A_21 = vector.shape_cast %broadcast_in_dim3A : vector<1x128xf32> to vector<1x128xf32>
    %broadcast_in_dim3A_22 = vector.broadcast %broadcast_in_dim3A_21 : vector<1x128xf32> to vector<8x128xf32>
    %add3A_23 = arith.addf %get3A_20, %broadcast_in_dim3A_22 : vector<8x128xf32>
    %swap3A_24 = arith.constant 0 : index
    %swap3A_25 = arith.constant 0 : index
    %swap3A_26 = vector.load %arg9[%swap3A_24, %swap3A_25] : memref<8x128xf32, #tpu.memory_space<vmem>>, vector<8x128xf32>
    tpu.vector_store %arg9[%swap3A_24, %swap3A_25], %add3A_23 {strides = array<i32>} : memref<8x128xf32, #tpu.memory_space<vmem>>, vector<8x128xf32>,
    %get3A_27 = arith.constant 0 : index
    %get3A_28 = arith.constant 0 : index
    %get3A_29 = vector.load %arg10[%get3A_27, %get3A_28] : memref<8x128xf32, #tpu.memory_space<vmem>>, vector<8x128xf32>
    %broadcast_in_dim3A_30 = vector.shape_cast %broadcast_in_dim3A_17 : vector<1x128xf32> to vector<1x128xf32>
    %broadcast_in_dim3A_31 = vector.broadcast %broadcast_in_dim3A_30 : vector<1x128xf32> to vector<8x128xf32>
    %add3A_32 = arith.addf %get3A_29, %broadcast_in_dim3A_31 : vector<8x128xf32>
    %swap3A_33 = arith.constant 0 : index
    %swap3A_34 = arith.constant 0 : index
    %swap3A_35 = vector.load %arg10[%swap3A_33, %swap3A_34] : memref<8x128xf32, #tpu.memory_space<vmem>>, vector<8x128xf32>
    tpu.vector_store %arg10[%swap3A_33, %swap3A_34], %add3A_32 {strides = array<i32>} : memref<8x128xf32, #tpu.memory_space<vmem>>, vector<8x128xf32>,
    return
  }
  func.func @transform_0(%arg0: i32) -> (i32, i32) {
    %c0_i32 = arith.constant 0 : i32
    %c0_i32_0 = arith.constant 0 : i32
    return %arg0, %c0_i32 : i32, i32
  }
  func.func @transform_1(%arg0: i32) -> (i32, i32) {
    %c0_i32 = arith.constant 0 : i32
    %c0_i32_0 = arith.constant 0 : i32
    %c0_i32_1 = arith.constant 0 : i32
    return %c0_i32, %c0_i32_0 : i32, i32
  }
  func.func @transform_2(%arg0: i32) -> (i32, i32) {
    %c0_i32 = arith.constant 0 : i32
    %c0_i32_0 = arith.constant 0 : i32
    %c0_i32_1 = arith.constant 0 : i32
    return %c0_i32, %c0_i32_0 : i32, i32
  }
  func.func @transform_3(%arg0: i32) -> (i32, i32) {
    %c0_i32 = arith.constant 0 : i32
    %c0_i32_0 = arith.constant 0 : i32
    %c0_i32_1 = arith.constant 0 : i32
    return %c0_i32, %c0_i32_0 : i32, i32
  }
  func.func @transform_4(%arg0: i32) -> (i32, i32) {
    %c0_i32 = arith.constant 0 : i32
    %c0_i32_0 = arith.constant 0 : i32
    %c0_i32_1 = arith.constant 0 : i32
    return %c0_i32, %c0_i32_0 : i32, i32
  }
  func.func @transform_5(%arg0: i32) -> (i32, i32) {
    %c0_i32 = arith.constant 0 : i32
    %c0_i32_0 = arith.constant 0 : i32
    %c0_i32_1 = arith.constant 0 : i32
    return %c0_i32, %c0_i32_0 : i32, i32
  }
  func.func @transform_6(%arg0: i32) -> (i32, i32) {
    %c0_i32 = arith.constant 0 : i32
    %c0_i32_0 = arith.constant 0 : i32
    %c0_i32_1 = arith.constant 0 : i32
    return %c0_i32, %c0_i32_0 : i32, i32
  }
  func.func @transform_7(%arg0: i32) -> (i32, i32) {
    %c0_i32 = arith.constant 0 : i32
    %c0_i32_0 = arith.constant 0 : i32
    return %arg0, %c0_i32 : i32, i32
  }
  func.func @transform_8(%arg0: i32) -> (i32, i32) {
    %c0_i32 = arith.constant 0 : i32
    %c0_i32_0 = arith.constant 0 : i32
    %c0_i32_1 = arith.constant 0 : i32
    return %c0_i32, %c0_i32_0 : i32, i32
  }
  func.func @transform_9(%arg0: i32) -> (i32, i32) {
    %c0_i32 = arith.constant 0 : i32
    %c0_i32_0 = arith.constant 0 : i32
    %c0_i32_1 = arith.constant 0 : i32
    return %c0_i32, %c0_i32_0 : i32, i32
  }
}

module attributes {stable_mosaic.version = 14 : i64} {
  func.func @_mm_kernel(%arg0: i32, %arg1: memref<1024x128xf32, #tpu.memory_space<vmem>>, %arg2: memref<128x128xf32, #tpu.memory_space<vmem>>, %arg3: memref<1x128xf32, #tpu.memory_space<vmem>>, %arg4: memref<1x128xf32, #tpu.memory_space<vmem>>, %arg5: memref<1x128xf32, #tpu.memory_space<vmem>>, %arg6: memref<1x128xf32, #tpu.memory_space<vmem>>, %arg7: memref<1x128xf32, #tpu.memory_space<vmem>>, %arg8: memref<1024x128xf32, #tpu.memory_space<vmem>>, %arg9: memref<8x128xf32, #tpu.memory_space<vmem>>, %arg10: memref<8x128xf32, #tpu.memory_space<vmem>>) attributes {dimension_semantics = [#tpu.dimension_semantics<arbitrary>], iteration_bounds = array<i64: 128>, scalar_prefetch = 0 : i64, scratch_operands = 0 : i64, tpu.core_type = #tpu.core_type<tc>, window_params = [{transform_indices = @transform_0, window_bounds = array<i64: 1024, 128>}, {pipeline_mode = #tpu.pipeline_mode<synchronous>, transform_indices = @transform_1, window_bounds = array<i64: 128, 128>}, {pipeline_mode = #tpu.pipeline_mode<synchronous>, transform_indices = @transform_2, window_bounds = array<i64: 1, 128>}, {pipeline_mode = #tpu.pipeline_mode<synchronous>, transform_indices = @transform_3, window_bounds = array<i64: 1, 128>}, {pipeline_mode = #tpu.pipeline_mode<synchronous>, transform_indices = @transform_4, window_bounds = array<i64: 1, 128>}, {pipeline_mode = #tpu.pipeline_mode<synchronous>, transform_indices = @transform_5, window_bounds = array<i64: 1, 128>}, {pipeline_mode = #tpu.pipeline_mode<synchronous>, transform_indices = @transform_6, window_bounds = array<i64: 1, 128>}, {transform_indices = @transform_7, window_bounds = array<i64: 1024, 128>}, {pipeline_mode = #tpu.pipeline_mode<synchronous>, transform_indices = @transform_8, window_bounds = array<i64: 8, 128>}, {pipeline_mode = #tpu.pipeline_mode<synchronous>, transform_indices = @transform_9, window_bounds = array<i64: 8, 128>}]} {
    %get3A = arith.constant 0 : index
    %get3A_0 = arith.constant 0 : index
    %get3A_1 = vector.load %arg1[%get3A, %get3A_0] : memref<1024x128xf32, #tpu.memory_space<vmem>>, vector<1024x128xf32>
    %get3A_2 = arith.constant 0 : index
    %get3A_3 = arith.constant 0 : index
    %get3A_4 = vector.load %arg4[%get3A_2, %get3A_3] : memref<1x128xf32, #tpu.memory_space<vmem>>, vector<1x128xf32>
    %sub3A = vector.broadcast %get3A_4 : vector<1x128xf32> to vector<1024x128xf32>
    %sub3A_5 = arith.subf %get3A_1, %sub3A : vector<1024x128xf32>
    %get3A_6 = arith.constant 0 : index
    %get3A_7 = arith.constant 0 : index
    %get3A_8 = vector.load %arg5[%get3A_6, %get3A_7] : memref<1x128xf32, #tpu.memory_space<vmem>>, vector<1x128xf32>
    %mul3A = vector.broadcast %get3A_8 : vector<1x128xf32> to vector<1024x128xf32>
    %mul3A_9 = arith.mulf %sub3A_5, %mul3A : vector<1024x128xf32>
    %get3A_10 = arith.constant 0 : index
    %get3A_11 = arith.constant 0 : index
    %get3A_12 = vector.load %arg6[%get3A_10, %get3A_11] : memref<1x128xf32, #tpu.memory_space<vmem>>, vector<1x128xf32>
    %mul3A_13 = vector.broadcast %get3A_12 : vector<1x128xf32> to vector<1024x128xf32>
    %mul3A_14 = arith.mulf %mul3A_9, %mul3A_13 : vector<1024x128xf32>
    %get3A_15 = arith.constant 0 : index
    %get3A_16 = arith.constant 0 : index
    %get3A_17 = vector.load %arg7[%get3A_15, %get3A_16] : memref<1x128xf32, #tpu.memory_space<vmem>>, vector<1x128xf32>
    %add3A = vector.broadcast %get3A_17 : vector<1x128xf32> to vector<1024x128xf32>
    %add3A_18 = arith.addf %mul3A_14, %add3A : vector<1024x128xf32>
    %max3A = arith.constant 0.000000e+00 : f32
    %max3A_19 = vector.broadcast %max3A : f32 to vector<1024x128xf32>
    %max3A_20 = arith.maximumf %add3A_18, %max3A_19 : vector<1024x128xf32>
    %get3A_21 = arith.constant 0 : index
    %get3A_22 = arith.constant 0 : index
    %get3A_23 = vector.load %arg2[%get3A_21, %get3A_22] : memref<128x128xf32, #tpu.memory_space<vmem>>, vector<128x128xf32>
    %dot_general3A = arith.constant dense<0.000000e+00> : vector<1024x128xf32>
    %dot_general3A_24 = tpu.matmul %max3A_20, %get3A_23, %dot_general3A {dimension_numbers = #tpu.dot_dimension_numbers<[1], [0], [0], [1], [0, 0, 1, 1], [], []>, transpose_lhs_hint = false} : vector<1024x128xf32>, vector<128x128xf32>, vector<1024x128xf32> -> vector<1024x128xf32>
    %get3A_25 = arith.constant 0 : index
    %get3A_26 = arith.constant 0 : index
    %get3A_27 = vector.load %arg3[%get3A_25, %get3A_26] : memref<1x128xf32, #tpu.memory_space<vmem>>, vector<1x128xf32>
    %add3A_28 = vector.broadcast %get3A_27 : vector<1x128xf32> to vector<1024x128xf32>
    %add3A_29 = arith.addf %dot_general3A_24, %add3A_28 : vector<1024x128xf32>
    %swap3A = arith.constant 0 : index
    %swap3A_30 = arith.constant 0 : index
    %swap3A_31 = vector.load %arg8[%swap3A, %swap3A_30] : memref<1024x128xf32, #tpu.memory_space<vmem>>, vector<1024x128xf32>
    tpu.vector_store %arg8[%swap3A, %swap3A_30], %add3A_29 {strides = array<i32>} : memref<1024x128xf32, #tpu.memory_space<vmem>>, vector<1024x128xf32>,
    %eq3A = arith.constant 0 : i32
    %eq3A_32 = arith.cmpi eq, %arg0, %eq3A : i32
    %convert_element_type3A = arith.extui %eq3A_32 : i1 to i32
    %cond3A = arith.constant 0 : i32
    %cond3A_33 = arith.cmpi ne, %convert_element_type3A, %cond3A : i32
    scf.if %cond3A_33 {
      %broadcast_in_dim3A_57 = arith.constant 0.000000e+00 : f32
      %broadcast_in_dim3A_58 = vector.broadcast %broadcast_in_dim3A_57 : f32 to vector<8x128xf32>
      %swap3A_59 = arith.constant 0 : index
      %swap3A_60 = arith.constant 0 : index
      %swap3A_61 = vector.load %arg9[%swap3A_59, %swap3A_60] : memref<8x128xf32, #tpu.memory_space<vmem>>, vector<8x128xf32>
      tpu.vector_store %arg9[%swap3A_59, %swap3A_60], %broadcast_in_dim3A_58 {strides = array<i32>} : memref<8x128xf32, #tpu.memory_space<vmem>>, vector<8x128xf32>,
      %broadcast_in_dim3A_62 = arith.constant 0.000000e+00 : f32
      %broadcast_in_dim3A_63 = vector.broadcast %broadcast_in_dim3A_62 : f32 to vector<8x128xf32>
      %swap3A_64 = arith.constant 0 : index
      %swap3A_65 = arith.constant 0 : index
      %swap3A_66 = vector.load %arg10[%swap3A_64, %swap3A_65] : memref<8x128xf32, #tpu.memory_space<vmem>>, vector<8x128xf32>
      tpu.vector_store %arg10[%swap3A_64, %swap3A_65], %broadcast_in_dim3A_63 {strides = array<i32>} : memref<8x128xf32, #tpu.memory_space<vmem>>, vector<8x128xf32>,
    } else {
    }
    %reduce_sum3A = arith.constant dense<0.000000e+00> : vector<128xf32>
    %reduce_sum3A_34 = vector.multi_reduction <add>, %add3A_29, %reduce_sum3A [0] : vector<1024x128xf32> to vector<128xf32>
    %broadcast_in_dim3A = vector.shape_cast %reduce_sum3A_34 : vector<128xf32> to vector<1x128xf32>
    %mul3A_35 = arith.mulf %add3A_29, %add3A_29 : vector<1024x128xf32>
    %reduce_sum3A_36 = arith.constant dense<0.000000e+00> : vector<128xf32>
    %reduce_sum3A_37 = vector.multi_reduction <add>, %mul3A_35, %reduce_sum3A_36 [0] : vector<1024x128xf32> to vector<128xf32>
    %broadcast_in_dim3A_38 = vector.shape_cast %reduce_sum3A_37 : vector<128xf32> to vector<1x128xf32>
    %get3A_39 = arith.constant 0 : index
    %get3A_40 = arith.constant 0 : index
    %get3A_41 = vector.load %arg9[%get3A_39, %get3A_40] : memref<8x128xf32, #tpu.memory_space<vmem>>, vector<8x128xf32>
    %broadcast_in_dim3A_42 = vector.shape_cast %broadcast_in_dim3A : vector<1x128xf32> to vector<1x128xf32>
    %broadcast_in_dim3A_43 = vector.broadcast %broadcast_in_dim3A_42 : vector<1x128xf32> to vector<8x128xf32>
    %add3A_44 = arith.addf %get3A_41, %broadcast_in_dim3A_43 : vector<8x128xf32>
    %swap3A_45 = arith.constant 0 : index
    %swap3A_46 = arith.constant 0 : index
    %swap3A_47 = vector.load %arg9[%swap3A_45, %swap3A_46] : memref<8x128xf32, #tpu.memory_space<vmem>>, vector<8x128xf32>
    tpu.vector_store %arg9[%swap3A_45, %swap3A_46], %add3A_44 {strides = array<i32>} : memref<8x128xf32, #tpu.memory_space<vmem>>, vector<8x128xf32>,
    %get3A_48 = arith.constant 0 : index
    %get3A_49 = arith.constant 0 : index
    %get3A_50 = vector.load %arg10[%get3A_48, %get3A_49] : memref<8x128xf32, #tpu.memory_space<vmem>>, vector<8x128xf32>
    %broadcast_in_dim3A_51 = vector.shape_cast %broadcast_in_dim3A_38 : vector<1x128xf32> to vector<1x128xf32>
    %broadcast_in_dim3A_52 = vector.broadcast %broadcast_in_dim3A_51 : vector<1x128xf32> to vector<8x128xf32>
    %add3A_53 = arith.addf %get3A_50, %broadcast_in_dim3A_52 : vector<8x128xf32>
    %swap3A_54 = arith.constant 0 : index
    %swap3A_55 = arith.constant 0 : index
    %swap3A_56 = vector.load %arg10[%swap3A_54, %swap3A_55] : memref<8x128xf32, #tpu.memory_space<vmem>>, vector<8x128xf32>
    tpu.vector_store %arg10[%swap3A_54, %swap3A_55], %add3A_53 {strides = array<i32>} : memref<8x128xf32, #tpu.memory_space<vmem>>, vector<8x128xf32>,
    return
  }
  func.func @transform_0(%arg0: i32) -> (i32, i32) {
    %c0_i32 = arith.constant 0 : i32
    %c0_i32_0 = arith.constant 0 : i32
    return %arg0, %c0_i32 : i32, i32
  }
  func.func @transform_1(%arg0: i32) -> (i32, i32) {
    %c0_i32 = arith.constant 0 : i32
    %c0_i32_0 = arith.constant 0 : i32
    %c0_i32_1 = arith.constant 0 : i32
    return %c0_i32, %c0_i32_0 : i32, i32
  }
  func.func @transform_2(%arg0: i32) -> (i32, i32) {
    %c0_i32 = arith.constant 0 : i32
    %c0_i32_0 = arith.constant 0 : i32
    %c0_i32_1 = arith.constant 0 : i32
    return %c0_i32, %c0_i32_0 : i32, i32
  }
  func.func @transform_3(%arg0: i32) -> (i32, i32) {
    %c0_i32 = arith.constant 0 : i32
    %c0_i32_0 = arith.constant 0 : i32
    %c0_i32_1 = arith.constant 0 : i32
    return %c0_i32, %c0_i32_0 : i32, i32
  }
  func.func @transform_4(%arg0: i32) -> (i32, i32) {
    %c0_i32 = arith.constant 0 : i32
    %c0_i32_0 = arith.constant 0 : i32
    %c0_i32_1 = arith.constant 0 : i32
    return %c0_i32, %c0_i32_0 : i32, i32
  }
  func.func @transform_5(%arg0: i32) -> (i32, i32) {
    %c0_i32 = arith.constant 0 : i32
    %c0_i32_0 = arith.constant 0 : i32
    %c0_i32_1 = arith.constant 0 : i32
    return %c0_i32, %c0_i32_0 : i32, i32
  }
  func.func @transform_6(%arg0: i32) -> (i32, i32) {
    %c0_i32 = arith.constant 0 : i32
    %c0_i32_0 = arith.constant 0 : i32
    %c0_i32_1 = arith.constant 0 : i32
    return %c0_i32, %c0_i32_0 : i32, i32
  }
  func.func @transform_7(%arg0: i32) -> (i32, i32) {
    %c0_i32 = arith.constant 0 : i32
    %c0_i32_0 = arith.constant 0 : i32
    return %arg0, %c0_i32 : i32, i32
  }
  func.func @transform_8(%arg0: i32) -> (i32, i32) {
    %c0_i32 = arith.constant 0 : i32
    %c0_i32_0 = arith.constant 0 : i32
    %c0_i32_1 = arith.constant 0 : i32
    return %c0_i32, %c0_i32_0 : i32, i32
  }
  func.func @transform_9(%arg0: i32) -> (i32, i32) {
    %c0_i32 = arith.constant 0 : i32
    %c0_i32_0 = arith.constant 0 : i32
    %c0_i32_1 = arith.constant 0 : i32
    return %c0_i32, %c0_i32_0 : i32, i32
  }
}

module attributes {stable_mosaic.version = 14 : i64} {
  func.func @_mm_kernel(%arg0: i32, %arg1: memref<1024x128xf32, #tpu.memory_space<vmem>>, %arg2: memref<128x256xf32, #tpu.memory_space<vmem>>, %arg3: memref<1x256xf32, #tpu.memory_space<vmem>>, %arg4: memref<1x128xf32, #tpu.memory_space<vmem>>, %arg5: memref<1x128xf32, #tpu.memory_space<vmem>>, %arg6: memref<1x128xf32, #tpu.memory_space<vmem>>, %arg7: memref<1x128xf32, #tpu.memory_space<vmem>>, %arg8: memref<1024x256xf32, #tpu.memory_space<vmem>>, %arg9: memref<8x256xf32, #tpu.memory_space<vmem>>, %arg10: memref<8x256xf32, #tpu.memory_space<vmem>>) attributes {dimension_semantics = [#tpu.dimension_semantics<arbitrary>], iteration_bounds = array<i64: 128>, scalar_prefetch = 0 : i64, scratch_operands = 0 : i64, tpu.core_type = #tpu.core_type<tc>, window_params = [{transform_indices = @transform_0, window_bounds = array<i64: 1024, 128>}, {pipeline_mode = #tpu.pipeline_mode<synchronous>, transform_indices = @transform_1, window_bounds = array<i64: 128, 256>}, {pipeline_mode = #tpu.pipeline_mode<synchronous>, transform_indices = @transform_2, window_bounds = array<i64: 1, 256>}, {pipeline_mode = #tpu.pipeline_mode<synchronous>, transform_indices = @transform_3, window_bounds = array<i64: 1, 128>}, {pipeline_mode = #tpu.pipeline_mode<synchronous>, transform_indices = @transform_4, window_bounds = array<i64: 1, 128>}, {pipeline_mode = #tpu.pipeline_mode<synchronous>, transform_indices = @transform_5, window_bounds = array<i64: 1, 128>}, {pipeline_mode = #tpu.pipeline_mode<synchronous>, transform_indices = @transform_6, window_bounds = array<i64: 1, 128>}, {transform_indices = @transform_7, window_bounds = array<i64: 1024, 256>}, {pipeline_mode = #tpu.pipeline_mode<synchronous>, transform_indices = @transform_8, window_bounds = array<i64: 8, 256>}, {pipeline_mode = #tpu.pipeline_mode<synchronous>, transform_indices = @transform_9, window_bounds = array<i64: 8, 256>}]} {
    %get3A = arith.constant 0 : index
    %get3A_0 = arith.constant 0 : index
    %get3A_1 = vector.load %arg1[%get3A, %get3A_0] : memref<1024x128xf32, #tpu.memory_space<vmem>>, vector<1024x128xf32>
    %get3A_2 = arith.constant 0 : index
    %get3A_3 = arith.constant 0 : index
    %get3A_4 = vector.load %arg4[%get3A_2, %get3A_3] : memref<1x128xf32, #tpu.memory_space<vmem>>, vector<1x128xf32>
    %sub3A = vector.broadcast %get3A_4 : vector<1x128xf32> to vector<1024x128xf32>
    %sub3A_5 = arith.subf %get3A_1, %sub3A : vector<1024x128xf32>
    %get3A_6 = arith.constant 0 : index
    %get3A_7 = arith.constant 0 : index
    %get3A_8 = vector.load %arg5[%get3A_6, %get3A_7] : memref<1x128xf32, #tpu.memory_space<vmem>>, vector<1x128xf32>
    %mul3A = vector.broadcast %get3A_8 : vector<1x128xf32> to vector<1024x128xf32>
    %mul3A_9 = arith.mulf %sub3A_5, %mul3A : vector<1024x128xf32>
    %get3A_10 = arith.constant 0 : index
    %get3A_11 = arith.constant 0 : index
    %get3A_12 = vector.load %arg6[%get3A_10, %get3A_11] : memref<1x128xf32, #tpu.memory_space<vmem>>, vector<1x128xf32>
    %mul3A_13 = vector.broadcast %get3A_12 : vector<1x128xf32> to vector<1024x128xf32>
    %mul3A_14 = arith.mulf %mul3A_9, %mul3A_13 : vector<1024x128xf32>
    %get3A_15 = arith.constant 0 : index
    %get3A_16 = arith.constant 0 : index
    %get3A_17 = vector.load %arg7[%get3A_15, %get3A_16] : memref<1x128xf32, #tpu.memory_space<vmem>>, vector<1x128xf32>
    %add3A = vector.broadcast %get3A_17 : vector<1x128xf32> to vector<1024x128xf32>
    %add3A_18 = arith.addf %mul3A_14, %add3A : vector<1024x128xf32>
    %max3A = arith.constant 0.000000e+00 : f32
    %max3A_19 = vector.broadcast %max3A : f32 to vector<1024x128xf32>
    %max3A_20 = arith.maximumf %add3A_18, %max3A_19 : vector<1024x128xf32>
    %get3A_21 = arith.constant 0 : index
    %get3A_22 = arith.constant 0 : index
    %get3A_23 = vector.load %arg2[%get3A_21, %get3A_22] : memref<128x256xf32, #tpu.memory_space<vmem>>, vector<128x256xf32>
    %dot_general3A = arith.constant dense<0.000000e+00> : vector<1024x256xf32>
    %dot_general3A_24 = tpu.matmul %max3A_20, %get3A_23, %dot_general3A {dimension_numbers = #tpu.dot_dimension_numbers<[1], [0], [0], [1], [0, 0, 1, 1], [], []>, transpose_lhs_hint = false} : vector<1024x128xf32>, vector<128x256xf32>, vector<1024x256xf32> -> vector<1024x256xf32>
    %get3A_25 = arith.constant 0 : index
    %get3A_26 = arith.constant 0 : index
    %get3A_27 = vector.load %arg3[%get3A_25, %get3A_26] : memref<1x256xf32, #tpu.memory_space<vmem>>, vector<1x256xf32>
    %add3A_28 = vector.broadcast %get3A_27 : vector<1x256xf32> to vector<1024x256xf32>
    %add3A_29 = arith.addf %dot_general3A_24, %add3A_28 : vector<1024x256xf32>
    %swap3A = arith.constant 0 : index
    %swap3A_30 = arith.constant 0 : index
    %swap3A_31 = vector.load %arg8[%swap3A, %swap3A_30] : memref<1024x256xf32, #tpu.memory_space<vmem>>, vector<1024x256xf32>
    tpu.vector_store %arg8[%swap3A, %swap3A_30], %add3A_29 {strides = array<i32>} : memref<1024x256xf32, #tpu.memory_space<vmem>>, vector<1024x256xf32>,
    %eq3A = arith.constant 0 : i32
    %eq3A_32 = arith.cmpi eq, %arg0, %eq3A : i32
    %convert_element_type3A = arith.extui %eq3A_32 : i1 to i32
    %cond3A = arith.constant 0 : i32
    %cond3A_33 = arith.cmpi ne, %convert_element_type3A, %cond3A : i32
    scf.if %cond3A_33 {
      %broadcast_in_dim3A_57 = arith.constant 0.000000e+00 : f32
      %broadcast_in_dim3A_58 = vector.broadcast %broadcast_in_dim3A_57 : f32 to vector<8x256xf32>
      %swap3A_59 = arith.constant 0 : index
      %swap3A_60 = arith.constant 0 : index
      %swap3A_61 = vector.load %arg9[%swap3A_59, %swap3A_60] : memref<8x256xf32, #tpu.memory_space<vmem>>, vector<8x256xf32>
      tpu.vector_store %arg9[%swap3A_59, %swap3A_60], %broadcast_in_dim3A_58 {strides = array<i32>} : memref<8x256xf32, #tpu.memory_space<vmem>>, vector<8x256xf32>,
      %broadcast_in_dim3A_62 = arith.constant 0.000000e+00 : f32
      %broadcast_in_dim3A_63 = vector.broadcast %broadcast_in_dim3A_62 : f32 to vector<8x256xf32>
      %swap3A_64 = arith.constant 0 : index
      %swap3A_65 = arith.constant 0 : index
      %swap3A_66 = vector.load %arg10[%swap3A_64, %swap3A_65] : memref<8x256xf32, #tpu.memory_space<vmem>>, vector<8x256xf32>
      tpu.vector_store %arg10[%swap3A_64, %swap3A_65], %broadcast_in_dim3A_63 {strides = array<i32>} : memref<8x256xf32, #tpu.memory_space<vmem>>, vector<8x256xf32>,
    } else {
    }
    %reduce_sum3A = arith.constant dense<0.000000e+00> : vector<256xf32>
    %reduce_sum3A_34 = vector.multi_reduction <add>, %add3A_29, %reduce_sum3A [0] : vector<1024x256xf32> to vector<256xf32>
    %broadcast_in_dim3A = vector.shape_cast %reduce_sum3A_34 : vector<256xf32> to vector<1x256xf32>
    %mul3A_35 = arith.mulf %add3A_29, %add3A_29 : vector<1024x256xf32>
    %reduce_sum3A_36 = arith.constant dense<0.000000e+00> : vector<256xf32>
    %reduce_sum3A_37 = vector.multi_reduction <add>, %mul3A_35, %reduce_sum3A_36 [0] : vector<1024x256xf32> to vector<256xf32>
    %broadcast_in_dim3A_38 = vector.shape_cast %reduce_sum3A_37 : vector<256xf32> to vector<1x256xf32>
    %get3A_39 = arith.constant 0 : index
    %get3A_40 = arith.constant 0 : index
    %get3A_41 = vector.load %arg9[%get3A_39, %get3A_40] : memref<8x256xf32, #tpu.memory_space<vmem>>, vector<8x256xf32>
    %broadcast_in_dim3A_42 = vector.shape_cast %broadcast_in_dim3A : vector<1x256xf32> to vector<1x256xf32>
    %broadcast_in_dim3A_43 = vector.broadcast %broadcast_in_dim3A_42 : vector<1x256xf32> to vector<8x256xf32>
    %add3A_44 = arith.addf %get3A_41, %broadcast_in_dim3A_43 : vector<8x256xf32>
    %swap3A_45 = arith.constant 0 : index
    %swap3A_46 = arith.constant 0 : index
    %swap3A_47 = vector.load %arg9[%swap3A_45, %swap3A_46] : memref<8x256xf32, #tpu.memory_space<vmem>>, vector<8x256xf32>
    tpu.vector_store %arg9[%swap3A_45, %swap3A_46], %add3A_44 {strides = array<i32>} : memref<8x256xf32, #tpu.memory_space<vmem>>, vector<8x256xf32>,
    %get3A_48 = arith.constant 0 : index
    %get3A_49 = arith.constant 0 : index
    %get3A_50 = vector.load %arg10[%get3A_48, %get3A_49] : memref<8x256xf32, #tpu.memory_space<vmem>>, vector<8x256xf32>
    %broadcast_in_dim3A_51 = vector.shape_cast %broadcast_in_dim3A_38 : vector<1x256xf32> to vector<1x256xf32>
    %broadcast_in_dim3A_52 = vector.broadcast %broadcast_in_dim3A_51 : vector<1x256xf32> to vector<8x256xf32>
    %add3A_53 = arith.addf %get3A_50, %broadcast_in_dim3A_52 : vector<8x256xf32>
    %swap3A_54 = arith.constant 0 : index
    %swap3A_55 = arith.constant 0 : index
    %swap3A_56 = vector.load %arg10[%swap3A_54, %swap3A_55] : memref<8x256xf32, #tpu.memory_space<vmem>>, vector<8x256xf32>
    tpu.vector_store %arg10[%swap3A_54, %swap3A_55], %add3A_53 {strides = array<i32>} : memref<8x256xf32, #tpu.memory_space<vmem>>, vector<8x256xf32>,
    return
  }
  func.func @transform_0(%arg0: i32) -> (i32, i32) {
    %c0_i32 = arith.constant 0 : i32
    %c0_i32_0 = arith.constant 0 : i32
    return %arg0, %c0_i32 : i32, i32
  }
  func.func @transform_1(%arg0: i32) -> (i32, i32) {
    %c0_i32 = arith.constant 0 : i32
    %c0_i32_0 = arith.constant 0 : i32
    %c0_i32_1 = arith.constant 0 : i32
    return %c0_i32, %c0_i32_0 : i32, i32
  }
  func.func @transform_2(%arg0: i32) -> (i32, i32) {
    %c0_i32 = arith.constant 0 : i32
    %c0_i32_0 = arith.constant 0 : i32
    %c0_i32_1 = arith.constant 0 : i32
    return %c0_i32, %c0_i32_0 : i32, i32
  }
  func.func @transform_3(%arg0: i32) -> (i32, i32) {
    %c0_i32 = arith.constant 0 : i32
    %c0_i32_0 = arith.constant 0 : i32
    %c0_i32_1 = arith.constant 0 : i32
    return %c0_i32, %c0_i32_0 : i32, i32
  }
  func.func @transform_4(%arg0: i32) -> (i32, i32) {
    %c0_i32 = arith.constant 0 : i32
    %c0_i32_0 = arith.constant 0 : i32
    %c0_i32_1 = arith.constant 0 : i32
    return %c0_i32, %c0_i32_0 : i32, i32
  }
  func.func @transform_5(%arg0: i32) -> (i32, i32) {
    %c0_i32 = arith.constant 0 : i32
    %c0_i32_0 = arith.constant 0 : i32
    %c0_i32_1 = arith.constant 0 : i32
    return %c0_i32, %c0_i32_0 : i32, i32
  }
  func.func @transform_6(%arg0: i32) -> (i32, i32) {
    %c0_i32 = arith.constant 0 : i32
    %c0_i32_0 = arith.constant 0 : i32
    %c0_i32_1 = arith.constant 0 : i32
    return %c0_i32, %c0_i32_0 : i32, i32
  }
  func.func @transform_7(%arg0: i32) -> (i32, i32) {
    %c0_i32 = arith.constant 0 : i32
    %c0_i32_0 = arith.constant 0 : i32
    return %arg0, %c0_i32 : i32, i32
  }
  func.func @transform_8(%arg0: i32) -> (i32, i32) {
    %c0_i32 = arith.constant 0 : i32
    %c0_i32_0 = arith.constant 0 : i32
    %c0_i32_1 = arith.constant 0 : i32
    return %c0_i32, %c0_i32_0 : i32, i32
  }
  func.func @transform_9(%arg0: i32) -> (i32, i32) {
    %c0_i32 = arith.constant 0 : i32
    %c0_i32_0 = arith.constant 0 : i32
    %c0_i32_1 = arith.constant 0 : i32
    return %c0_i32, %c0_i32_0 : i32, i32
  }
}

module attributes {stable_mosaic.version = 14 : i64} {
  func.func @_pool_kernel(%arg0: i32, %arg1: memref<128x32x128xf32, #tpu.memory_space<vmem>>, %arg2: memref<1x128xf32, #tpu.memory_space<vmem>>, %arg3: memref<1x128xf32, #tpu.memory_space<vmem>>, %arg4: memref<1x128xf32, #tpu.memory_space<vmem>>, %arg5: memref<1x128xf32, #tpu.memory_space<vmem>>, %arg6: memref<128x128xf32, #tpu.memory_space<vmem>>) attributes {dimension_semantics = [#tpu.dimension_semantics<arbitrary>], iteration_bounds = array<i64: 8>, scalar_prefetch = 0 : i64, scratch_operands = 0 : i64, tpu.core_type = #tpu.core_type<tc>, window_params = [{transform_indices = @transform_0, window_bounds = array<i64: 128, 32, 128>}, {pipeline_mode = #tpu.pipeline_mode<synchronous>, transform_indices = @transform_1, window_bounds = array<i64: 1, 128>}, {pipeline_mode = #tpu.pipeline_mode<synchronous>, transform_indices = @transform_2, window_bounds = array<i64: 1, 128>}, {pipeline_mode = #tpu.pipeline_mode<synchronous>, transform_indices = @transform_3, window_bounds = array<i64: 1, 128>}, {pipeline_mode = #tpu.pipeline_mode<synchronous>, transform_indices = @transform_4, window_bounds = array<i64: 1, 128>}, {transform_indices = @transform_5, window_bounds = array<i64: 128, 128>}]} {
    %get3A = arith.constant 0 : index
    %get3A_0 = arith.constant 0 : index
    %get3A_1 = arith.constant 0 : index
    %get3A_2 = vector.load %arg1[%get3A, %get3A_0, %get3A_1] : memref<128x32x128xf32, #tpu.memory_space<vmem>>, vector<128x32x128xf32>
    %get3A_3 = arith.constant 0 : index
    %get3A_4 = arith.constant 0 : index
    %get3A_5 = vector.load %arg2[%get3A_3, %get3A_4] : memref<1x128xf32, #tpu.memory_space<vmem>>, vector<1x128xf32>
    %broadcast_in_dim3A = vector.shape_cast %get3A_5 : vector<1x128xf32> to vector<1x1x128xf32>
    %sub3A = vector.broadcast %broadcast_in_dim3A : vector<1x1x128xf32> to vector<128x32x128xf32>
    %sub3A_6 = arith.subf %get3A_2, %sub3A : vector<128x32x128xf32>
    %get3A_7 = arith.constant 0 : index
    %get3A_8 = arith.constant 0 : index
    %get3A_9 = vector.load %arg3[%get3A_7, %get3A_8] : memref<1x128xf32, #tpu.memory_space<vmem>>, vector<1x128xf32>
    %broadcast_in_dim3A_10 = vector.shape_cast %get3A_9 : vector<1x128xf32> to vector<1x1x128xf32>
    %mul3A = vector.broadcast %broadcast_in_dim3A_10 : vector<1x1x128xf32> to vector<128x32x128xf32>
    %mul3A_11 = arith.mulf %sub3A_6, %mul3A : vector<128x32x128xf32>
    %get3A_12 = arith.constant 0 : index
    %get3A_13 = arith.constant 0 : index
    %get3A_14 = vector.load %arg4[%get3A_12, %get3A_13] : memref<1x128xf32, #tpu.memory_space<vmem>>, vector<1x128xf32>
    %broadcast_in_dim3A_15 = vector.shape_cast %get3A_14 : vector<1x128xf32> to vector<1x1x128xf32>
    %mul3A_16 = vector.broadcast %broadcast_in_dim3A_15 : vector<1x1x128xf32> to vector<128x32x128xf32>
    %mul3A_17 = arith.mulf %mul3A_11, %mul3A_16 : vector<128x32x128xf32>
    %get3A_18 = arith.constant 0 : index
    %get3A_19 = arith.constant 0 : index
    %get3A_20 = vector.load %arg5[%get3A_18, %get3A_19] : memref<1x128xf32, #tpu.memory_space<vmem>>, vector<1x128xf32>
    %broadcast_in_dim3A_21 = vector.shape_cast %get3A_20 : vector<1x128xf32> to vector<1x1x128xf32>
    %add3A = vector.broadcast %broadcast_in_dim3A_21 : vector<1x1x128xf32> to vector<128x32x128xf32>
    %add3A_22 = arith.addf %mul3A_17, %add3A : vector<128x32x128xf32>
    %max3A = arith.constant 0.000000e+00 : f32
    %max3A_23 = vector.broadcast %max3A : f32 to vector<128x32x128xf32>
    %max3A_24 = arith.maximumf %add3A_22, %max3A_23 : vector<128x32x128xf32>
    %reduce_max3A = arith.constant dense<0xFF800000> : vector<128x128xf32>
    %reduce_max3A_25 = vector.multi_reduction <maximumf>, %max3A_24, %reduce_max3A [1] : vector<128x32x128xf32> to vector<128x128xf32>
    %swap3A = arith.constant 0 : index
    %swap3A_26 = arith.constant 0 : index
    %swap3A_27 = vector.load %arg6[%swap3A, %swap3A_26] : memref<128x128xf32, #tpu.memory_space<vmem>>, vector<128x128xf32>
    tpu.vector_store %arg6[%swap3A, %swap3A_26], %reduce_max3A_25 {strides = array<i32>} : memref<128x128xf32, #tpu.memory_space<vmem>>, vector<128x128xf32>,
    return
  }
  func.func @transform_0(%arg0: i32) -> (i32, i32, i32) {
    %c0_i32 = arith.constant 0 : i32
    %c0_i32_0 = arith.constant 0 : i32
    %c0_i32_1 = arith.constant 0 : i32
    return %arg0, %c0_i32, %c0_i32_0 : i32, i32, i32
  }
  func.func @transform_1(%arg0: i32) -> (i32, i32) {
    %c0_i32 = arith.constant 0 : i32
    %c0_i32_0 = arith.constant 0 : i32
    %c0_i32_1 = arith.constant 0 : i32
    return %c0_i32, %c0_i32_0 : i32, i32
  }
  func.func @transform_2(%arg0: i32) -> (i32, i32) {
    %c0_i32 = arith.constant 0 : i32
    %c0_i32_0 = arith.constant 0 : i32
    %c0_i32_1 = arith.constant 0 : i32
    return %c0_i32, %c0_i32_0 : i32, i32
  }
  func.func @transform_3(%arg0: i32) -> (i32, i32) {
    %c0_i32 = arith.constant 0 : i32
    %c0_i32_0 = arith.constant 0 : i32
    %c0_i32_1 = arith.constant 0 : i32
    return %c0_i32, %c0_i32_0 : i32, i32
  }
  func.func @transform_4(%arg0: i32) -> (i32, i32) {
    %c0_i32 = arith.constant 0 : i32
    %c0_i32_0 = arith.constant 0 : i32
    %c0_i32_1 = arith.constant 0 : i32
    return %c0_i32, %c0_i32_0 : i32, i32
  }
  func.func @transform_5(%arg0: i32) -> (i32, i32) {
    %c0_i32 = arith.constant 0 : i32
    %c0_i32_0 = arith.constant 0 : i32
    return %arg0, %c0_i32 : i32, i32
  }
}

module attributes {stable_mosaic.version = 14 : i64} {
  func.func @_pool_kernel(%arg0: i32, %arg1: memref<64x64x256xf32, #tpu.memory_space<vmem>>, %arg2: memref<1x256xf32, #tpu.memory_space<vmem>>, %arg3: memref<1x256xf32, #tpu.memory_space<vmem>>, %arg4: memref<1x256xf32, #tpu.memory_space<vmem>>, %arg5: memref<1x256xf32, #tpu.memory_space<vmem>>, %arg6: memref<64x256xf32, #tpu.memory_space<vmem>>) attributes {dimension_semantics = [#tpu.dimension_semantics<arbitrary>], iteration_bounds = array<i64: 16>, scalar_prefetch = 0 : i64, scratch_operands = 0 : i64, tpu.core_type = #tpu.core_type<tc>, window_params = [{transform_indices = @transform_0, window_bounds = array<i64: 64, 64, 256>}, {pipeline_mode = #tpu.pipeline_mode<synchronous>, transform_indices = @transform_1, window_bounds = array<i64: 1, 256>}, {pipeline_mode = #tpu.pipeline_mode<synchronous>, transform_indices = @transform_2, window_bounds = array<i64: 1, 256>}, {pipeline_mode = #tpu.pipeline_mode<synchronous>, transform_indices = @transform_3, window_bounds = array<i64: 1, 256>}, {pipeline_mode = #tpu.pipeline_mode<synchronous>, transform_indices = @transform_4, window_bounds = array<i64: 1, 256>}, {transform_indices = @transform_5, window_bounds = array<i64: 64, 256>}]} {
    %get3A = arith.constant 0 : index
    %get3A_0 = arith.constant 0 : index
    %get3A_1 = arith.constant 0 : index
    %get3A_2 = vector.load %arg1[%get3A, %get3A_0, %get3A_1] : memref<64x64x256xf32, #tpu.memory_space<vmem>>, vector<64x64x256xf32>
    %get3A_3 = arith.constant 0 : index
    %get3A_4 = arith.constant 0 : index
    %get3A_5 = vector.load %arg2[%get3A_3, %get3A_4] : memref<1x256xf32, #tpu.memory_space<vmem>>, vector<1x256xf32>
    %broadcast_in_dim3A = vector.shape_cast %get3A_5 : vector<1x256xf32> to vector<1x1x256xf32>
    %sub3A = vector.broadcast %broadcast_in_dim3A : vector<1x1x256xf32> to vector<64x64x256xf32>
    %sub3A_6 = arith.subf %get3A_2, %sub3A : vector<64x64x256xf32>
    %get3A_7 = arith.constant 0 : index
    %get3A_8 = arith.constant 0 : index
    %get3A_9 = vector.load %arg3[%get3A_7, %get3A_8] : memref<1x256xf32, #tpu.memory_space<vmem>>, vector<1x256xf32>
    %broadcast_in_dim3A_10 = vector.shape_cast %get3A_9 : vector<1x256xf32> to vector<1x1x256xf32>
    %mul3A = vector.broadcast %broadcast_in_dim3A_10 : vector<1x1x256xf32> to vector<64x64x256xf32>
    %mul3A_11 = arith.mulf %sub3A_6, %mul3A : vector<64x64x256xf32>
    %get3A_12 = arith.constant 0 : index
    %get3A_13 = arith.constant 0 : index
    %get3A_14 = vector.load %arg4[%get3A_12, %get3A_13] : memref<1x256xf32, #tpu.memory_space<vmem>>, vector<1x256xf32>
    %broadcast_in_dim3A_15 = vector.shape_cast %get3A_14 : vector<1x256xf32> to vector<1x1x256xf32>
    %mul3A_16 = vector.broadcast %broadcast_in_dim3A_15 : vector<1x1x256xf32> to vector<64x64x256xf32>
    %mul3A_17 = arith.mulf %mul3A_11, %mul3A_16 : vector<64x64x256xf32>
    %get3A_18 = arith.constant 0 : index
    %get3A_19 = arith.constant 0 : index
    %get3A_20 = vector.load %arg5[%get3A_18, %get3A_19] : memref<1x256xf32, #tpu.memory_space<vmem>>, vector<1x256xf32>
    %broadcast_in_dim3A_21 = vector.shape_cast %get3A_20 : vector<1x256xf32> to vector<1x1x256xf32>
    %add3A = vector.broadcast %broadcast_in_dim3A_21 : vector<1x1x256xf32> to vector<64x64x256xf32>
    %add3A_22 = arith.addf %mul3A_17, %add3A : vector<64x64x256xf32>
    %max3A = arith.constant 0.000000e+00 : f32
    %max3A_23 = vector.broadcast %max3A : f32 to vector<64x64x256xf32>
    %max3A_24 = arith.maximumf %add3A_22, %max3A_23 : vector<64x64x256xf32>
    %reduce_max3A = arith.constant dense<0xFF800000> : vector<64x256xf32>
    %reduce_max3A_25 = vector.multi_reduction <maximumf>, %max3A_24, %reduce_max3A [1] : vector<64x64x256xf32> to vector<64x256xf32>
    %swap3A = arith.constant 0 : index
    %swap3A_26 = arith.constant 0 : index
    %swap3A_27 = vector.load %arg6[%swap3A, %swap3A_26] : memref<64x256xf32, #tpu.memory_space<vmem>>, vector<64x256xf32>
    tpu.vector_store %arg6[%swap3A, %swap3A_26], %reduce_max3A_25 {strides = array<i32>} : memref<64x256xf32, #tpu.memory_space<vmem>>, vector<64x256xf32>,
    return
  }
  func.func @transform_0(%arg0: i32) -> (i32, i32, i32) {
    %c0_i32 = arith.constant 0 : i32
    %c0_i32_0 = arith.constant 0 : i32
    %c0_i32_1 = arith.constant 0 : i32
    return %arg0, %c0_i32, %c0_i32_0 : i32, i32, i32
  }
  func.func @transform_1(%arg0: i32) -> (i32, i32) {
    %c0_i32 = arith.constant 0 : i32
    %c0_i32_0 = arith.constant 0 : i32
    %c0_i32_1 = arith.constant 0 : i32
    return %c0_i32, %c0_i32_0 : i32, i32
  }
  func.func @transform_2(%arg0: i32) -> (i32, i32) {
    %c0_i32 = arith.constant 0 : i32
    %c0_i32_0 = arith.constant 0 : i32
    %c0_i32_1 = arith.constant 0 : i32
    return %c0_i32, %c0_i32_0 : i32, i32
  }
  func.func @transform_3(%arg0: i32) -> (i32, i32) {
    %c0_i32 = arith.constant 0 : i32
    %c0_i32_0 = arith.constant 0 : i32
    %c0_i32_1 = arith.constant 0 : i32
    return %c0_i32, %c0_i32_0 : i32, i32
  }
  func.func @transform_4(%arg0: i32) -> (i32, i32) {
    %c0_i32 = arith.constant 0 : i32
    %c0_i32_0 = arith.constant 0 : i32
    %c0_i32_1 = arith.constant 0 : i32
    return %c0_i32, %c0_i32_0 : i32, i32
  }
  func.func @transform_5(%arg0: i32) -> (i32, i32) {
    %c0_i32 = arith.constant 0 : i32
    %c0_i32_0 = arith.constant 0 : i32
    return %arg0, %c0_i32 : i32, i32
  }
}

module attributes {stable_mosaic.version = 14 : i64} {
  func.func @_pool_kernel(%arg0: i32, %arg1: memref<32x128x256xf32, #tpu.memory_space<vmem>>, %arg2: memref<1x256xf32, #tpu.memory_space<vmem>>, %arg3: memref<1x256xf32, #tpu.memory_space<vmem>>, %arg4: memref<1x256xf32, #tpu.memory_space<vmem>>, %arg5: memref<1x256xf32, #tpu.memory_space<vmem>>, %arg6: memref<32x256xf32, #tpu.memory_space<vmem>>) attributes {dimension_semantics = [#tpu.dimension_semantics<arbitrary>], iteration_bounds = array<i64: 32>, scalar_prefetch = 0 : i64, scratch_operands = 0 : i64, tpu.core_type = #tpu.core_type<tc>, window_params = [{transform_indices = @transform_0, window_bounds = array<i64: 32, 128, 256>}, {pipeline_mode = #tpu.pipeline_mode<synchronous>, transform_indices = @transform_1, window_bounds = array<i64: 1, 256>}, {pipeline_mode = #tpu.pipeline_mode<synchronous>, transform_indices = @transform_2, window_bounds = array<i64: 1, 256>}, {pipeline_mode = #tpu.pipeline_mode<synchronous>, transform_indices = @transform_3, window_bounds = array<i64: 1, 256>}, {pipeline_mode = #tpu.pipeline_mode<synchronous>, transform_indices = @transform_4, window_bounds = array<i64: 1, 256>}, {transform_indices = @transform_5, window_bounds = array<i64: 32, 256>}]} {
    %get3A = arith.constant 0 : index
    %get3A_0 = arith.constant 0 : index
    %get3A_1 = arith.constant 0 : index
    %get3A_2 = vector.load %arg1[%get3A, %get3A_0, %get3A_1] : memref<32x128x256xf32, #tpu.memory_space<vmem>>, vector<32x128x256xf32>
    %get3A_3 = arith.constant 0 : index
    %get3A_4 = arith.constant 0 : index
    %get3A_5 = vector.load %arg2[%get3A_3, %get3A_4] : memref<1x256xf32, #tpu.memory_space<vmem>>, vector<1x256xf32>
    %broadcast_in_dim3A = vector.shape_cast %get3A_5 : vector<1x256xf32> to vector<1x1x256xf32>
    %sub3A = vector.broadcast %broadcast_in_dim3A : vector<1x1x256xf32> to vector<32x128x256xf32>
    %sub3A_6 = arith.subf %get3A_2, %sub3A : vector<32x128x256xf32>
    %get3A_7 = arith.constant 0 : index
    %get3A_8 = arith.constant 0 : index
    %get3A_9 = vector.load %arg3[%get3A_7, %get3A_8] : memref<1x256xf32, #tpu.memory_space<vmem>>, vector<1x256xf32>
    %broadcast_in_dim3A_10 = vector.shape_cast %get3A_9 : vector<1x256xf32> to vector<1x1x256xf32>
    %mul3A = vector.broadcast %broadcast_in_dim3A_10 : vector<1x1x256xf32> to vector<32x128x256xf32>
    %mul3A_11 = arith.mulf %sub3A_6, %mul3A : vector<32x128x256xf32>
    %get3A_12 = arith.constant 0 : index
    %get3A_13 = arith.constant 0 : index
    %get3A_14 = vector.load %arg4[%get3A_12, %get3A_13] : memref<1x256xf32, #tpu.memory_space<vmem>>, vector<1x256xf32>
    %broadcast_in_dim3A_15 = vector.shape_cast %get3A_14 : vector<1x256xf32> to vector<1x1x256xf32>
    %mul3A_16 = vector.broadcast %broadcast_in_dim3A_15 : vector<1x1x256xf32> to vector<32x128x256xf32>
    %mul3A_17 = arith.mulf %mul3A_11, %mul3A_16 : vector<32x128x256xf32>
    %get3A_18 = arith.constant 0 : index
    %get3A_19 = arith.constant 0 : index
    %get3A_20 = vector.load %arg5[%get3A_18, %get3A_19] : memref<1x256xf32, #tpu.memory_space<vmem>>, vector<1x256xf32>
    %broadcast_in_dim3A_21 = vector.shape_cast %get3A_20 : vector<1x256xf32> to vector<1x1x256xf32>
    %add3A = vector.broadcast %broadcast_in_dim3A_21 : vector<1x1x256xf32> to vector<32x128x256xf32>
    %add3A_22 = arith.addf %mul3A_17, %add3A : vector<32x128x256xf32>
    %max3A = arith.constant 0.000000e+00 : f32
    %max3A_23 = vector.broadcast %max3A : f32 to vector<32x128x256xf32>
    %max3A_24 = arith.maximumf %add3A_22, %max3A_23 : vector<32x128x256xf32>
    %reduce_max3A = arith.constant dense<0xFF800000> : vector<32x256xf32>
    %reduce_max3A_25 = vector.multi_reduction <maximumf>, %max3A_24, %reduce_max3A [1] : vector<32x128x256xf32> to vector<32x256xf32>
    %swap3A = arith.constant 0 : index
    %swap3A_26 = arith.constant 0 : index
    %swap3A_27 = vector.load %arg6[%swap3A, %swap3A_26] : memref<32x256xf32, #tpu.memory_space<vmem>>, vector<32x256xf32>
    tpu.vector_store %arg6[%swap3A, %swap3A_26], %reduce_max3A_25 {strides = array<i32>} : memref<32x256xf32, #tpu.memory_space<vmem>>, vector<32x256xf32>,
    return
  }
  func.func @transform_0(%arg0: i32) -> (i32, i32, i32) {
    %c0_i32 = arith.constant 0 : i32
    %c0_i32_0 = arith.constant 0 : i32
    %c0_i32_1 = arith.constant 0 : i32
    return %arg0, %c0_i32, %c0_i32_0 : i32, i32, i32
  }
  func.func @transform_1(%arg0: i32) -> (i32, i32) {
    %c0_i32 = arith.constant 0 : i32
    %c0_i32_0 = arith.constant 0 : i32
    %c0_i32_1 = arith.constant 0 : i32
    return %c0_i32, %c0_i32_0 : i32, i32
  }
  func.func @transform_2(%arg0: i32) -> (i32, i32) {
    %c0_i32 = arith.constant 0 : i32
    %c0_i32_0 = arith.constant 0 : i32
    %c0_i32_1 = arith.constant 0 : i32
    return %c0_i32, %c0_i32_0 : i32, i32
  }
  func.func @transform_3(%arg0: i32) -> (i32, i32) {
    %c0_i32 = arith.constant 0 : i32
    %c0_i32_0 = arith.constant 0 : i32
    %c0_i32_1 = arith.constant 0 : i32
    return %c0_i32, %c0_i32_0 : i32, i32
  }
  func.func @transform_4(%arg0: i32) -> (i32, i32) {
    %c0_i32 = arith.constant 0 : i32
    %c0_i32_0 = arith.constant 0 : i32
    %c0_i32_1 = arith.constant 0 : i32
    return %c0_i32, %c0_i32_0 : i32, i32
  }
  func.func @transform_5(%arg0: i32) -> (i32, i32) {
    %c0_i32 = arith.constant 0 : i32
    %c0_i32_0 = arith.constant 0 : i32
    return %arg0, %c0_i32 : i32, i32
  }
}

module attributes {stable_mosaic.version = 14 : i64} {
  func.func @_mm_kernel(%arg0: i32, %arg1: memref<1024x643xf32, #tpu.memory_space<vmem>>, %arg2: memref<643x256xf32, #tpu.memory_space<vmem>>, %arg3: memref<1x256xf32, #tpu.memory_space<vmem>>, %arg4: memref<1x643xf32, #tpu.memory_space<vmem>>, %arg5: memref<1x643xf32, #tpu.memory_space<vmem>>, %arg6: memref<1x643xf32, #tpu.memory_space<vmem>>, %arg7: memref<1x643xf32, #tpu.memory_space<vmem>>, %arg8: memref<1024x256xf32, #tpu.memory_space<vmem>>, %arg9: memref<8x256xf32, #tpu.memory_space<vmem>>, %arg10: memref<8x256xf32, #tpu.memory_space<vmem>>) attributes {dimension_semantics = [#tpu.dimension_semantics<arbitrary>], iteration_bounds = array<i64: 1>, scalar_prefetch = 0 : i64, scratch_operands = 0 : i64, tpu.core_type = #tpu.core_type<tc>, window_params = [{transform_indices = @transform_0, window_bounds = array<i64: 1024, 643>}, {pipeline_mode = #tpu.pipeline_mode<synchronous>, transform_indices = @transform_1, window_bounds = array<i64: 643, 256>}, {pipeline_mode = #tpu.pipeline_mode<synchronous>, transform_indices = @transform_2, window_bounds = array<i64: 1, 256>}, {pipeline_mode = #tpu.pipeline_mode<synchronous>, transform_indices = @transform_3, window_bounds = array<i64: 1, 643>}, {pipeline_mode = #tpu.pipeline_mode<synchronous>, transform_indices = @transform_4, window_bounds = array<i64: 1, 643>}, {pipeline_mode = #tpu.pipeline_mode<synchronous>, transform_indices = @transform_5, window_bounds = array<i64: 1, 643>}, {pipeline_mode = #tpu.pipeline_mode<synchronous>, transform_indices = @transform_6, window_bounds = array<i64: 1, 643>}, {transform_indices = @transform_7, window_bounds = array<i64: 1024, 256>}, {pipeline_mode = #tpu.pipeline_mode<synchronous>, transform_indices = @transform_8, window_bounds = array<i64: 8, 256>}, {pipeline_mode = #tpu.pipeline_mode<synchronous>, transform_indices = @transform_9, window_bounds = array<i64: 8, 256>}]} {
    %get3A = arith.constant 0 : index
    %get3A_0 = arith.constant 0 : index
    %get3A_1 = vector.load %arg1[%get3A, %get3A_0] : memref<1024x643xf32, #tpu.memory_space<vmem>>, vector<1024x643xf32>
    %get3A_2 = arith.constant 0 : index
    %get3A_3 = arith.constant 0 : index
    %get3A_4 = vector.load %arg2[%get3A_2, %get3A_3] : memref<643x256xf32, #tpu.memory_space<vmem>>, vector<643x256xf32>
    %dot_general3A = arith.constant dense<0.000000e+00> : vector<1024x256xf32>
    %dot_general3A_5 = tpu.matmul %get3A_1, %get3A_4, %dot_general3A {dimension_numbers = #tpu.dot_dimension_numbers<[1], [0], [0], [1], [0, 0, 1, 1], [], []>, transpose_lhs_hint = false} : vector<1024x643xf32>, vector<643x256xf32>, vector<1024x256xf32> -> vector<1024x256xf32>
    %get3A_6 = arith.constant 0 : index
    %get3A_7 = arith.constant 0 : index
    %get3A_8 = vector.load %arg3[%get3A_6, %get3A_7] : memref<1x256xf32, #tpu.memory_space<vmem>>, vector<1x256xf32>
    %add3A = vector.broadcast %get3A_8 : vector<1x256xf32> to vector<1024x256xf32>
    %add3A_9 = arith.addf %dot_general3A_5, %add3A : vector<1024x256xf32>
    %swap3A = arith.constant 0 : index
    %swap3A_10 = arith.constant 0 : index
    %swap3A_11 = vector.load %arg8[%swap3A, %swap3A_10] : memref<1024x256xf32, #tpu.memory_space<vmem>>, vector<1024x256xf32>
    tpu.vector_store %arg8[%swap3A, %swap3A_10], %add3A_9 {strides = array<i32>} : memref<1024x256xf32, #tpu.memory_space<vmem>>, vector<1024x256xf32>,
    %eq3A = arith.constant 0 : i32
    %eq3A_12 = arith.cmpi eq, %arg0, %eq3A : i32
    %convert_element_type3A = arith.extui %eq3A_12 : i1 to i32
    %cond3A = arith.constant 0 : i32
    %cond3A_13 = arith.cmpi ne, %convert_element_type3A, %cond3A : i32
    scf.if %cond3A_13 {
      %broadcast_in_dim3A_36 = arith.constant 0.000000e+00 : f32
      %broadcast_in_dim3A_37 = vector.broadcast %broadcast_in_dim3A_36 : f32 to vector<8x256xf32>
      %swap3A_38 = arith.constant 0 : index
      %swap3A_39 = arith.constant 0 : index
      %swap3A_40 = vector.load %arg9[%swap3A_38, %swap3A_39] : memref<8x256xf32, #tpu.memory_space<vmem>>, vector<8x256xf32>
      tpu.vector_store %arg9[%swap3A_38, %swap3A_39], %broadcast_in_dim3A_37 {strides = array<i32>} : memref<8x256xf32, #tpu.memory_space<vmem>>, vector<8x256xf32>,
      %broadcast_in_dim3A_41 = arith.constant 0.000000e+00 : f32
      %broadcast_in_dim3A_42 = vector.broadcast %broadcast_in_dim3A_41 : f32 to vector<8x256xf32>
      %swap3A_43 = arith.constant 0 : index
      %swap3A_44 = arith.constant 0 : index
      %swap3A_45 = vector.load %arg10[%swap3A_43, %swap3A_44] : memref<8x256xf32, #tpu.memory_space<vmem>>, vector<8x256xf32>
      tpu.vector_store %arg10[%swap3A_43, %swap3A_44], %broadcast_in_dim3A_42 {strides = array<i32>} : memref<8x256xf32, #tpu.memory_space<vmem>>, vector<8x256xf32>,
    } else {
    }
    %reduce_sum3A = arith.constant dense<0.000000e+00> : vector<256xf32>
    %reduce_sum3A_14 = vector.multi_reduction <add>, %add3A_9, %reduce_sum3A [0] : vector<1024x256xf32> to vector<256xf32>
    %broadcast_in_dim3A = vector.shape_cast %reduce_sum3A_14 : vector<256xf32> to vector<1x256xf32>
    %mul3A = arith.mulf %add3A_9, %add3A_9 : vector<1024x256xf32>
    %reduce_sum3A_15 = arith.constant dense<0.000000e+00> : vector<256xf32>
    %reduce_sum3A_16 = vector.multi_reduction <add>, %mul3A, %reduce_sum3A_15 [0] : vector<1024x256xf32> to vector<256xf32>
    %broadcast_in_dim3A_17 = vector.shape_cast %reduce_sum3A_16 : vector<256xf32> to vector<1x256xf32>
    %get3A_18 = arith.constant 0 : index
    %get3A_19 = arith.constant 0 : index
    %get3A_20 = vector.load %arg9[%get3A_18, %get3A_19] : memref<8x256xf32, #tpu.memory_space<vmem>>, vector<8x256xf32>
    %broadcast_in_dim3A_21 = vector.shape_cast %broadcast_in_dim3A : vector<1x256xf32> to vector<1x256xf32>
    %broadcast_in_dim3A_22 = vector.broadcast %broadcast_in_dim3A_21 : vector<1x256xf32> to vector<8x256xf32>
    %add3A_23 = arith.addf %get3A_20, %broadcast_in_dim3A_22 : vector<8x256xf32>
    %swap3A_24 = arith.constant 0 : index
    %swap3A_25 = arith.constant 0 : index
    %swap3A_26 = vector.load %arg9[%swap3A_24, %swap3A_25] : memref<8x256xf32, #tpu.memory_space<vmem>>, vector<8x256xf32>
    tpu.vector_store %arg9[%swap3A_24, %swap3A_25], %add3A_23 {strides = array<i32>} : memref<8x256xf32, #tpu.memory_space<vmem>>, vector<8x256xf32>,
    %get3A_27 = arith.constant 0 : index
    %get3A_28 = arith.constant 0 : index
    %get3A_29 = vector.load %arg10[%get3A_27, %get3A_28] : memref<8x256xf32, #tpu.memory_space<vmem>>, vector<8x256xf32>
    %broadcast_in_dim3A_30 = vector.shape_cast %broadcast_in_dim3A_17 : vector<1x256xf32> to vector<1x256xf32>
    %broadcast_in_dim3A_31 = vector.broadcast %broadcast_in_dim3A_30 : vector<1x256xf32> to vector<8x256xf32>
    %add3A_32 = arith.addf %get3A_29, %broadcast_in_dim3A_31 : vector<8x256xf32>
    %swap3A_33 = arith.constant 0 : index
    %swap3A_34 = arith.constant 0 : index
    %swap3A_35 = vector.load %arg10[%swap3A_33, %swap3A_34] : memref<8x256xf32, #tpu.memory_space<vmem>>, vector<8x256xf32>
    tpu.vector_store %arg10[%swap3A_33, %swap3A_34], %add3A_32 {strides = array<i32>} : memref<8x256xf32, #tpu.memory_space<vmem>>, vector<8x256xf32>,
    return
  }
  func.func @transform_0(%arg0: i32) -> (i32, i32) {
    %c0_i32 = arith.constant 0 : i32
    %c0_i32_0 = arith.constant 0 : i32
    return %arg0, %c0_i32 : i32, i32
  }
  func.func @transform_1(%arg0: i32) -> (i32, i32) {
    %c0_i32 = arith.constant 0 : i32
    %c0_i32_0 = arith.constant 0 : i32
    %c0_i32_1 = arith.constant 0 : i32
    return %c0_i32, %c0_i32_0 : i32, i32
  }
  func.func @transform_2(%arg0: i32) -> (i32, i32) {
    %c0_i32 = arith.constant 0 : i32
    %c0_i32_0 = arith.constant 0 : i32
    %c0_i32_1 = arith.constant 0 : i32
    return %c0_i32, %c0_i32_0 : i32, i32
  }
  func.func @transform_3(%arg0: i32) -> (i32, i32) {
    %c0_i32 = arith.constant 0 : i32
    %c0_i32_0 = arith.constant 0 : i32
    %c0_i32_1 = arith.constant 0 : i32
    return %c0_i32, %c0_i32_0 : i32, i32
  }
  func.func @transform_4(%arg0: i32) -> (i32, i32) {
    %c0_i32 = arith.constant 0 : i32
    %c0_i32_0 = arith.constant 0 : i32
    %c0_i32_1 = arith.constant 0 : i32
    return %c0_i32, %c0_i32_0 : i32, i32
  }
  func.func @transform_5(%arg0: i32) -> (i32, i32) {
    %c0_i32 = arith.constant 0 : i32
    %c0_i32_0 = arith.constant 0 : i32
    %c0_i32_1 = arith.constant 0 : i32
    return %c0_i32, %c0_i32_0 : i32, i32
  }
  func.func @transform_6(%arg0: i32) -> (i32, i32) {
    %c0_i32 = arith.constant 0 : i32
    %c0_i32_0 = arith.constant 0 : i32
    %c0_i32_1 = arith.constant 0 : i32
    return %c0_i32, %c0_i32_0 : i32, i32
  }
  func.func @transform_7(%arg0: i32) -> (i32, i32) {
    %c0_i32 = arith.constant 0 : i32
    %c0_i32_0 = arith.constant 0 : i32
    return %arg0, %c0_i32 : i32, i32
  }
  func.func @transform_8(%arg0: i32) -> (i32, i32) {
    %c0_i32 = arith.constant 0 : i32
    %c0_i32_0 = arith.constant 0 : i32
    %c0_i32_1 = arith.constant 0 : i32
    return %c0_i32, %c0_i32_0 : i32, i32
  }
  func.func @transform_9(%arg0: i32) -> (i32, i32) {
    %c0_i32 = arith.constant 0 : i32
    %c0_i32_0 = arith.constant 0 : i32
    %c0_i32_1 = arith.constant 0 : i32
    return %c0_i32, %c0_i32_0 : i32, i32
  }
}

module attributes {stable_mosaic.version = 14 : i64} {
  func.func @_mm_kernel(%arg0: i32, %arg1: memref<1024x256xf32, #tpu.memory_space<vmem>>, %arg2: memref<256x512xf32, #tpu.memory_space<vmem>>, %arg3: memref<1x512xf32, #tpu.memory_space<vmem>>, %arg4: memref<1x256xf32, #tpu.memory_space<vmem>>, %arg5: memref<1x256xf32, #tpu.memory_space<vmem>>, %arg6: memref<1x256xf32, #tpu.memory_space<vmem>>, %arg7: memref<1x256xf32, #tpu.memory_space<vmem>>, %arg8: memref<1024x512xf32, #tpu.memory_space<vmem>>, %arg9: memref<8x512xf32, #tpu.memory_space<vmem>>, %arg10: memref<8x512xf32, #tpu.memory_space<vmem>>) attributes {dimension_semantics = [#tpu.dimension_semantics<arbitrary>], iteration_bounds = array<i64: 1>, scalar_prefetch = 0 : i64, scratch_operands = 0 : i64, tpu.core_type = #tpu.core_type<tc>, window_params = [{transform_indices = @transform_0, window_bounds = array<i64: 1024, 256>}, {pipeline_mode = #tpu.pipeline_mode<synchronous>, transform_indices = @transform_1, window_bounds = array<i64: 256, 512>}, {pipeline_mode = #tpu.pipeline_mode<synchronous>, transform_indices = @transform_2, window_bounds = array<i64: 1, 512>}, {pipeline_mode = #tpu.pipeline_mode<synchronous>, transform_indices = @transform_3, window_bounds = array<i64: 1, 256>}, {pipeline_mode = #tpu.pipeline_mode<synchronous>, transform_indices = @transform_4, window_bounds = array<i64: 1, 256>}, {pipeline_mode = #tpu.pipeline_mode<synchronous>, transform_indices = @transform_5, window_bounds = array<i64: 1, 256>}, {pipeline_mode = #tpu.pipeline_mode<synchronous>, transform_indices = @transform_6, window_bounds = array<i64: 1, 256>}, {transform_indices = @transform_7, window_bounds = array<i64: 1024, 512>}, {pipeline_mode = #tpu.pipeline_mode<synchronous>, transform_indices = @transform_8, window_bounds = array<i64: 8, 512>}, {pipeline_mode = #tpu.pipeline_mode<synchronous>, transform_indices = @transform_9, window_bounds = array<i64: 8, 512>}]} {
    %get3A = arith.constant 0 : index
    %get3A_0 = arith.constant 0 : index
    %get3A_1 = vector.load %arg1[%get3A, %get3A_0] : memref<1024x256xf32, #tpu.memory_space<vmem>>, vector<1024x256xf32>
    %get3A_2 = arith.constant 0 : index
    %get3A_3 = arith.constant 0 : index
    %get3A_4 = vector.load %arg4[%get3A_2, %get3A_3] : memref<1x256xf32, #tpu.memory_space<vmem>>, vector<1x256xf32>
    %sub3A = vector.broadcast %get3A_4 : vector<1x256xf32> to vector<1024x256xf32>
    %sub3A_5 = arith.subf %get3A_1, %sub3A : vector<1024x256xf32>
    %get3A_6 = arith.constant 0 : index
    %get3A_7 = arith.constant 0 : index
    %get3A_8 = vector.load %arg5[%get3A_6, %get3A_7] : memref<1x256xf32, #tpu.memory_space<vmem>>, vector<1x256xf32>
    %mul3A = vector.broadcast %get3A_8 : vector<1x256xf32> to vector<1024x256xf32>
    %mul3A_9 = arith.mulf %sub3A_5, %mul3A : vector<1024x256xf32>
    %get3A_10 = arith.constant 0 : index
    %get3A_11 = arith.constant 0 : index
    %get3A_12 = vector.load %arg6[%get3A_10, %get3A_11] : memref<1x256xf32, #tpu.memory_space<vmem>>, vector<1x256xf32>
    %mul3A_13 = vector.broadcast %get3A_12 : vector<1x256xf32> to vector<1024x256xf32>
    %mul3A_14 = arith.mulf %mul3A_9, %mul3A_13 : vector<1024x256xf32>
    %get3A_15 = arith.constant 0 : index
    %get3A_16 = arith.constant 0 : index
    %get3A_17 = vector.load %arg7[%get3A_15, %get3A_16] : memref<1x256xf32, #tpu.memory_space<vmem>>, vector<1x256xf32>
    %add3A = vector.broadcast %get3A_17 : vector<1x256xf32> to vector<1024x256xf32>
    %add3A_18 = arith.addf %mul3A_14, %add3A : vector<1024x256xf32>
    %max3A = arith.constant 0.000000e+00 : f32
    %max3A_19 = vector.broadcast %max3A : f32 to vector<1024x256xf32>
    %max3A_20 = arith.maximumf %add3A_18, %max3A_19 : vector<1024x256xf32>
    %get3A_21 = arith.constant 0 : index
    %get3A_22 = arith.constant 0 : index
    %get3A_23 = vector.load %arg2[%get3A_21, %get3A_22] : memref<256x512xf32, #tpu.memory_space<vmem>>, vector<256x512xf32>
    %dot_general3A = arith.constant dense<0.000000e+00> : vector<1024x512xf32>
    %dot_general3A_24 = tpu.matmul %max3A_20, %get3A_23, %dot_general3A {dimension_numbers = #tpu.dot_dimension_numbers<[1], [0], [0], [1], [0, 0, 1, 1], [], []>, transpose_lhs_hint = false} : vector<1024x256xf32>, vector<256x512xf32>, vector<1024x512xf32> -> vector<1024x512xf32>
    %get3A_25 = arith.constant 0 : index
    %get3A_26 = arith.constant 0 : index
    %get3A_27 = vector.load %arg3[%get3A_25, %get3A_26] : memref<1x512xf32, #tpu.memory_space<vmem>>, vector<1x512xf32>
    %add3A_28 = vector.broadcast %get3A_27 : vector<1x512xf32> to vector<1024x512xf32>
    %add3A_29 = arith.addf %dot_general3A_24, %add3A_28 : vector<1024x512xf32>
    %swap3A = arith.constant 0 : index
    %swap3A_30 = arith.constant 0 : index
    %swap3A_31 = vector.load %arg8[%swap3A, %swap3A_30] : memref<1024x512xf32, #tpu.memory_space<vmem>>, vector<1024x512xf32>
    tpu.vector_store %arg8[%swap3A, %swap3A_30], %add3A_29 {strides = array<i32>} : memref<1024x512xf32, #tpu.memory_space<vmem>>, vector<1024x512xf32>,
    %eq3A = arith.constant 0 : i32
    %eq3A_32 = arith.cmpi eq, %arg0, %eq3A : i32
    %convert_element_type3A = arith.extui %eq3A_32 : i1 to i32
    %cond3A = arith.constant 0 : i32
    %cond3A_33 = arith.cmpi ne, %convert_element_type3A, %cond3A : i32
    scf.if %cond3A_33 {
      %broadcast_in_dim3A_57 = arith.constant 0.000000e+00 : f32
      %broadcast_in_dim3A_58 = vector.broadcast %broadcast_in_dim3A_57 : f32 to vector<8x512xf32>
      %swap3A_59 = arith.constant 0 : index
      %swap3A_60 = arith.constant 0 : index
      %swap3A_61 = vector.load %arg9[%swap3A_59, %swap3A_60] : memref<8x512xf32, #tpu.memory_space<vmem>>, vector<8x512xf32>
      tpu.vector_store %arg9[%swap3A_59, %swap3A_60], %broadcast_in_dim3A_58 {strides = array<i32>} : memref<8x512xf32, #tpu.memory_space<vmem>>, vector<8x512xf32>,
      %broadcast_in_dim3A_62 = arith.constant 0.000000e+00 : f32
      %broadcast_in_dim3A_63 = vector.broadcast %broadcast_in_dim3A_62 : f32 to vector<8x512xf32>
      %swap3A_64 = arith.constant 0 : index
      %swap3A_65 = arith.constant 0 : index
      %swap3A_66 = vector.load %arg10[%swap3A_64, %swap3A_65] : memref<8x512xf32, #tpu.memory_space<vmem>>, vector<8x512xf32>
      tpu.vector_store %arg10[%swap3A_64, %swap3A_65], %broadcast_in_dim3A_63 {strides = array<i32>} : memref<8x512xf32, #tpu.memory_space<vmem>>, vector<8x512xf32>,
    } else {
    }
    %reduce_sum3A = arith.constant dense<0.000000e+00> : vector<512xf32>
    %reduce_sum3A_34 = vector.multi_reduction <add>, %add3A_29, %reduce_sum3A [0] : vector<1024x512xf32> to vector<512xf32>
    %broadcast_in_dim3A = vector.shape_cast %reduce_sum3A_34 : vector<512xf32> to vector<1x512xf32>
    %mul3A_35 = arith.mulf %add3A_29, %add3A_29 : vector<1024x512xf32>
    %reduce_sum3A_36 = arith.constant dense<0.000000e+00> : vector<512xf32>
    %reduce_sum3A_37 = vector.multi_reduction <add>, %mul3A_35, %reduce_sum3A_36 [0] : vector<1024x512xf32> to vector<512xf32>
    %broadcast_in_dim3A_38 = vector.shape_cast %reduce_sum3A_37 : vector<512xf32> to vector<1x512xf32>
    %get3A_39 = arith.constant 0 : index
    %get3A_40 = arith.constant 0 : index
    %get3A_41 = vector.load %arg9[%get3A_39, %get3A_40] : memref<8x512xf32, #tpu.memory_space<vmem>>, vector<8x512xf32>
    %broadcast_in_dim3A_42 = vector.shape_cast %broadcast_in_dim3A : vector<1x512xf32> to vector<1x512xf32>
    %broadcast_in_dim3A_43 = vector.broadcast %broadcast_in_dim3A_42 : vector<1x512xf32> to vector<8x512xf32>
    %add3A_44 = arith.addf %get3A_41, %broadcast_in_dim3A_43 : vector<8x512xf32>
    %swap3A_45 = arith.constant 0 : index
    %swap3A_46 = arith.constant 0 : index
    %swap3A_47 = vector.load %arg9[%swap3A_45, %swap3A_46] : memref<8x512xf32, #tpu.memory_space<vmem>>, vector<8x512xf32>
    tpu.vector_store %arg9[%swap3A_45, %swap3A_46], %add3A_44 {strides = array<i32>} : memref<8x512xf32, #tpu.memory_space<vmem>>, vector<8x512xf32>,
    %get3A_48 = arith.constant 0 : index
    %get3A_49 = arith.constant 0 : index
    %get3A_50 = vector.load %arg10[%get3A_48, %get3A_49] : memref<8x512xf32, #tpu.memory_space<vmem>>, vector<8x512xf32>
    %broadcast_in_dim3A_51 = vector.shape_cast %broadcast_in_dim3A_38 : vector<1x512xf32> to vector<1x512xf32>
    %broadcast_in_dim3A_52 = vector.broadcast %broadcast_in_dim3A_51 : vector<1x512xf32> to vector<8x512xf32>
    %add3A_53 = arith.addf %get3A_50, %broadcast_in_dim3A_52 : vector<8x512xf32>
    %swap3A_54 = arith.constant 0 : index
    %swap3A_55 = arith.constant 0 : index
    %swap3A_56 = vector.load %arg10[%swap3A_54, %swap3A_55] : memref<8x512xf32, #tpu.memory_space<vmem>>, vector<8x512xf32>
    tpu.vector_store %arg10[%swap3A_54, %swap3A_55], %add3A_53 {strides = array<i32>} : memref<8x512xf32, #tpu.memory_space<vmem>>, vector<8x512xf32>,
    return
  }
  func.func @transform_0(%arg0: i32) -> (i32, i32) {
    %c0_i32 = arith.constant 0 : i32
    %c0_i32_0 = arith.constant 0 : i32
    return %arg0, %c0_i32 : i32, i32
  }
  func.func @transform_1(%arg0: i32) -> (i32, i32) {
    %c0_i32 = arith.constant 0 : i32
    %c0_i32_0 = arith.constant 0 : i32
    %c0_i32_1 = arith.constant 0 : i32
    return %c0_i32, %c0_i32_0 : i32, i32
  }
  func.func @transform_2(%arg0: i32) -> (i32, i32) {
    %c0_i32 = arith.constant 0 : i32
    %c0_i32_0 = arith.constant 0 : i32
    %c0_i32_1 = arith.constant 0 : i32
    return %c0_i32, %c0_i32_0 : i32, i32
  }
  func.func @transform_3(%arg0: i32) -> (i32, i32) {
    %c0_i32 = arith.constant 0 : i32
    %c0_i32_0 = arith.constant 0 : i32
    %c0_i32_1 = arith.constant 0 : i32
    return %c0_i32, %c0_i32_0 : i32, i32
  }
  func.func @transform_4(%arg0: i32) -> (i32, i32) {
    %c0_i32 = arith.constant 0 : i32
    %c0_i32_0 = arith.constant 0 : i32
    %c0_i32_1 = arith.constant 0 : i32
    return %c0_i32, %c0_i32_0 : i32, i32
  }
  func.func @transform_5(%arg0: i32) -> (i32, i32) {
    %c0_i32 = arith.constant 0 : i32
    %c0_i32_0 = arith.constant 0 : i32
    %c0_i32_1 = arith.constant 0 : i32
    return %c0_i32, %c0_i32_0 : i32, i32
  }
  func.func @transform_6(%arg0: i32) -> (i32, i32) {
    %c0_i32 = arith.constant 0 : i32
    %c0_i32_0 = arith.constant 0 : i32
    %c0_i32_1 = arith.constant 0 : i32
    return %c0_i32, %c0_i32_0 : i32, i32
  }
  func.func @transform_7(%arg0: i32) -> (i32, i32) {
    %c0_i32 = arith.constant 0 : i32
    %c0_i32_0 = arith.constant 0 : i32
    return %arg0, %c0_i32 : i32, i32
  }
  func.func @transform_8(%arg0: i32) -> (i32, i32) {
    %c0_i32 = arith.constant 0 : i32
    %c0_i32_0 = arith.constant 0 : i32
    %c0_i32_1 = arith.constant 0 : i32
    return %c0_i32, %c0_i32_0 : i32, i32
  }
  func.func @transform_9(%arg0: i32) -> (i32, i32) {
    %c0_i32 = arith.constant 0 : i32
    %c0_i32_0 = arith.constant 0 : i32
    %c0_i32_1 = arith.constant 0 : i32
    return %c0_i32, %c0_i32_0 : i32, i32
  }
}

module attributes {stable_mosaic.version = 14 : i64} {
  func.func @_mm_kernel(%arg0: i32, %arg1: memref<1024x512xf32, #tpu.memory_space<vmem>>, %arg2: memref<512x1024xf32, #tpu.memory_space<vmem>>, %arg3: memref<1x1024xf32, #tpu.memory_space<vmem>>, %arg4: memref<1x512xf32, #tpu.memory_space<vmem>>, %arg5: memref<1x512xf32, #tpu.memory_space<vmem>>, %arg6: memref<1x512xf32, #tpu.memory_space<vmem>>, %arg7: memref<1x512xf32, #tpu.memory_space<vmem>>, %arg8: memref<1024x1024xf32, #tpu.memory_space<vmem>>, %arg9: memref<8x1024xf32, #tpu.memory_space<vmem>>, %arg10: memref<8x1024xf32, #tpu.memory_space<vmem>>) attributes {dimension_semantics = [#tpu.dimension_semantics<arbitrary>], iteration_bounds = array<i64: 1>, scalar_prefetch = 0 : i64, scratch_operands = 0 : i64, tpu.core_type = #tpu.core_type<tc>, window_params = [{transform_indices = @transform_0, window_bounds = array<i64: 1024, 512>}, {pipeline_mode = #tpu.pipeline_mode<synchronous>, transform_indices = @transform_1, window_bounds = array<i64: 512, 1024>}, {pipeline_mode = #tpu.pipeline_mode<synchronous>, transform_indices = @transform_2, window_bounds = array<i64: 1, 1024>}, {pipeline_mode = #tpu.pipeline_mode<synchronous>, transform_indices = @transform_3, window_bounds = array<i64: 1, 512>}, {pipeline_mode = #tpu.pipeline_mode<synchronous>, transform_indices = @transform_4, window_bounds = array<i64: 1, 512>}, {pipeline_mode = #tpu.pipeline_mode<synchronous>, transform_indices = @transform_5, window_bounds = array<i64: 1, 512>}, {pipeline_mode = #tpu.pipeline_mode<synchronous>, transform_indices = @transform_6, window_bounds = array<i64: 1, 512>}, {transform_indices = @transform_7, window_bounds = array<i64: 1024, 1024>}, {pipeline_mode = #tpu.pipeline_mode<synchronous>, transform_indices = @transform_8, window_bounds = array<i64: 8, 1024>}, {pipeline_mode = #tpu.pipeline_mode<synchronous>, transform_indices = @transform_9, window_bounds = array<i64: 8, 1024>}]} {
    %get3A = arith.constant 0 : index
    %get3A_0 = arith.constant 0 : index
    %get3A_1 = vector.load %arg1[%get3A, %get3A_0] : memref<1024x512xf32, #tpu.memory_space<vmem>>, vector<1024x512xf32>
    %get3A_2 = arith.constant 0 : index
    %get3A_3 = arith.constant 0 : index
    %get3A_4 = vector.load %arg4[%get3A_2, %get3A_3] : memref<1x512xf32, #tpu.memory_space<vmem>>, vector<1x512xf32>
    %sub3A = vector.broadcast %get3A_4 : vector<1x512xf32> to vector<1024x512xf32>
    %sub3A_5 = arith.subf %get3A_1, %sub3A : vector<1024x512xf32>
    %get3A_6 = arith.constant 0 : index
    %get3A_7 = arith.constant 0 : index
    %get3A_8 = vector.load %arg5[%get3A_6, %get3A_7] : memref<1x512xf32, #tpu.memory_space<vmem>>, vector<1x512xf32>
    %mul3A = vector.broadcast %get3A_8 : vector<1x512xf32> to vector<1024x512xf32>
    %mul3A_9 = arith.mulf %sub3A_5, %mul3A : vector<1024x512xf32>
    %get3A_10 = arith.constant 0 : index
    %get3A_11 = arith.constant 0 : index
    %get3A_12 = vector.load %arg6[%get3A_10, %get3A_11] : memref<1x512xf32, #tpu.memory_space<vmem>>, vector<1x512xf32>
    %mul3A_13 = vector.broadcast %get3A_12 : vector<1x512xf32> to vector<1024x512xf32>
    %mul3A_14 = arith.mulf %mul3A_9, %mul3A_13 : vector<1024x512xf32>
    %get3A_15 = arith.constant 0 : index
    %get3A_16 = arith.constant 0 : index
    %get3A_17 = vector.load %arg7[%get3A_15, %get3A_16] : memref<1x512xf32, #tpu.memory_space<vmem>>, vector<1x512xf32>
    %add3A = vector.broadcast %get3A_17 : vector<1x512xf32> to vector<1024x512xf32>
    %add3A_18 = arith.addf %mul3A_14, %add3A : vector<1024x512xf32>
    %max3A = arith.constant 0.000000e+00 : f32
    %max3A_19 = vector.broadcast %max3A : f32 to vector<1024x512xf32>
    %max3A_20 = arith.maximumf %add3A_18, %max3A_19 : vector<1024x512xf32>
    %get3A_21 = arith.constant 0 : index
    %get3A_22 = arith.constant 0 : index
    %get3A_23 = vector.load %arg2[%get3A_21, %get3A_22] : memref<512x1024xf32, #tpu.memory_space<vmem>>, vector<512x1024xf32>
    %dot_general3A = arith.constant dense<0.000000e+00> : vector<1024x1024xf32>
    %dot_general3A_24 = tpu.matmul %max3A_20, %get3A_23, %dot_general3A {dimension_numbers = #tpu.dot_dimension_numbers<[1], [0], [0], [1], [0, 0, 1, 1], [], []>, transpose_lhs_hint = false} : vector<1024x512xf32>, vector<512x1024xf32>, vector<1024x1024xf32> -> vector<1024x1024xf32>
    %get3A_25 = arith.constant 0 : index
    %get3A_26 = arith.constant 0 : index
    %get3A_27 = vector.load %arg3[%get3A_25, %get3A_26] : memref<1x1024xf32, #tpu.memory_space<vmem>>, vector<1x1024xf32>
    %add3A_28 = vector.broadcast %get3A_27 : vector<1x1024xf32> to vector<1024x1024xf32>
    %add3A_29 = arith.addf %dot_general3A_24, %add3A_28 : vector<1024x1024xf32>
    %swap3A = arith.constant 0 : index
    %swap3A_30 = arith.constant 0 : index
    %swap3A_31 = vector.load %arg8[%swap3A, %swap3A_30] : memref<1024x1024xf32, #tpu.memory_space<vmem>>, vector<1024x1024xf32>
    tpu.vector_store %arg8[%swap3A, %swap3A_30], %add3A_29 {strides = array<i32>} : memref<1024x1024xf32, #tpu.memory_space<vmem>>, vector<1024x1024xf32>,
    %eq3A = arith.constant 0 : i32
    %eq3A_32 = arith.cmpi eq, %arg0, %eq3A : i32
    %convert_element_type3A = arith.extui %eq3A_32 : i1 to i32
    %cond3A = arith.constant 0 : i32
    %cond3A_33 = arith.cmpi ne, %convert_element_type3A, %cond3A : i32
    scf.if %cond3A_33 {
      %broadcast_in_dim3A_57 = arith.constant 0.000000e+00 : f32
      %broadcast_in_dim3A_58 = vector.broadcast %broadcast_in_dim3A_57 : f32 to vector<8x1024xf32>
      %swap3A_59 = arith.constant 0 : index
      %swap3A_60 = arith.constant 0 : index
      %swap3A_61 = vector.load %arg9[%swap3A_59, %swap3A_60] : memref<8x1024xf32, #tpu.memory_space<vmem>>, vector<8x1024xf32>
      tpu.vector_store %arg9[%swap3A_59, %swap3A_60], %broadcast_in_dim3A_58 {strides = array<i32>} : memref<8x1024xf32, #tpu.memory_space<vmem>>, vector<8x1024xf32>,
      %broadcast_in_dim3A_62 = arith.constant 0.000000e+00 : f32
      %broadcast_in_dim3A_63 = vector.broadcast %broadcast_in_dim3A_62 : f32 to vector<8x1024xf32>
      %swap3A_64 = arith.constant 0 : index
      %swap3A_65 = arith.constant 0 : index
      %swap3A_66 = vector.load %arg10[%swap3A_64, %swap3A_65] : memref<8x1024xf32, #tpu.memory_space<vmem>>, vector<8x1024xf32>
      tpu.vector_store %arg10[%swap3A_64, %swap3A_65], %broadcast_in_dim3A_63 {strides = array<i32>} : memref<8x1024xf32, #tpu.memory_space<vmem>>, vector<8x1024xf32>,
    } else {
    }
    %reduce_sum3A = arith.constant dense<0.000000e+00> : vector<1024xf32>
    %reduce_sum3A_34 = vector.multi_reduction <add>, %add3A_29, %reduce_sum3A [0] : vector<1024x1024xf32> to vector<1024xf32>
    %broadcast_in_dim3A = vector.shape_cast %reduce_sum3A_34 : vector<1024xf32> to vector<1x1024xf32>
    %mul3A_35 = arith.mulf %add3A_29, %add3A_29 : vector<1024x1024xf32>
    %reduce_sum3A_36 = arith.constant dense<0.000000e+00> : vector<1024xf32>
    %reduce_sum3A_37 = vector.multi_reduction <add>, %mul3A_35, %reduce_sum3A_36 [0] : vector<1024x1024xf32> to vector<1024xf32>
    %broadcast_in_dim3A_38 = vector.shape_cast %reduce_sum3A_37 : vector<1024xf32> to vector<1x1024xf32>
    %get3A_39 = arith.constant 0 : index
    %get3A_40 = arith.constant 0 : index
    %get3A_41 = vector.load %arg9[%get3A_39, %get3A_40] : memref<8x1024xf32, #tpu.memory_space<vmem>>, vector<8x1024xf32>
    %broadcast_in_dim3A_42 = vector.shape_cast %broadcast_in_dim3A : vector<1x1024xf32> to vector<1x1024xf32>
    %broadcast_in_dim3A_43 = vector.broadcast %broadcast_in_dim3A_42 : vector<1x1024xf32> to vector<8x1024xf32>
    %add3A_44 = arith.addf %get3A_41, %broadcast_in_dim3A_43 : vector<8x1024xf32>
    %swap3A_45 = arith.constant 0 : index
    %swap3A_46 = arith.constant 0 : index
    %swap3A_47 = vector.load %arg9[%swap3A_45, %swap3A_46] : memref<8x1024xf32, #tpu.memory_space<vmem>>, vector<8x1024xf32>
    tpu.vector_store %arg9[%swap3A_45, %swap3A_46], %add3A_44 {strides = array<i32>} : memref<8x1024xf32, #tpu.memory_space<vmem>>, vector<8x1024xf32>,
    %get3A_48 = arith.constant 0 : index
    %get3A_49 = arith.constant 0 : index
    %get3A_50 = vector.load %arg10[%get3A_48, %get3A_49] : memref<8x1024xf32, #tpu.memory_space<vmem>>, vector<8x1024xf32>
    %broadcast_in_dim3A_51 = vector.shape_cast %broadcast_in_dim3A_38 : vector<1x1024xf32> to vector<1x1024xf32>
    %broadcast_in_dim3A_52 = vector.broadcast %broadcast_in_dim3A_51 : vector<1x1024xf32> to vector<8x1024xf32>
    %add3A_53 = arith.addf %get3A_50, %broadcast_in_dim3A_52 : vector<8x1024xf32>
    %swap3A_54 = arith.constant 0 : index
    %swap3A_55 = arith.constant 0 : index
    %swap3A_56 = vector.load %arg10[%swap3A_54, %swap3A_55] : memref<8x1024xf32, #tpu.memory_space<vmem>>, vector<8x1024xf32>
    tpu.vector_store %arg10[%swap3A_54, %swap3A_55], %add3A_53 {strides = array<i32>} : memref<8x1024xf32, #tpu.memory_space<vmem>>, vector<8x1024xf32>,
    return
  }
  func.func @transform_0(%arg0: i32) -> (i32, i32) {
    %c0_i32 = arith.constant 0 : i32
    %c0_i32_0 = arith.constant 0 : i32
    return %arg0, %c0_i32 : i32, i32
  }
  func.func @transform_1(%arg0: i32) -> (i32, i32) {
    %c0_i32 = arith.constant 0 : i32
    %c0_i32_0 = arith.constant 0 : i32
    %c0_i32_1 = arith.constant 0 : i32
    return %c0_i32, %c0_i32_0 : i32, i32
  }
  func.func @transform_2(%arg0: i32) -> (i32, i32) {
    %c0_i32 = arith.constant 0 : i32
    %c0_i32_0 = arith.constant 0 : i32
    %c0_i32_1 = arith.constant 0 : i32
    return %c0_i32, %c0_i32_0 : i32, i32
  }
  func.func @transform_3(%arg0: i32) -> (i32, i32) {
    %c0_i32 = arith.constant 0 : i32
    %c0_i32_0 = arith.constant 0 : i32
    %c0_i32_1 = arith.constant 0 : i32
    return %c0_i32, %c0_i32_0 : i32, i32
  }
  func.func @transform_4(%arg0: i32) -> (i32, i32) {
    %c0_i32 = arith.constant 0 : i32
    %c0_i32_0 = arith.constant 0 : i32
    %c0_i32_1 = arith.constant 0 : i32
    return %c0_i32, %c0_i32_0 : i32, i32
  }
  func.func @transform_5(%arg0: i32) -> (i32, i32) {
    %c0_i32 = arith.constant 0 : i32
    %c0_i32_0 = arith.constant 0 : i32
    %c0_i32_1 = arith.constant 0 : i32
    return %c0_i32, %c0_i32_0 : i32, i32
  }
  func.func @transform_6(%arg0: i32) -> (i32, i32) {
    %c0_i32 = arith.constant 0 : i32
    %c0_i32_0 = arith.constant 0 : i32
    %c0_i32_1 = arith.constant 0 : i32
    return %c0_i32, %c0_i32_0 : i32, i32
  }
  func.func @transform_7(%arg0: i32) -> (i32, i32) {
    %c0_i32 = arith.constant 0 : i32
    %c0_i32_0 = arith.constant 0 : i32
    return %arg0, %c0_i32 : i32, i32
  }
  func.func @transform_8(%arg0: i32) -> (i32, i32) {
    %c0_i32 = arith.constant 0 : i32
    %c0_i32_0 = arith.constant 0 : i32
    %c0_i32_1 = arith.constant 0 : i32
    return %c0_i32, %c0_i32_0 : i32, i32
  }
  func.func @transform_9(%arg0: i32) -> (i32, i32) {
    %c0_i32 = arith.constant 0 : i32
    %c0_i32_0 = arith.constant 0 : i32
    %c0_i32_1 = arith.constant 0 : i32
    return %c0_i32, %c0_i32_0 : i32, i32
  }
}

module attributes {stable_mosaic.version = 14 : i64} {
  func.func @_pool_kernel(%arg0: i32, %arg1: memref<8x128x1024xf32, #tpu.memory_space<vmem>>, %arg2: memref<1x1024xf32, #tpu.memory_space<vmem>>, %arg3: memref<1x1024xf32, #tpu.memory_space<vmem>>, %arg4: memref<1x1024xf32, #tpu.memory_space<vmem>>, %arg5: memref<1x1024xf32, #tpu.memory_space<vmem>>, %arg6: memref<8x1024xf32, #tpu.memory_space<vmem>>) attributes {dimension_semantics = [#tpu.dimension_semantics<arbitrary>], iteration_bounds = array<i64: 1>, scalar_prefetch = 0 : i64, scratch_operands = 0 : i64, tpu.core_type = #tpu.core_type<tc>, window_params = [{transform_indices = @transform_0, window_bounds = array<i64: 8, 128, 1024>}, {pipeline_mode = #tpu.pipeline_mode<synchronous>, transform_indices = @transform_1, window_bounds = array<i64: 1, 1024>}, {pipeline_mode = #tpu.pipeline_mode<synchronous>, transform_indices = @transform_2, window_bounds = array<i64: 1, 1024>}, {pipeline_mode = #tpu.pipeline_mode<synchronous>, transform_indices = @transform_3, window_bounds = array<i64: 1, 1024>}, {pipeline_mode = #tpu.pipeline_mode<synchronous>, transform_indices = @transform_4, window_bounds = array<i64: 1, 1024>}, {transform_indices = @transform_5, window_bounds = array<i64: 8, 1024>}]} {
    %get3A = arith.constant 0 : index
    %get3A_0 = arith.constant 0 : index
    %get3A_1 = arith.constant 0 : index
    %get3A_2 = vector.load %arg1[%get3A, %get3A_0, %get3A_1] : memref<8x128x1024xf32, #tpu.memory_space<vmem>>, vector<8x128x1024xf32>
    %get3A_3 = arith.constant 0 : index
    %get3A_4 = arith.constant 0 : index
    %get3A_5 = vector.load %arg2[%get3A_3, %get3A_4] : memref<1x1024xf32, #tpu.memory_space<vmem>>, vector<1x1024xf32>
    %broadcast_in_dim3A = vector.shape_cast %get3A_5 : vector<1x1024xf32> to vector<1x1x1024xf32>
    %sub3A = vector.broadcast %broadcast_in_dim3A : vector<1x1x1024xf32> to vector<8x128x1024xf32>
    %sub3A_6 = arith.subf %get3A_2, %sub3A : vector<8x128x1024xf32>
    %get3A_7 = arith.constant 0 : index
    %get3A_8 = arith.constant 0 : index
    %get3A_9 = vector.load %arg3[%get3A_7, %get3A_8] : memref<1x1024xf32, #tpu.memory_space<vmem>>, vector<1x1024xf32>
    %broadcast_in_dim3A_10 = vector.shape_cast %get3A_9 : vector<1x1024xf32> to vector<1x1x1024xf32>
    %mul3A = vector.broadcast %broadcast_in_dim3A_10 : vector<1x1x1024xf32> to vector<8x128x1024xf32>
    %mul3A_11 = arith.mulf %sub3A_6, %mul3A : vector<8x128x1024xf32>
    %get3A_12 = arith.constant 0 : index
    %get3A_13 = arith.constant 0 : index
    %get3A_14 = vector.load %arg4[%get3A_12, %get3A_13] : memref<1x1024xf32, #tpu.memory_space<vmem>>, vector<1x1024xf32>
    %broadcast_in_dim3A_15 = vector.shape_cast %get3A_14 : vector<1x1024xf32> to vector<1x1x1024xf32>
    %mul3A_16 = vector.broadcast %broadcast_in_dim3A_15 : vector<1x1x1024xf32> to vector<8x128x1024xf32>
    %mul3A_17 = arith.mulf %mul3A_11, %mul3A_16 : vector<8x128x1024xf32>
    %get3A_18 = arith.constant 0 : index
    %get3A_19 = arith.constant 0 : index
    %get3A_20 = vector.load %arg5[%get3A_18, %get3A_19] : memref<1x1024xf32, #tpu.memory_space<vmem>>, vector<1x1024xf32>
    %broadcast_in_dim3A_21 = vector.shape_cast %get3A_20 : vector<1x1024xf32> to vector<1x1x1024xf32>
    %add3A = vector.broadcast %broadcast_in_dim3A_21 : vector<1x1x1024xf32> to vector<8x128x1024xf32>
    %add3A_22 = arith.addf %mul3A_17, %add3A : vector<8x128x1024xf32>
    %max3A = arith.constant 0.000000e+00 : f32
    %max3A_23 = vector.broadcast %max3A : f32 to vector<8x128x1024xf32>
    %max3A_24 = arith.maximumf %add3A_22, %max3A_23 : vector<8x128x1024xf32>
    %reduce_max3A = arith.constant dense<0xFF800000> : vector<8x1024xf32>
    %reduce_max3A_25 = vector.multi_reduction <maximumf>, %max3A_24, %reduce_max3A [1] : vector<8x128x1024xf32> to vector<8x1024xf32>
    %swap3A = arith.constant 0 : index
    %swap3A_26 = arith.constant 0 : index
    %swap3A_27 = vector.load %arg6[%swap3A, %swap3A_26] : memref<8x1024xf32, #tpu.memory_space<vmem>>, vector<8x1024xf32>
    tpu.vector_store %arg6[%swap3A, %swap3A_26], %reduce_max3A_25 {strides = array<i32>} : memref<8x1024xf32, #tpu.memory_space<vmem>>, vector<8x1024xf32>,
    return
  }
  func.func @transform_0(%arg0: i32) -> (i32, i32, i32) {
    %c0_i32 = arith.constant 0 : i32
    %c0_i32_0 = arith.constant 0 : i32
    %c0_i32_1 = arith.constant 0 : i32
    return %arg0, %c0_i32, %c0_i32_0 : i32, i32, i32
  }
  func.func @transform_1(%arg0: i32) -> (i32, i32) {
    %c0_i32 = arith.constant 0 : i32
    %c0_i32_0 = arith.constant 0 : i32
    %c0_i32_1 = arith.constant 0 : i32
    return %c0_i32, %c0_i32_0 : i32, i32
  }
  func.func @transform_2(%arg0: i32) -> (i32, i32) {
    %c0_i32 = arith.constant 0 : i32
    %c0_i32_0 = arith.constant 0 : i32
    %c0_i32_1 = arith.constant 0 : i32
    return %c0_i32, %c0_i32_0 : i32, i32
  }
  func.func @transform_3(%arg0: i32) -> (i32, i32) {
    %c0_i32 = arith.constant 0 : i32
    %c0_i32_0 = arith.constant 0 : i32
    %c0_i32_1 = arith.constant 0 : i32
    return %c0_i32, %c0_i32_0 : i32, i32
  }
  func.func @transform_4(%arg0: i32) -> (i32, i32) {
    %c0_i32 = arith.constant 0 : i32
    %c0_i32_0 = arith.constant 0 : i32
    %c0_i32_1 = arith.constant 0 : i32
    return %c0_i32, %c0_i32_0 : i32, i32
  }
  func.func @transform_5(%arg0: i32) -> (i32, i32) {
    %c0_i32 = arith.constant 0 : i32
    %c0_i32_0 = arith.constant 0 : i32
    return %arg0, %c0_i32 : i32, i32
  }
}

module attributes {stable_mosaic.version = 14 : i64} {
  func.func @_fc_kernel(%arg0: i32, %arg1: memref<8x1024xf32, #tpu.memory_space<vmem>>, %arg2: memref<1024x512xf32, #tpu.memory_space<vmem>>, %arg3: memref<1x512xf32, #tpu.memory_space<vmem>>, %arg4: memref<8x512xf32, #tpu.memory_space<vmem>>) attributes {dimension_semantics = [#tpu.dimension_semantics<arbitrary>], iteration_bounds = array<i64: 1>, scalar_prefetch = 0 : i64, scratch_operands = 0 : i64, tpu.core_type = #tpu.core_type<tc>, window_params = [{pipeline_mode = #tpu.pipeline_mode<synchronous>, transform_indices = @transform_0, window_bounds = array<i64: 8, 1024>}, {pipeline_mode = #tpu.pipeline_mode<synchronous>, transform_indices = @transform_1, window_bounds = array<i64: 1024, 512>}, {pipeline_mode = #tpu.pipeline_mode<synchronous>, transform_indices = @transform_2, window_bounds = array<i64: 1, 512>}, {pipeline_mode = #tpu.pipeline_mode<synchronous>, transform_indices = @transform_3, window_bounds = array<i64: 8, 512>}]} {
    %get3A = arith.constant 0 : index
    %get3A_0 = arith.constant 0 : index
    %get3A_1 = vector.load %arg1[%get3A, %get3A_0] : memref<8x1024xf32, #tpu.memory_space<vmem>>, vector<8x1024xf32>
    %get3A_2 = arith.constant 0 : index
    %get3A_3 = arith.constant 0 : index
    %get3A_4 = vector.load %arg2[%get3A_2, %get3A_3] : memref<1024x512xf32, #tpu.memory_space<vmem>>, vector<1024x512xf32>
    %dot_general3A = arith.constant dense<0.000000e+00> : vector<8x512xf32>
    %dot_general3A_5 = tpu.matmul %get3A_1, %get3A_4, %dot_general3A {dimension_numbers = #tpu.dot_dimension_numbers<[1], [0], [0], [1], [0, 0, 1, 1], [], []>, transpose_lhs_hint = false} : vector<8x1024xf32>, vector<1024x512xf32>, vector<8x512xf32> -> vector<8x512xf32>
    %get3A_6 = arith.constant 0 : index
    %get3A_7 = arith.constant 0 : index
    %get3A_8 = vector.load %arg3[%get3A_6, %get3A_7] : memref<1x512xf32, #tpu.memory_space<vmem>>, vector<1x512xf32>
    %add3A = vector.broadcast %get3A_8 : vector<1x512xf32> to vector<8x512xf32>
    %add3A_9 = arith.addf %dot_general3A_5, %add3A : vector<8x512xf32>
    %max3A = arith.constant 0.000000e+00 : f32
    %max3A_10 = vector.broadcast %max3A : f32 to vector<8x512xf32>
    %max3A_11 = arith.maximumf %add3A_9, %max3A_10 : vector<8x512xf32>
    %swap3A = arith.constant 0 : index
    %swap3A_12 = arith.constant 0 : index
    %swap3A_13 = vector.load %arg4[%swap3A, %swap3A_12] : memref<8x512xf32, #tpu.memory_space<vmem>>, vector<8x512xf32>
    tpu.vector_store %arg4[%swap3A, %swap3A_12], %max3A_11 {strides = array<i32>} : memref<8x512xf32, #tpu.memory_space<vmem>>, vector<8x512xf32>,
    return
  }
  func.func @transform_0(%arg0: i32) -> (i32, i32) {
    %c0_i32 = arith.constant 0 : i32
    %c0_i32_0 = arith.constant 0 : i32
    %c0_i32_1 = arith.constant 0 : i32
    return %c0_i32, %c0_i32_0 : i32, i32
  }
  func.func @transform_1(%arg0: i32) -> (i32, i32) {
    %c0_i32 = arith.constant 0 : i32
    %c0_i32_0 = arith.constant 0 : i32
    %c0_i32_1 = arith.constant 0 : i32
    return %c0_i32, %c0_i32_0 : i32, i32
  }
  func.func @transform_2(%arg0: i32) -> (i32, i32) {
    %c0_i32 = arith.constant 0 : i32
    %c0_i32_0 = arith.constant 0 : i32
    %c0_i32_1 = arith.constant 0 : i32
    return %c0_i32, %c0_i32_0 : i32, i32
  }
  func.func @transform_3(%arg0: i32) -> (i32, i32) {
    %c0_i32 = arith.constant 0 : i32
    %c0_i32_0 = arith.constant 0 : i32
    %c0_i32_1 = arith.constant 0 : i32
    return %c0_i32, %c0_i32_0 : i32, i32
  }
}

</mosaic_0001>

<sc_bundles>
// kernel: gather_offload_async_start
scs
__scs_entry_jumppad:
0x0: {  	(pc) =	sbr.rel $0x88, $3  }
0x1: {  	(tag) =	ssettag $0x0;
	lr =	simm.s32 $0x1  }
0x2: {  	[smem:$0x3F49] =	sst lr;
	_ =	strace $0xD0000000  }
0x3: {  	_ = 	snop  }
0x4: {  	_ = 	snop  }
0x5: {  	_ = 	snop  }
0x6: {  	_ = 	snop  }
0x7: {  	_ = 	snop  }
__scs_overlays_trampoline_lowered:
0x8: {  	[smem:$0x3F58] =	sst s0  }
0x9: {  	[smem:$0x3F59] =	sst s1  }
0xa: {  	[smem:$0x3F5A] =	sst s2  }
0xb: {  	[smem:$0x3F5B] =	sst s3  }
0xc: {  	[smem:$0x3F5C] =	sst s4  }
0xd: {  	[smem:$0x3F5D] =	sst s5  }
0xe: {  	[smem:$0x3F5E] =	sst s6  }
0xf: {  	[smem:$0x3F5F] =	sst s7  }
0x10: {  	[smem:$0x3F60] =	sst s8  }
0x11: {  	[smem:$0x3F61] =	sst s9;
	s0 =	simm.s32 @!p0 $0x0  }
0x12: {  	s1 =	sld [smem:$0x3F47];
	s0 =	simm.s32 @p0 $0x1  }
0x13: {  	[smem:$0x3F62] =	sst s0;
	s0 =	simm.s32 @!p1 $0x0  }
0x14: {  	s2 =	sld [smem:$0x3F46];
	s0 =	simm.s32 @p1 $0x1  }
0x15: {  	[smem:$0x3F63] =	sst s0;
	s0 =	simm.s32 @!p2 $0x0  }
0x16: {  	s3 =	sld [smem:$0x3FDB];
	s0 =	simm.s32 @p2 $0x1  }
0x17: {  	s4 =	simm.s32 $0x1BF5;
	[smem:$0x3F65] =	sst s0  }
0x18: {  	s0 =	sld [smem:$0x3F48];
	_ =	swait.ge [sflag:s4], $0x0  }
0x19: {  	s7 =	sld [smem:$0x3F49]  }
0x1a: {  	s8 =	sadd.s32 $0xFFFFE003, lr  }
0x1b: {  	s9 =	sadd.s32 $0xFFFFFEF7, lr;
	s5 =	simm.s32 $0xFFFFFFFF;
	p2 =	slt.u32 s8, $0xFFFFF086  }
0x1c: {  	p1 =	slt.u32 s9, $0xF7A;
	s5 =	simm.s32 @!p2 $0x0  }
0x1d: {  	s5 =	simm.s32 @p1 $0x1;
	p0 =	seq.s32 s7, s2  }
0x1e: {  	s7 =	smul.u32 @!p0 $0xF7A, s2;
	p2 =	seq.s32 @!p0 s5, $0x0  }
0x1f: {  	s9 =	smul.u32 $0xF7A, s1;
	s8 =	simm.s32 @!p0 $0x1BF5;
	p2 =	por !p2, p0  }
0x20: {  	[sflag:s8] =	ssyncset.s32 @!p0 $0xFFFFF086;
	s6 =	sadd.s32 @!p0 s3, s7;
	s7 =	simm.s32 @!p0 $0x108  }
0x21: {  	s3 =	sadd.s32 s3, s9;
	s6 =	sadd.s32 @!p0 $0x88, s6;
	s7 =	simm.s32 @p2 $0x1082  }
0x22: {  	[simem:s7], [sflag:s8] =	dma.local @!p0 [hbm:s6], $0xF7A  }
0x23: {  	s9 =	sor.u32 $0xD0000000, s2;
	s6 =	simm.s32 $0x108;
	_ =	swait.ge @!p0 [sflag:s8], $0x0  }
0x24: {  	s3 =	sadd.s32 $0x88, s3;
	s6 =	simm.s32 @!p1 $0x1082;
	[sflag:s4] =	ssyncset.s32 $0xFFFFF086  }
0x25: {  	[simem:s6], [sflag:s4] =	dma.local [hbm:s3], $0xF7A  }
0x26: {  	[smem:$0x3F49] =	sst s1;
	(tag) =	ssettag s2;
	_ =	strace s9  }
0x27: {  	s1 =	sld [smem:$0x3F59]  }
0x28: {  	s2 =	sld [smem:$0x3F5A]  }
0x29: {  	s4 =	sld [smem:$0x3F5C]  }
0x2a: {  	p0 =	seq.s32 s5, $0x0;
	s5 =	sld [smem:$0x3F5D]  }
0x2b: {  	s6 =	sld [smem:$0x3F5E]  }
0x2c: {  	s7 =	sld [smem:$0x3F5F]  }
0x2d: {  	s3 =	simm.s32 $0x108;
	s8 =	sld [smem:$0x3F60]  }
0x2e: {  	s3 =	simm.s32 @!p0 $0x1082;
	s9 =	sld [smem:$0x3F61]  }
0x2f: {  	lr =	sadd.s32 s0, s3;
	s0 =	sld [smem:$0x3F58]  }
0x30: {  	s3 =	sld [smem:$0x3F5B]  }
0x31: {  	[smem:$0x3F64] =	sst s10  }
0x32: {  	s10 =	sld [smem:$0x3F62];
	_ =	sdelay $0x3  }
0x33: {  	p0 =	seq.s32 s10, $0x1;
	s10 =	sld [smem:$0x3F64];
	_ =	sdelay $0x3  }
0x34: {  	[smem:$0x3F64] =	sst s10  }
0x35: {  	s10 =	sld [smem:$0x3F63];
	_ =	sdelay $0x3  }
0x36: {  	p1 =	seq.s32 s10, $0x1;
	s10 =	sld [smem:$0x3F64];
	_ =	sdelay $0x3  }
0x37: {  	[smem:$0x3F64] =	sst s10  }
0x38: {  	s10 =	sld [smem:$0x3F65]  }
0x39: {  	_ = 	snop;
	(pc) =	sbr.ind lr, $3  }
0x3a: {  	_ = 	snop  }
0x3b: {  	_ = 	snop  }
0x3c: {  	p2 =	seq.s32 s10, $0x1;
	s10 =	sld [smem:$0x3F64]  }
0x3d: {  	_ =	shalt  }
0x3e: {  	_ =	shalt  }
0x3f: {  	_ =	shalt  }
0x40: {  	_ =	shalt  }
0x41: {  	_ =	shalt  }
0x42: {  	_ =	shalt  }
0x43: {  	_ =	shalt  }
0x44: {  	_ =	shalt  }
0x45: {  	_ =	shalt  }
0x46: {  	_ =	shalt  }
0x47: {  	_ =	shalt  }
0x48: {  	_ =	shalt  }
0x49: {  	_ =	shalt  }
0x4a: {  	_ =	shalt  }
0x4b: {  	_ =	shalt  }
0x4c: {  	_ =	shalt  }
0x4d: {  	_ =	shalt  }
0x4e: {  	_ =	shalt  }
0x4f: {  	_ =	shalt  }
0x50: {  	_ =	shalt  }
0x51: {  	_ =	shalt  }
0x52: {  	_ =	shalt  }
0x53: {  	_ =	shalt  }
0x54: {  	_ =	shalt  }
0x55: {  	_ =	shalt  }
0x56: {  	_ =	shalt  }
0x57: {  	_ =	shalt  }
0x58: {  	_ =	shalt  }
0x59: {  	_ =	shalt  }
0x5a: {  	_ =	shalt  }
0x5b: {  	_ =	shalt  }
0x5c: {  	_ =	shalt  }
0x5d: {  	_ =	shalt  }
0x5e: {  	_ =	shalt  }
0x5f: {  	_ =	shalt  }
0x60: {  	_ =	shalt  }
0x61: {  	_ =	shalt  }
0x62: {  	_ =	shalt  }
0x63: {  	_ =	shalt  }
0x64: {  	_ =	shalt  }
0x65: {  	_ =	shalt  }
0x66: {  	_ =	shalt  }
0x67: {  	_ =	shalt  }
0x68: {  	_ =	shalt  }
0x69: {  	_ =	shalt  }
0x6a: {  	_ =	shalt  }
0x6b: {  	_ =	shalt  }
0x6c: {  	_ =	shalt  }
0x6d: {  	_ =	shalt  }
0x6e: {  	_ =	shalt  }
0x6f: {  	_ =	shalt  }
0x70: {  	_ =	shalt  }
0x71: {  	_ =	shalt  }
0x72: {  	_ =	shalt  }
0x73: {  	_ =	shalt  }
0x74: {  	_ =	shalt  }
0x75: {  	_ =	shalt  }
0x76: {  	_ =	shalt  }
0x77: {  	_ =	shalt  }
0x78: {  	_ =	shalt  }
0x79: {  	_ =	shalt  }
0x7a: {  	_ =	shalt  }
0x7b: {  	_ =	shalt  }
0x7c: {  	_ =	shalt  }
0x7d: {  	_ =	shalt  }
0x7e: {  	_ =	shalt  }
0x7f: {  	_ =	shalt  }
0x80: {  	_ =	shalt  }
0x81: {  	_ =	shalt  }
0x82: {  	_ =	shalt  }
0x83: {  	_ =	shalt  }
0x84: {  	_ =	shalt  }
0x85: {  	_ =	shalt  }
0x86: {  	_ =	shalt  }
0x87: {  	_ =	shalt  }
.Lfunc_end0:
.L_simem_size_0:
called_computation_lowered:
.L_overlay_start_0:
0x88: {  	s2 =	sld [smem:$0x3FD9]  }
0x89: {  	s3 =	sld [smem:$0x3FFE];
	_ =	sdelay $0x1  }
0x8a: {  	s1 =	srdreg.scid  }
0x8b: {  	s0 =	sand.u32 $0x1, s1  }
0x8c: {  	s17 =	sshll.u32 s0, $0xA;
	s2 =	sadd.s32 s3, s2  }
0x8d: {  	s2 =	sadd.s32 s2, s17  }
0x8e: {  	[smem:$0x3F70] =	sst s2  }
0x8f: {  	_ = 	snop  }
0x90: {  	s2 =	sld [smem:$0x3FD0];
	(tm) =	ssettm $0x1  }
0x91: {  	s18 =	sld [smem:$0x3FFB];
	_ =	sdelay $0x3  }
0x92: {  	_ =	strace s18  }
0x93: {  	s3 =	sld [smem:$0x3FFC];
	_ =	sdelay $0x3  }
0x94: {  	_ =	strace s3  }
0x95: {  	s3 =	sld [smem:$0x3FFD];
	_ =	sdelay $0x3  }
0x96: {  	_ =	strace s3  }
0x97: {  	_ =	strace $0x8FFFFFFF  }
0x98: {  	s19 =	sld [smem:$0x3FDB];
	_ =	sdelay $0x1  }
0x99: {  	s4 =	simm.s32 $_scs_section_size  }
0x9a: {  	s5 =	simm.s32 $_size__tile_overlayer_lowered;
	s6 =	simm.s32 $_tile_overlayer_lowered  }
0x9b: {  	s22 =	simm.s32 $0x1BFF;
	s21 =	sshll.u32 s6, $0x1;
	s3 =	sadd.s32 s4, s19  }
0x9c: {  	s7 =	simm.s32 $0x0;
	s20 =	sshll.u32 s5, $0x1;
	s5 =	sadd.s32 s21, s3  }
0x9d: {  	[timem:s7], [sflag:s22] =	dma.local [hbm:s5], s20  }
0x9e: {  	_ =	swait.ge [sflag:s22], s20  }
0x9f: {  	s4 =	ssub.s32 $0x0, s20;
	[sflag:s22] =	ssyncset.done $0x0  }
0xa0: {  	[sflag:s22] =	ssyncadd.s32 s4;
	_ =	sdelay $0x1  }
0xa1: {  	s23 =	simm.s32 $0x1B8B  }
0xa2: {  	_ =	swait.ge [sflag:s23], $0x1  }
0xa3: {  	[sflag:s23] =	ssyncset.done $0x0  }
0xa4: {  	s25 =	simm.s32 $0x1B8E;
	s24 =	sld [smem:$0x3FFE];
	[sflag:s23] =	ssyncadd.s32 $0xFFFFFFFF  }
0xa5: {  	s26 =	simm.s32 $execute0_lowered;
	[smem:$0x3FD2] =	sst s25  }
0xa6: {  	s5 =	sshll.u32 s26, $0x1;
	_ =	strace $0x80000046;
	[dreg:$0x1] =	wrdreg $0xFFFFFFFF  }
0xa7: {  	s28 =	simm.s32 $_size_execute0_lowered;
	s3 =	sadd.s32 s3, s5;
	[dreg:$0x0] =	wrdreg $0x0  }
0xa8: {  	s5 =	sshll.u32 s28, $0x1;
	[dreg:$0x2] =	wrdreg s3  }
0xa9: {  	[dreg:$0x3] =	wrdreg s5  }
0xaa: {  	[dreg:$0x4] =	wrdreg $0xC0  }
0xab: {  	_ =	task [dreg:s7], $0x5FFFF  }
0xac: {  	[dreg:$0x1] =	wrdreg $0xFFFFFFFF  }
0xad: {  	[dreg:$0x0] =	wrdreg $0x60  }
0xae: {  	[dreg:$0x2] =	wrdreg s24  }
0xaf: {  	[dreg:$0x3] =	wrdreg s2  }
0xb0: {  	[dreg:$0x4] =	wrdreg $0x9  }
0xb1: {  	_ =	task.clear_ibuf [dreg:s7], $0x5FFFF;
	_ =	strace $0x90000046  }
0xb2: {  	s29 =	simm.s32 $0x9;
	_ =	strace $0x80000048  }
0xb3: {  	_ =	swait.ge [sflag:s29], $0x1  }
0xb4: {  	[sflag:s29] =	ssyncadd.s32 $0xFFFFFFFF  }
0xb5: {  	_ =	strace $0x90000048  }
0xb6: {  	_ =	sfence  }
0xb7: {  	s30 =	sld [smem:$0x0];
	_ =	sdelay $0x2  }
0xb8: {  	s31 =	sshll.u32 s1, $0xD;
	s1 =	sshrl.u32 s1, $0x2  }
0xb9: {  	s3 =	sand.u32 $0x4000, s31;
	s1 =	sadd.s32 s1, s30  }
0xba: {  	s0 =	sor.u32 s3, s0;
	s1 =	sshll.u32 s1, $0x11  }
0xbb: {  	s0 =	sor.u32 s1, s0  }
0xbc: {  	s0 =	sadd.s32 $0x8F2B, s0  }
0xbd: {  	[sflag:s0] =	ssyncadd.remote.s32 $0x1  }
0xbe: {  	_ =	sfence.sel $0xFFFF  }
0xbf: {  	[dreg:$0x0] =	wrdreg $0xFFFFFFFF;
	(pc) =	sbr.abs _section_cstart, $3  }
0xc0: {  	[dreg:$0x1] =	wrdreg $0xFFFFFFFF  }
0xc1: {  	_ =	task.clear_ibuf [dreg:s7], $0x2FFFF;
	_ =	strace $0x9FFFFFFF  }
0xc2: {  	(tm) =	ssettm $0x7FFFFFFF  }
0xc3: {  	_ =	shalt  }
tec
execute0_lowered:
.L_overlay_start_1:
0x0: {  	(tag) =	ssettag $0x1  }
0x1: {  	s7 =	rddreg [dreg:$0x0]  }
0x2: {  	s2 =	rddreg [dreg:$0x1]  }
0x3: {  	s0 =	rddreg [dreg:$0x2]  }
0x4: {  	s1 =	srdreg.scid;
	_ =	strace $0x80000047;
	s4 =	simm.s32 $0x1  }
0x5: {  	s9 =	simm.s32 $0x3;
	s12 =	simm.s32 $0x0;
	s5 =	sshll.u32 s1, $0x4  }
.Ltmp0:
0x6: {  	s1 =	stileid.u32;
	s5 =	sand.u32 $0x10, s5;
	(pc) =	sbr.rel .LBB2_1-.Ltmp0, $4  }
0x7: {  	s10 =	simm.s32 $0x0;
	s3 =	sadd.s32 $0x12800, s7;
	s6 =	sor.u32 s1, s5  }
0x8: {  	[sflag:s4] =	ssyncpa.u1 $0x0;
	s5 =	simm.s32 $0x2;
	s6 =	sshll.u32 s6, $0x7  }
0x9: {  	s7 =	sadd.s32 $0x32800, s7;
	[sflag:s5] =	ssyncpa.u1 $0x0;
	s8 =	sadd.s32 $0x80, s6  }
0xa: {  	vm0 =	vmmov $0xff;
	vm1 =	vcmask $0x3F20;
	[sflag:s9] =	ssyncpa.u1 $0x0;
	s9 =	simm.s32 $0x80;
	s11 =	smov.u32 s6  }
.LBB2_9:
0xb: {  	p0 =	seq.s32 s10, $0x2  }
.Ltmp1:
0xc: {  	_ = 	snop;
	(pc) =	sbr.rel @p0 .LBB2_11-.Ltmp1, $1  }
0xd: {  	_ =	sdelay $0x3  }
.LBB2_10:
0xe: {  	s12 =	sadd.s32 $0x80, s11  }
0xf: {  	s13 =	smov.u32 s6;
	p0 =	slt.s32 s12, s8  }
0x10: {  	s13 =	smov.u32 @p0 s12  }
0x11: {  	s10 =	sadd.s32 $0x1, s10;
	s12 =	smov.u32 s11;
	s11 =	smov.u32 s13  }
.LBB2_1:
0x12: {  	p0 =	sne.s32 s10, $0x0  }
.Ltmp2:
0x13: {  	_ = 	snop;
	(pc) =	sbr.rel @!p0 .LBB2_2-.Ltmp2, $1  }
0x14: {  	_ =	sdelay $0x3  }
0x15: {  	s13 =	sand.u32 $0x1, s10  }
0x16: {  	p0 =	seq.s32 s13, $0x0  }
.Ltmp3:
0x17: {  	_ = 	snop;
	(pc) =	sbr.rel @p0 .LBB2_9-.Ltmp3, $1  }
0x18: {  	_ =	sdelay $0x3  }
0x19: {  	_ =	swait.ge [sflag:s5], $0x80  }
0x1a: {  	[sflag:s5] =	ssyncset.done $0x0  }
0x1b: {  	s13 =	simm.s32 $0x0;
	[sflag:s5] =	ssyncadd.s32 $0xFFFFFF80  }
0x1c: {  	v0 =	vld.msk [tilespmem:s13+$0x80 ss:$0x1], $0xffff;
	_ =	sdelay $0x4  }
0x1d: {  	v1 =	vshll.u32 v0, $0x4  }
0x1e: {  	vm2 =	veq.s32 v0, $0x80000000;
	v0 =	vshll.u32 v0, $0x11;
	v1 =	vand.u32 $0x1FF80, v1  }
0x1f: {  	v0 =	vand.u32 $0xE0000, v0;
	v1 =	vsel vm2, $0xFFFFFF80, v1  }
0x20: {  	v0 =	vsel vm2, $0xFFFE0000, v0;
	v2 =	vand.u32 $0xFFFFFC00, v1  }
0x21: {  	v1 =	vand.u32 $0x380, v1;
	v0 =	vadd.s32 v0, v2  }
0x22: {  	v0 =	vor.u32 v1, v0  }
0x23: {  	v0 =	vshrl.u32 v0, $0x3;
	_ =	sdelay $0x3  }
0x24: {  	s13 =	simm.s32 $0x4100  }
0x25: {  	[tilespmem:s13], [sflag:$0x1] =	stream.indirect_vreg.gather [hbm:s3], $0x80, v0, vm0, $0x38;
	[tilespmem:$0x8100] =	vst v63  }
0x26: {  	s14 =	simm.s32 $0x4500;
	s31 =	simm.s32 $0x10  }
0x27: {  	[tilespmem:s14], [sflag:$0x1] =	stream.indirect_vreg.gather [hbm:s3], $0x80, v0, vm1, $0x38;
	[tilespmem:$0x8100] =	vst v63  }
0x28: {  	s14 =	simm.s32 $0x80;
	v0 =	vld.msk [tilespmem:s31+$0x80 ss:$0x1], $0xffff  }
.LBB2_5:
0x29: {  	p0 =	sne.s32 s14, $0x1C0;
	_ =	sdelay $0x4  }
0x2a: {  	v1 =	vshll.u32 v0, $0x4  }
0x2b: {  	vm2 =	veq.s32 v0, $0x80000000;
	v0 =	vshll.u32 v0, $0x11;
	v1 =	vand.u32 $0x1FF80, v1  }
0x2c: {  	v0 =	vand.u32 $0xE0000, v0;
	v1 =	vsel vm2, $0xFFFFFF80, v1  }
0x2d: {  	v0 =	vsel vm2, $0xFFFE0000, v0;
	v2 =	vand.u32 $0xFFFFFC00, v1  }
0x2e: {  	v1 =	vand.u32 $0x380, v1;
	v0 =	vadd.s32 v0, v2  }
0x2f: {  	v0 =	vor.u32 v1, v0  }
0x30: {  	v0 =	vshrl.u32 v0, $0x3;
	_ =	sdelay $0x3  }
.Ltmp4:
0x31: {  	s13 =	sadd.s32 $0x800, s13;
	(pc) =	sbr.rel @p0 .LBB2_5-.Ltmp4, $4  }
0x32: {  	[tilespmem:s13], [sflag:$0x1] =	stream.indirect_vreg.gather [hbm:s3], $0x80, v0, vm0, $0x38;
	[tilespmem:$0x8100] =	vst v63  }
0x33: {  	s15 =	sshra.s32 s14, $0x2;
	s16 =	sadd.s32 $0x400, s13  }
0x34: {  	[tilespmem:s16], [sflag:$0x1] =	stream.indirect_vreg.gather [hbm:s3], $0x80, v0, vm1, $0x38;
	[tilespmem:$0x8100] =	vst v63  }
0x35: {  	s14 =	sadd.s32 $0x40, s14;
	v0 =	vld.msk [tilespmem:s15+$0x80 ss:$0x1], $0xffff  }
0x36: {  	_ =	sdelay $0x3  }
0x37: {  	v1 =	vshll.u32 v0, $0x4  }
0x38: {  	vm2 =	veq.s32 v0, $0x80000000;
	v63 =	vshll.u32 v0, $0x11;
	v1 =	vand.u32 $0x1FF80, v1  }
0x39: {  	v0 =	vand.u32 $0xE0000, v63;
	v1 =	vsel vm2, $0xFFFFFF80, v1  }
0x3a: {  	v0 =	vsel vm2, $0xFFFE0000, v0;
	v2 =	vand.u32 $0xFFFFFC00, v1  }
0x3b: {  	v1 =	vand.u32 $0x380, v1;
	v0 =	vadd.s32 v0, v2  }
0x3c: {  	v0 =	vor.u32 v1, v0  }
0x3d: {  	v0 =	vshrl.u32 v0, $0x3;
	_ =	sdelay $0x3  }
0x3e: {  	s13 =	sadd.s32 $0x800, s13  }
0x3f: {  	[tilespmem:s13], [sflag:$0x1] =	stream.indirect_vreg.gather [hbm:s3], $0x80, v0, vm0, $0x38;
	[tilespmem:$0x8100] =	vst v63  }
0x40: {  	s13 =	sadd.s32 $0x400, s13  }
0x41: {  	[tilespmem:s13], [sflag:$0x1] =	stream.indirect_vreg.gather [hbm:s3], $0x80, v0, vm1, $0x38;
	[tilespmem:$0x8100] =	vst v63  }
0x42: {  	s12 =	sshll.u32 s12, $0x4;
	s14 =	simm.s32 $0x80;
	_ =	swait.ge [sflag:s4], $0x4000  }
0x43: {  	s15 =	simm.s32 $0x4500;
	s12 =	sadd.s32 s12, s7;
	[sflag:s4] =	ssyncset.done $0x0  }
0x44: {  	s16 =	sadd.s32 $0x0, s12;
	s13 =	simm.s32 $0x4100;
	[sflag:s4] =	ssyncadd.s32 $0xFFFFC000  }
.LBB2_7:
0x45: {  	[hbm:s16] =	stream.linear.scatter [tilespmem:s13], [sflag:$0x3], $0x400, $0x38;
	[tilespmem:$0x8100] =	vst v63  }
0x46: {  	s16 =	smov.u32 s14;
	s13 =	smov.u32 s15;
	p0 =	sne.s32 s14, $0x780  }
.Ltmp5:
0x47: {  	s14 =	sadd.s32 $0x80, s14;
	(pc) =	sbr.rel @p0 .LBB2_7-.Ltmp5, $2  }
0x48: {  	_ =	sdelay $0x2  }
0x49: {  	s15 =	sadd.s32 $0x400, s15;
	s16 =	sadd.s32 s16, s12  }
.Ltmp6:
0x4a: {  	(pc) =	sbr.rel .LBB2_9-.Ltmp6, $2  }
0x4b: {  	_ =	sdelay $0x2  }
0x4c: {  	[hbm:s16] =	stream.linear.scatter [tilespmem:s13], [sflag:$0x3], $0x400, $0x38;
	[tilespmem:$0x8100] =	vst v63  }
.LBB2_2:
.Ltmp7:
0x4d: {  	(pc) =	sbr.rel .LBB2_10-.Ltmp7, $4  }
0x4e: {  	_ = 	snop  }
0x4f: {  	s12 =	sshrl.u32 s11, $0x3  }
0x50: {  	s13 =	sand.u32 $0x7, s11;
	s12 =	sadd.s32 s2, s12  }
0x51: {  	[tilespmem:s9], [sflag:$0x2] =	stream.linear.gather [hbm4b:s12+s13], $0x80, $0x38;
	[tilespmem:$0x8100] =	vst v63  }
.LBB2_11:
0x52: {  	s2 =	simm.s32 $0x3  }
0x53: {  	_ =	swait.ge [sflag:s2], $0x4000  }
0x54: {  	[sflag:s2] =	ssyncset.done $0x0  }
0x55: {  	[sflag:s2] =	ssyncadd.s32 $0xFFFFC000  }
0x56: {  	_ =	sfence.sel $0x180000  }
0x57: {  	s3 =	simm.s32 $0x2;
	[bflag:$0x0] =	sbarrier.arrive $0xFFFF  }
0x58: {  	[sflag:s3] =	ssyncpa.u1 $0x1  }
0x59: {  	s31 =	simm.s32 $0x1;
	[sflag:s2] =	ssyncpa.u1 $0x1  }
0x5a: {  	[sflag:s31] =	ssyncpa.u1 $0x1  }
0x5b: {  	p0 =	sne.s32 s1, $0x0;
	_ =	strace $0x90000047  }
0x5c: {  	s0 =	sadd.s32 @!p0 $0x100000, s0;
	[bflag:$0x2] =	sbarrier.arrive $0xFFFF  }
0x5d: {  	[sflag:s0] =	ssyncadd.tile.s32 @!p0 $0x1;
	_ =	shalt  }
.Lfunc_end2:
_tile_overlayer_lowered:
.L_overlay_start_2:
0x5e: {  	(tag) =	ssettag $0x2  }
0x5f: {  	s0 =	rddreg [dreg:$0x0];
	s2 =	stileid.u32  }
0x60: {  	s1 =	rddreg [dreg:$0x1];
	p0 =	sne.s32 s2, $0x0  }
0x61: {  	s3 =	rddreg [dreg:$0x2];
	[bflag:$0x3] =	sbarrier.arrive $0xFFFF;
	s2 =	simm.s32 @!p0 $0x1C01  }
0x62: {  	[timem:s3], [sflag:s2] =	dma.local @!p0 [hbm:s0], s1  }
0x63: {  	s0 =	simm.s32 @!p0 $0x1  }
0x64: {  	_ =	swait.ge @!p0 [sflag:s0], s1  }
0x65: {  	s1 =	ssub.s32 @!p0 $0x0, s1;
	[sflag:s0] =	ssyncset.done @!p0 $0x0  }
0x66: {  	[sflag:s0] =	ssyncadd.s32 @!p0 s1  }
0x67: {  	[bflag:$0x3] =	sbarrier.arrive $0xFFFF  }
0x68: {  	_ =	shalt  }

</sc_bundles>
